<compile_context>
chip_gen: v7x
topology: tpu7x:2x2x1
jax: 0.10.2.dev20260603
libtpu: 0.0.44.dev20260713+nightly
codegen_flags: <defaults>
</compile_context>

<pallas_src>
import functools

import jax
import jax.numpy as jnp
from jax import lax
from jax.experimental import pallas as pl
from jax.experimental.pallas import tpu as pltpu
from jax.experimental.pallas import tpu_sc as plsc

NUM_CORES = 2
NUM_SUBCORES = 16
NW = NUM_CORES * NUM_SUBCORES
K = 128
G = 16


def _row_chunks(rows_per_tile):
    chunks = []
    off = 0
    while off < rows_per_tile:
        sz = min(K, rows_per_tile - off)
        chunks.append((off, sz))
        off += sz
    return chunks


def _sc_aggregate(x, src4, dst4, n_pad, groups):
    n, d = x.shape
    rows_per_tile = n_pad // NUM_SUBCORES
    row_chunks = _row_chunks(rows_per_tile)
    z_rows = jnp.zeros((K, d), jnp.float32)
    o_rows = jnp.ones((K, K), jnp.float32)
    mesh = plsc.VectorSubcoreMesh(core_axis_name="c", subcore_axis_name="s")

    @functools.partial(
        pl.kernel,
        out_type=(
            jax.ShapeDtypeStruct((NUM_CORES, n_pad, d), jnp.float32),
            jax.ShapeDtypeStruct((NUM_CORES, n_pad, K), jnp.float32),
        ),
        mesh=mesh,
        scratch_types=[
            pltpu.VMEM((G, K), jnp.int32),
            pltpu.VMEM((G, K), jnp.int32),
            pltpu.VMEM((K, d), jnp.float32),
            pltpu.VMEM((K, d), jnp.float32),
            pltpu.VMEM_SHARED((n_pad, d), jnp.float32),
            pltpu.SemaphoreType.DMA,
            pltpu.SemaphoreType.DMA,
        ],
    )
    def sc_kernel(x_hbm, src_hbm, dst_hbm, zr_hbm, on_hbm,
                  acc_out, cnt_out,
                  src_v, dst_v, rows0_v, rows1_v, acc_sh, sem0, sem1):
        c = lax.axis_index("c")
        s = lax.axis_index("s")
        wid = s * NUM_CORES + c
        row0 = s * rows_per_tile
        bufs = (rows0_v, rows1_v)
        sems = (sem0, sem1)

        pltpu.sync_copy(zr_hbm, rows0_v)
        for off, sz in row_chunks:
            pltpu.sync_copy(rows0_v.at[pl.ds(0, sz)],
                            acc_sh.at[pl.ds(row0 + off, sz)])
        plsc.subcore_barrier()

        @pl.loop(0, groups)
        def _(g):
            pltpu.sync_copy(src_hbm.at[wid, g], src_v)
            pltpu.sync_copy(dst_hbm.at[wid, g], dst_v)
            pltpu.async_copy(x_hbm.at[src_v.at[0]], bufs[0], sems[0])
            for jj in range(G):
                if jj + 1 < G:
                    pltpu.async_copy(x_hbm.at[src_v.at[jj + 1]],
                                     bufs[(jj + 1) % 2], sems[(jj + 1) % 2])
                pltpu.make_async_copy(
                    x_hbm.at[src_v.at[jj]], bufs[jj % 2], sems[jj % 2]).wait()
                pltpu.sync_copy(bufs[jj % 2],
                                acc_sh.at[dst_v.at[jj]], add=True)

        plsc.subcore_barrier()

        for off, sz in row_chunks:
            pltpu.sync_copy(acc_sh.at[pl.ds(row0 + off, sz)],
                            rows0_v.at[pl.ds(0, sz)])
            pltpu.sync_copy(rows0_v.at[pl.ds(0, sz)],
                            acc_out.at[c, pl.ds(row0 + off, sz)])
        pltpu.sync_copy(zr_hbm, rows0_v)
        for off, sz in row_chunks:
            pltpu.sync_copy(rows0_v.at[pl.ds(0, sz)],
                            acc_sh.at[pl.ds(row0 + off, sz)])
        pltpu.sync_copy(on_hbm, rows1_v)
        plsc.subcore_barrier()

        @pl.loop(0, groups)
        def _(g):
            pltpu.sync_copy(dst_hbm.at[wid, g], dst_v)
            for jj in range(G):
                pltpu.async_copy(rows1_v, acc_sh.at[dst_v.at[jj]],
                                 sem0, add=True)
            for jj in range(G):
                pltpu.make_async_copy(rows1_v, acc_sh.at[dst_v.at[jj]],
                                      sem0).wait()

        plsc.subcore_barrier()

        for off, sz in row_chunks:
            pltpu.sync_copy(acc_sh.at[pl.ds(row0 + off, sz)],
                            rows0_v.at[pl.ds(0, sz)])
            pltpu.sync_copy(rows0_v.at[pl.ds(0, sz)],
                            cnt_out.at[c, pl.ds(row0 + off, sz)])

    return sc_kernel(x, src4, dst4, z_rows, o_rows)


def _tc_finish_body(acc_ref, cnt_ref, x_ref, wlT_ref, wrT_ref, b_ref,
                    g_ref, be_ref, o_ref):
    summed = acc_ref[0] + acc_ref[1]
    cnt = cnt_ref[0][:, 0:1] + cnt_ref[1][:, 0:1]
    mean = summed / jnp.clip(cnt, 1.0, None)
    out = (jnp.dot(mean, wlT_ref[...], preferred_element_type=jnp.float32)
           + jnp.dot(x_ref[...], wrT_ref[...], preferred_element_type=jnp.float32)
           + b_ref[...])
    mu = jnp.mean(out, axis=-1, keepdims=True)
    var = jnp.mean((out - mu) ** 2, axis=-1, keepdims=True)
    out = (out - mu) / jnp.sqrt(var + 1e-5) * g_ref[...] + be_ref[...]
    o_ref[...] = jnp.maximum(out, 0.0)


def _tc_finish(acc, cnt, x, W_l, b_l, W_r, gamma, beta):
    n, d = x.shape
    blk = 2000
    grid = n // blk
    return pl.pallas_call(
        _tc_finish_body,
        grid=(grid,),
        in_specs=[
            pl.BlockSpec((NUM_CORES, blk, d), lambda i: (0, i, 0)),
            pl.BlockSpec((NUM_CORES, blk, K), lambda i: (0, i, 0)),
            pl.BlockSpec((blk, d), lambda i: (i, 0)),
            pl.BlockSpec((d, d), lambda i: (0, 0)),
            pl.BlockSpec((d, d), lambda i: (0, 0)),
            pl.BlockSpec((1, d), lambda i: (0, 0)),
            pl.BlockSpec((1, d), lambda i: (0, 0)),
            pl.BlockSpec((1, d), lambda i: (0, 0)),
        ],
        out_specs=pl.BlockSpec((blk, d), lambda i: (i, 0)),
        out_shape=jax.ShapeDtypeStruct((n, d), jnp.float32),
    )(acc, cnt, x, W_l.T, W_r.T, b_l.reshape(1, d),
      gamma.reshape(1, d), beta.reshape(1, d))


def kernel(x, edge_index, W_l, b_l, W_r, gamma, beta):
    n, d = x.shape
    e = edge_index.shape[1]

    n_pad = -(-(n + 1) // K) * K

    epw = -(-e // (NW * G * K)) * (G * K)
    groups = epw // (G * K)
    e_pad = epw * NW
    pad = e_pad - e
    src = edge_index[0].astype(jnp.int32)
    dst = edge_index[1].astype(jnp.int32)
    if pad:
        spread = n + jnp.arange(pad, dtype=jnp.int32) % (n_pad - n)
        src = jnp.concatenate([src, jnp.arange(pad, dtype=jnp.int32) % n])
        dst = jnp.concatenate([dst, spread])
    src4 = src.reshape(NW, groups, G, K)
    dst4 = dst.reshape(NW, groups, G, K)

    acc, cnt = _sc_aggregate(x, src4, dst4, n_pad, groups)
    return _tc_finish(acc, cnt, x, W_l, b_l, W_r, gamma, beta)

# --- scband reference (transcript-rebuilt; emitter-appended) ---
"""Pipeline reference for scband-graph-sageblock-73186242724262 (READ-ONLY COPY).

The authoritative reference and input builder live on the scoring server;
editing this copy changes nothing except your own understanding.
"""

import jax, jax.numpy as jnp
import numpy as np

N = 10000
E = 320000
D_IN = 128
D_OUT = 128


def setup_inputs(seed: int = 0) -> dict:
    key = jax.random.key(seed)
    k_x, k_ei, k_wl, k_wr = jax.random.split(key, 4)
    x = jax.random.normal(k_x, (N, D_IN), dtype=jnp.float32)
    edge_index = jax.random.randint(k_ei, (2, E), 0, N, dtype=jnp.int64)
    # SAGEConv params: lin_l (applied to aggregated neighbors, has bias),
    # lin_r (applied to root/self features, no bias)
    scale = 1.0 / np.sqrt(D_IN)
    W_l = jax.random.normal(k_wl, (D_OUT, D_IN), dtype=jnp.float32) * scale
    b_l = jnp.zeros((D_OUT,), dtype=jnp.float32)
    W_r = jax.random.normal(k_wr, (D_OUT, D_IN), dtype=jnp.float32) * scale
    # LayerNorm params
    gamma = jnp.ones((D_OUT,), dtype=jnp.float32)
    beta = jnp.zeros((D_OUT,), dtype=jnp.float32)
    return {"x": x, "edge_index": edge_index, "W_l": W_l, "b_l": b_l,
            "W_r": W_r, "gamma": gamma, "beta": beta}


def reference(x, edge_index, W_l, b_l, W_r, gamma, beta):
    src = edge_index[0]
    dst = edge_index[1]
    # SAGEConv with mean aggregation: gather source features, scatter-mean to dst
    msgs = jnp.take(x, src, axis=0)                      # [E, D_IN] gather
    summed = jax.ops.segment_sum(msgs, dst, num_segments=N)   # [N, D_IN] scatter-add
    cnt = jax.ops.segment_sum(jnp.ones((E,), dtype=jnp.float32), dst, num_segments=N)
    mean_aggr = summed / jnp.clip(cnt, 1.0, None)[:, None]
    out = mean_aggr @ W_l.T + b_l + x @ W_r.T            # [N, D_OUT]
    # LayerNorm over feature dim (eps=1e-5, torch default)
    mu = jnp.mean(out, axis=-1, keepdims=True)
    var = jnp.mean((out - mu) ** 2, axis=-1, keepdims=True)
    out = (out - mu) / jnp.sqrt(var + 1e-5) * gamma + beta
    # ReLU activation
    out = jnp.maximum(out, 0.0)
    # Dropout with rate 0.0 (eval / identity)
    return out

if __name__ == "__main__":
    import jax
    _d = setup_inputs()
    print(jax.jit(kernel)(*tuple(_d.values())))

</pallas_src>

<mosaic_0001>
#map = affine_map<(d0, d1) -> (0, 0)>
#map1 = affine_map<(d0, d1) -> (0, 0, 0, 0)>
#map2 = affine_map<(d0, d1) -> (0, 0, 0)>
module attributes {stable_mosaic.version = 14 : i64} {
  func.func @sc_kernel(%arg0: i32, %arg1: i32, %arg2: memref<10000x128xf32, #tpu.memory_space<hbm>>, %arg3: memref<32x5x16x128xi32, #tpu.memory_space<hbm>>, %arg4: memref<32x5x16x128xi32, #tpu.memory_space<hbm>>, %arg5: memref<128x128xf32, #tpu.memory_space<hbm>>, %arg6: memref<128x128xf32, #tpu.memory_space<hbm>>, %arg7: memref<2x10112x128xf32, #tpu.memory_space<hbm>>, %arg8: memref<2x10112x128xf32, #tpu.memory_space<hbm>>, %arg9: memref<16x128xi32, #tpu.memory_space<vmem>>, %arg10: memref<16x128xi32, #tpu.memory_space<vmem>>, %arg11: memref<128x128xf32, #tpu.memory_space<vmem>>, %arg12: memref<128x128xf32, #tpu.memory_space<vmem>>, %arg13: memref<10112x128xf32, #tpu.memory_space<vmem_shared>>, %arg14: memref<!tpu.dma_semaphore, #tpu.memory_space<semaphore_mem>>, %arg15: memref<!tpu.dma_semaphore, #tpu.memory_space<semaphore_mem>>) attributes {dimension_semantics = [#tpu.dimension_semantics<core_parallel>, #tpu.dimension_semantics<subcore_parallel>], iteration_bounds = array<i64: 2, 16>, scalar_prefetch = 0 : i64, scratch_operands = 7 : i64, tpu.core_type = #tpu.core_type<sc_vector_subcore>, window_params = [{transform_indices = #map}, {transform_indices = #map1}, {transform_indices = #map1}, {transform_indices = #map}, {transform_indices = #map}, {transform_indices = #map2}, {transform_indices = #map2}]} {
    %mul3A = arith.constant 2 : i32
    %mul3A_0 = arith.muli %arg1, %mul3A : i32
    %add3A = arith.addi %mul3A_0, %arg0 : i32
    %mul3A_1 = arith.constant 632 : i32
    %mul3A_2 = arith.muli %arg1, %mul3A_1 : i32
    "tpu.region"() ({
      %run_scoped3A = tpu.sem_alloc : memref<!tpu.dma_semaphore, #tpu.memory_space<semaphore_mem>>
      tpu.enqueue_dma source(%arg5 : memref<128x128xf32, #tpu.memory_space<hbm>>) target(%arg11 : memref<128x128xf32, #tpu.memory_space<vmem>>) target_semaphore(%run_scoped3A : memref<!tpu.dma_semaphore, #tpu.memory_space<semaphore_mem>>)
      tpu.wait_dma2 semaphore(%run_scoped3A : memref<!tpu.dma_semaphore, #tpu.memory_space<semaphore_mem>>) src(%arg5 : memref<128x128xf32, #tpu.memory_space<hbm>>) dst(%arg11 : memref<128x128xf32, #tpu.memory_space<vmem>>)
      tpu.yield
    }) : () -> ()
    %add3A_3 = arith.constant 0 : i32
    %add3A_4 = arith.addi %mul3A_2, %add3A_3 : i32
    "tpu.region"() ({
      %run_scoped3A = tpu.sem_alloc : memref<!tpu.dma_semaphore, #tpu.memory_space<semaphore_mem>>
      %dma_start3A = arith.constant 0 : i32
      %dma_start3A_75 = arith.constant 0 : i32
      %dma_start3A_76 = tpu.memref_slice %arg11[%dma_start3A, %dma_start3A_75] : memref<128x128xf32, #tpu.memory_space<vmem>> -> memref<128x128xf32, #tpu.memory_space<vmem>>
      %dma_start3A_77 = arith.constant 0 : i32
      %dma_start3A_78 = tpu.memref_slice %arg13[%add3A_4, %dma_start3A_77] : memref<10112x128xf32, #tpu.memory_space<vmem_shared>> -> memref<128x128xf32, #tpu.memory_space<vmem_shared>>
      %dma_start3A_79 = arith.constant 0 : i32
      %dma_start3A_80 = tpu.memref_slice %arg13[%add3A_4, %dma_start3A_79] : memref<10112x128xf32, #tpu.memory_space<vmem_shared>> -> memref<128x128xf32, #tpu.memory_space<vmem_shared>>
      %dma_start3A_81 = arith.constant 0 : i32
      %dma_start3A_82 = arith.constant 0 : i32
      %dma_start3A_83 = tpu.memref_slice %arg11[%dma_start3A_81, %dma_start3A_82] : memref<128x128xf32, #tpu.memory_space<vmem>> -> memref<128x128xf32, #tpu.memory_space<vmem>>
      tpu.enqueue_dma source(%dma_start3A_83 : memref<128x128xf32, #tpu.memory_space<vmem>>) target(%dma_start3A_80 : memref<128x128xf32, #tpu.memory_space<vmem_shared>>) target_semaphore(%run_scoped3A : memref<!tpu.dma_semaphore, #tpu.memory_space<semaphore_mem>>)
      %dma_wait3A = arith.constant 0 : i32
      %dma_wait3A_84 = arith.constant 0 : i32
      %dma_wait3A_85 = tpu.memref_slice %arg11[%dma_wait3A, %dma_wait3A_84] : memref<128x128xf32, #tpu.memory_space<vmem>> -> memref<128x128xf32, #tpu.memory_space<vmem>>
      %dma_wait3A_86 = arith.constant 0 : i32
      %dma_wait3A_87 = tpu.memref_slice %arg13[%add3A_4, %dma_wait3A_86] : memref<10112x128xf32, #tpu.memory_space<vmem_shared>> -> memref<128x128xf32, #tpu.memory_space<vmem_shared>>
      %dma_wait3A_88 = arith.constant 0 : i32
      %dma_wait3A_89 = tpu.memref_slice %arg13[%add3A_4, %dma_wait3A_88] : memref<10112x128xf32, #tpu.memory_space<vmem_shared>> -> memref<128x128xf32, #tpu.memory_space<vmem_shared>>
      %dma_wait3A_90 = arith.constant 0 : i32
      %dma_wait3A_91 = arith.constant 0 : i32
      %dma_wait3A_92 = tpu.memref_slice %arg11[%dma_wait3A_90, %dma_wait3A_91] : memref<128x128xf32, #tpu.memory_space<vmem>> -> memref<128x128xf32, #tpu.memory_space<vmem>>
      tpu.wait_dma2 semaphore(%run_scoped3A : memref<!tpu.dma_semaphore, #tpu.memory_space<semaphore_mem>>) src(%dma_wait3A_92 : memref<128x128xf32, #tpu.memory_space<vmem>>) dst(%dma_wait3A_89 : memref<128x128xf32, #tpu.memory_space<vmem_shared>>)
      tpu.yield
    }) : () -> ()
    %add3A_5 = arith.constant 128 : i32
    %add3A_6 = arith.addi %mul3A_2, %add3A_5 : i32
    "tpu.region"() ({
      %run_scoped3A = tpu.sem_alloc : memref<!tpu.dma_semaphore, #tpu.memory_space<semaphore_mem>>
      %dma_start3A = arith.constant 0 : i32
      %dma_start3A_75 = arith.constant 0 : i32
      %dma_start3A_76 = tpu.memref_slice %arg11[%dma_start3A, %dma_start3A_75] : memref<128x128xf32, #tpu.memory_space<vmem>> -> memref<128x128xf32, #tpu.memory_space<vmem>>
      %dma_start3A_77 = arith.constant 0 : i32
      %dma_start3A_78 = tpu.memref_slice %arg13[%add3A_6, %dma_start3A_77] : memref<10112x128xf32, #tpu.memory_space<vmem_shared>> -> memref<128x128xf32, #tpu.memory_space<vmem_shared>>
      %dma_start3A_79 = arith.constant 0 : i32
      %dma_start3A_80 = tpu.memref_slice %arg13[%add3A_6, %dma_start3A_79] : memref<10112x128xf32, #tpu.memory_space<vmem_shared>> -> memref<128x128xf32, #tpu.memory_space<vmem_shared>>
      %dma_start3A_81 = arith.constant 0 : i32
      %dma_start3A_82 = arith.constant 0 : i32
      %dma_start3A_83 = tpu.memref_slice %arg11[%dma_start3A_81, %dma_start3A_82] : memref<128x128xf32, #tpu.memory_space<vmem>> -> memref<128x128xf32, #tpu.memory_space<vmem>>
      tpu.enqueue_dma source(%dma_start3A_83 : memref<128x128xf32, #tpu.memory_space<vmem>>) target(%dma_start3A_80 : memref<128x128xf32, #tpu.memory_space<vmem_shared>>) target_semaphore(%run_scoped3A : memref<!tpu.dma_semaphore, #tpu.memory_space<semaphore_mem>>)
      %dma_wait3A = arith.constant 0 : i32
      %dma_wait3A_84 = arith.constant 0 : i32
      %dma_wait3A_85 = tpu.memref_slice %arg11[%dma_wait3A, %dma_wait3A_84] : memref<128x128xf32, #tpu.memory_space<vmem>> -> memref<128x128xf32, #tpu.memory_space<vmem>>
      %dma_wait3A_86 = arith.constant 0 : i32
      %dma_wait3A_87 = tpu.memref_slice %arg13[%add3A_6, %dma_wait3A_86] : memref<10112x128xf32, #tpu.memory_space<vmem_shared>> -> memref<128x128xf32, #tpu.memory_space<vmem_shared>>
      %dma_wait3A_88 = arith.constant 0 : i32
      %dma_wait3A_89 = tpu.memref_slice %arg13[%add3A_6, %dma_wait3A_88] : memref<10112x128xf32, #tpu.memory_space<vmem_shared>> -> memref<128x128xf32, #tpu.memory_space<vmem_shared>>
      %dma_wait3A_90 = arith.constant 0 : i32
      %dma_wait3A_91 = arith.constant 0 : i32
      %dma_wait3A_92 = tpu.memref_slice %arg11[%dma_wait3A_90, %dma_wait3A_91] : memref<128x128xf32, #tpu.memory_space<vmem>> -> memref<128x128xf32, #tpu.memory_space<vmem>>
      tpu.wait_dma2 semaphore(%run_scoped3A : memref<!tpu.dma_semaphore, #tpu.memory_space<semaphore_mem>>) src(%dma_wait3A_92 : memref<128x128xf32, #tpu.memory_space<vmem>>) dst(%dma_wait3A_89 : memref<128x128xf32, #tpu.memory_space<vmem_shared>>)
      tpu.yield
    }) : () -> ()
    %add3A_7 = arith.constant 256 : i32
    %add3A_8 = arith.addi %mul3A_2, %add3A_7 : i32
    "tpu.region"() ({
      %run_scoped3A = tpu.sem_alloc : memref<!tpu.dma_semaphore, #tpu.memory_space<semaphore_mem>>
      %dma_start3A = arith.constant 0 : i32
      %dma_start3A_75 = arith.constant 0 : i32
      %dma_start3A_76 = tpu.memref_slice %arg11[%dma_start3A, %dma_start3A_75] : memref<128x128xf32, #tpu.memory_space<vmem>> -> memref<128x128xf32, #tpu.memory_space<vmem>>
      %dma_start3A_77 = arith.constant 0 : i32
      %dma_start3A_78 = tpu.memref_slice %arg13[%add3A_8, %dma_start3A_77] : memref<10112x128xf32, #tpu.memory_space<vmem_shared>> -> memref<128x128xf32, #tpu.memory_space<vmem_shared>>
      %dma_start3A_79 = arith.constant 0 : i32
      %dma_start3A_80 = tpu.memref_slice %arg13[%add3A_8, %dma_start3A_79] : memref<10112x128xf32, #tpu.memory_space<vmem_shared>> -> memref<128x128xf32, #tpu.memory_space<vmem_shared>>
      %dma_start3A_81 = arith.constant 0 : i32
      %dma_start3A_82 = arith.constant 0 : i32
      %dma_start3A_83 = tpu.memref_slice %arg11[%dma_start3A_81, %dma_start3A_82] : memref<128x128xf32, #tpu.memory_space<vmem>> -> memref<128x128xf32, #tpu.memory_space<vmem>>
      tpu.enqueue_dma source(%dma_start3A_83 : memref<128x128xf32, #tpu.memory_space<vmem>>) target(%dma_start3A_80 : memref<128x128xf32, #tpu.memory_space<vmem_shared>>) target_semaphore(%run_scoped3A : memref<!tpu.dma_semaphore, #tpu.memory_space<semaphore_mem>>)
      %dma_wait3A = arith.constant 0 : i32
      %dma_wait3A_84 = arith.constant 0 : i32
      %dma_wait3A_85 = tpu.memref_slice %arg11[%dma_wait3A, %dma_wait3A_84] : memref<128x128xf32, #tpu.memory_space<vmem>> -> memref<128x128xf32, #tpu.memory_space<vmem>>
      %dma_wait3A_86 = arith.constant 0 : i32
      %dma_wait3A_87 = tpu.memref_slice %arg13[%add3A_8, %dma_wait3A_86] : memref<10112x128xf32, #tpu.memory_space<vmem_shared>> -> memref<128x128xf32, #tpu.memory_space<vmem_shared>>
      %dma_wait3A_88 = arith.constant 0 : i32
      %dma_wait3A_89 = tpu.memref_slice %arg13[%add3A_8, %dma_wait3A_88] : memref<10112x128xf32, #tpu.memory_space<vmem_shared>> -> memref<128x128xf32, #tpu.memory_space<vmem_shared>>
      %dma_wait3A_90 = arith.constant 0 : i32
      %dma_wait3A_91 = arith.constant 0 : i32
      %dma_wait3A_92 = tpu.memref_slice %arg11[%dma_wait3A_90, %dma_wait3A_91] : memref<128x128xf32, #tpu.memory_space<vmem>> -> memref<128x128xf32, #tpu.memory_space<vmem>>
      tpu.wait_dma2 semaphore(%run_scoped3A : memref<!tpu.dma_semaphore, #tpu.memory_space<semaphore_mem>>) src(%dma_wait3A_92 : memref<128x128xf32, #tpu.memory_space<vmem>>) dst(%dma_wait3A_89 : memref<128x128xf32, #tpu.memory_space<vmem_shared>>)
      tpu.yield
    }) : () -> ()
    %add3A_9 = arith.constant 384 : i32
    %add3A_10 = arith.addi %mul3A_2, %add3A_9 : i32
    "tpu.region"() ({
      %run_scoped3A = tpu.sem_alloc : memref<!tpu.dma_semaphore, #tpu.memory_space<semaphore_mem>>
      %dma_start3A = arith.constant 0 : i32
      %dma_start3A_75 = arith.constant 0 : i32
      %dma_start3A_76 = tpu.memref_slice %arg11[%dma_start3A, %dma_start3A_75] : memref<128x128xf32, #tpu.memory_space<vmem>> -> memref<128x128xf32, #tpu.memory_space<vmem>>
      %dma_start3A_77 = arith.constant 0 : i32
      %dma_start3A_78 = tpu.memref_slice %arg13[%add3A_10, %dma_start3A_77] : memref<10112x128xf32, #tpu.memory_space<vmem_shared>> -> memref<128x128xf32, #tpu.memory_space<vmem_shared>>
      %dma_start3A_79 = arith.constant 0 : i32
      %dma_start3A_80 = tpu.memref_slice %arg13[%add3A_10, %dma_start3A_79] : memref<10112x128xf32, #tpu.memory_space<vmem_shared>> -> memref<128x128xf32, #tpu.memory_space<vmem_shared>>
      %dma_start3A_81 = arith.constant 0 : i32
      %dma_start3A_82 = arith.constant 0 : i32
      %dma_start3A_83 = tpu.memref_slice %arg11[%dma_start3A_81, %dma_start3A_82] : memref<128x128xf32, #tpu.memory_space<vmem>> -> memref<128x128xf32, #tpu.memory_space<vmem>>
      tpu.enqueue_dma source(%dma_start3A_83 : memref<128x128xf32, #tpu.memory_space<vmem>>) target(%dma_start3A_80 : memref<128x128xf32, #tpu.memory_space<vmem_shared>>) target_semaphore(%run_scoped3A : memref<!tpu.dma_semaphore, #tpu.memory_space<semaphore_mem>>)
      %dma_wait3A = arith.constant 0 : i32
      %dma_wait3A_84 = arith.constant 0 : i32
      %dma_wait3A_85 = tpu.memref_slice %arg11[%dma_wait3A, %dma_wait3A_84] : memref<128x128xf32, #tpu.memory_space<vmem>> -> memref<128x128xf32, #tpu.memory_space<vmem>>
      %dma_wait3A_86 = arith.constant 0 : i32
      %dma_wait3A_87 = tpu.memref_slice %arg13[%add3A_10, %dma_wait3A_86] : memref<10112x128xf32, #tpu.memory_space<vmem_shared>> -> memref<128x128xf32, #tpu.memory_space<vmem_shared>>
      %dma_wait3A_88 = arith.constant 0 : i32
      %dma_wait3A_89 = tpu.memref_slice %arg13[%add3A_10, %dma_wait3A_88] : memref<10112x128xf32, #tpu.memory_space<vmem_shared>> -> memref<128x128xf32, #tpu.memory_space<vmem_shared>>
      %dma_wait3A_90 = arith.constant 0 : i32
      %dma_wait3A_91 = arith.constant 0 : i32
      %dma_wait3A_92 = tpu.memref_slice %arg11[%dma_wait3A_90, %dma_wait3A_91] : memref<128x128xf32, #tpu.memory_space<vmem>> -> memref<128x128xf32, #tpu.memory_space<vmem>>
      tpu.wait_dma2 semaphore(%run_scoped3A : memref<!tpu.dma_semaphore, #tpu.memory_space<semaphore_mem>>) src(%dma_wait3A_92 : memref<128x128xf32, #tpu.memory_space<vmem>>) dst(%dma_wait3A_89 : memref<128x128xf32, #tpu.memory_space<vmem_shared>>)
      tpu.yield
    }) : () -> ()
    %add3A_11 = arith.constant 512 : i32
    %add3A_12 = arith.addi %mul3A_2, %add3A_11 : i32
    "tpu.region"() ({
      %run_scoped3A = tpu.sem_alloc : memref<!tpu.dma_semaphore, #tpu.memory_space<semaphore_mem>>
      %dma_start3A = arith.constant 0 : i32
      %dma_start3A_75 = arith.constant 0 : i32
      %dma_start3A_76 = tpu.memref_slice %arg11[%dma_start3A, %dma_start3A_75] : memref<128x128xf32, #tpu.memory_space<vmem>> -> memref<120x128xf32, #tpu.memory_space<vmem>>
      %dma_start3A_77 = arith.constant 0 : i32
      %dma_start3A_78 = tpu.memref_slice %arg13[%add3A_12, %dma_start3A_77] : memref<10112x128xf32, #tpu.memory_space<vmem_shared>> -> memref<120x128xf32, #tpu.memory_space<vmem_shared>>
      %dma_start3A_79 = arith.constant 0 : i32
      %dma_start3A_80 = tpu.memref_slice %arg13[%add3A_12, %dma_start3A_79] : memref<10112x128xf32, #tpu.memory_space<vmem_shared>> -> memref<120x128xf32, #tpu.memory_space<vmem_shared>>
      %dma_start3A_81 = arith.constant 0 : i32
      %dma_start3A_82 = arith.constant 0 : i32
      %dma_start3A_83 = tpu.memref_slice %arg11[%dma_start3A_81, %dma_start3A_82] : memref<128x128xf32, #tpu.memory_space<vmem>> -> memref<120x128xf32, #tpu.memory_space<vmem>>
      tpu.enqueue_dma source(%dma_start3A_83 : memref<120x128xf32, #tpu.memory_space<vmem>>) target(%dma_start3A_80 : memref<120x128xf32, #tpu.memory_space<vmem_shared>>) target_semaphore(%run_scoped3A : memref<!tpu.dma_semaphore, #tpu.memory_space<semaphore_mem>>)
      %dma_wait3A = arith.constant 0 : i32
      %dma_wait3A_84 = arith.constant 0 : i32
      %dma_wait3A_85 = tpu.memref_slice %arg11[%dma_wait3A, %dma_wait3A_84] : memref<128x128xf32, #tpu.memory_space<vmem>> -> memref<120x128xf32, #tpu.memory_space<vmem>>
      %dma_wait3A_86 = arith.constant 0 : i32
      %dma_wait3A_87 = tpu.memref_slice %arg13[%add3A_12, %dma_wait3A_86] : memref<10112x128xf32, #tpu.memory_space<vmem_shared>> -> memref<120x128xf32, #tpu.memory_space<vmem_shared>>
      %dma_wait3A_88 = arith.constant 0 : i32
      %dma_wait3A_89 = tpu.memref_slice %arg13[%add3A_12, %dma_wait3A_88] : memref<10112x128xf32, #tpu.memory_space<vmem_shared>> -> memref<120x128xf32, #tpu.memory_space<vmem_shared>>
      %dma_wait3A_90 = arith.constant 0 : i32
      %dma_wait3A_91 = arith.constant 0 : i32
      %dma_wait3A_92 = tpu.memref_slice %arg11[%dma_wait3A_90, %dma_wait3A_91] : memref<128x128xf32, #tpu.memory_space<vmem>> -> memref<120x128xf32, #tpu.memory_space<vmem>>
      tpu.wait_dma2 semaphore(%run_scoped3A : memref<!tpu.dma_semaphore, #tpu.memory_space<semaphore_mem>>) src(%dma_wait3A_92 : memref<120x128xf32, #tpu.memory_space<vmem>>) dst(%dma_wait3A_89 : memref<120x128xf32, #tpu.memory_space<vmem_shared>>)
      tpu.yield
    }) : () -> ()
    %barrier3A = arith.constant 0 : index
    tpu.barrier barrier_id(%barrier3A)
    %scan3A = arith.constant 0 : i32
    %scan3A_13 = arith.constant 5 : i32
    %scan3A_14 = arith.addi %scan3A, %scan3A_13 : i32
    %scan3A_15 = arith.constant 1 : i32
    scf.for %scan3A_75 = %scan3A to %scan3A_14 step %scan3A_15  : i32 {
      %mul3A_76 = arith.constant 1 : i32
      %mul3A_77 = arith.muli %scan3A_75, %mul3A_76 : i32
      %add3A_78 = arith.constant 0 : i32
      %add3A_79 = arith.addi %add3A_78, %mul3A_77 : i32
      "tpu.region"() ({
        %run_scoped3A_317 = tpu.sem_alloc : memref<!tpu.dma_semaphore, #tpu.memory_space<semaphore_mem>>
        %dma_start3A_318 = arith.constant 0 : i32
        %dma_start3A_319 = arith.constant 0 : i32
        %dma_start3A_320 = tpu.memref_slice %arg3[%add3A, %add3A_79, %dma_start3A_318, %dma_start3A_319] : memref<32x5x16x128xi32, #tpu.memory_space<hbm>> -> memref<1x1x16x128xi32, #tpu.memory_space<hbm>>
        %dma_start3A_321 = tpu.memref_squeeze %dma_start3A_320 : memref<1x1x16x128xi32, #tpu.memory_space<hbm>> -> memref<16x128xi32, #tpu.memory_space<hbm>>
        %dma_start3A_322 = arith.constant 0 : i32
        %dma_start3A_323 = arith.constant 0 : i32
        %dma_start3A_324 = tpu.memref_slice %arg3[%add3A, %add3A_79, %dma_start3A_322, %dma_start3A_323] : memref<32x5x16x128xi32, #tpu.memory_space<hbm>> -> memref<1x1x16x128xi32, #tpu.memory_space<hbm>>
        %dma_start3A_325 = tpu.memref_squeeze %dma_start3A_324 : memref<1x1x16x128xi32, #tpu.memory_space<hbm>> -> memref<16x128xi32, #tpu.memory_space<hbm>>
        tpu.enqueue_dma source(%dma_start3A_325 : memref<16x128xi32, #tpu.memory_space<hbm>>) target(%arg9 : memref<16x128xi32, #tpu.memory_space<vmem>>) target_semaphore(%run_scoped3A_317 : memref<!tpu.dma_semaphore, #tpu.memory_space<semaphore_mem>>)
        %dma_wait3A_326 = arith.constant 0 : i32
        %dma_wait3A_327 = arith.constant 0 : i32
        %dma_wait3A_328 = tpu.memref_slice %arg3[%add3A, %add3A_79, %dma_wait3A_326, %dma_wait3A_327] : memref<32x5x16x128xi32, #tpu.memory_space<hbm>> -> memref<1x1x16x128xi32, #tpu.memory_space<hbm>>
        %dma_wait3A_329 = tpu.memref_squeeze %dma_wait3A_328 : memref<1x1x16x128xi32, #tpu.memory_space<hbm>> -> memref<16x128xi32, #tpu.memory_space<hbm>>
        %dma_wait3A_330 = arith.constant 0 : i32
        %dma_wait3A_331 = arith.constant 0 : i32
        %dma_wait3A_332 = tpu.memref_slice %arg3[%add3A, %add3A_79, %dma_wait3A_330, %dma_wait3A_331] : memref<32x5x16x128xi32, #tpu.memory_space<hbm>> -> memref<1x1x16x128xi32, #tpu.memory_space<hbm>>
        %dma_wait3A_333 = tpu.memref_squeeze %dma_wait3A_332 : memref<1x1x16x128xi32, #tpu.memory_space<hbm>> -> memref<16x128xi32, #tpu.memory_space<hbm>>
        tpu.wait_dma2 semaphore(%run_scoped3A_317 : memref<!tpu.dma_semaphore, #tpu.memory_space<semaphore_mem>>) src(%dma_wait3A_333 : memref<16x128xi32, #tpu.memory_space<hbm>>) dst(%arg9 : memref<16x128xi32, #tpu.memory_space<vmem>>)
        tpu.yield
      }) : () -> ()
      "tpu.region"() ({
        %run_scoped3A_317 = tpu.sem_alloc : memref<!tpu.dma_semaphore, #tpu.memory_space<semaphore_mem>>
        %dma_start3A_318 = arith.constant 0 : i32
        %dma_start3A_319 = arith.constant 0 : i32
        %dma_start3A_320 = tpu.memref_slice %arg4[%add3A, %add3A_79, %dma_start3A_318, %dma_start3A_319] : memref<32x5x16x128xi32, #tpu.memory_space<hbm>> -> memref<1x1x16x128xi32, #tpu.memory_space<hbm>>
        %dma_start3A_321 = tpu.memref_squeeze %dma_start3A_320 : memref<1x1x16x128xi32, #tpu.memory_space<hbm>> -> memref<16x128xi32, #tpu.memory_space<hbm>>
        %dma_start3A_322 = arith.constant 0 : i32
        %dma_start3A_323 = arith.constant 0 : i32
        %dma_start3A_324 = tpu.memref_slice %arg4[%add3A, %add3A_79, %dma_start3A_322, %dma_start3A_323] : memref<32x5x16x128xi32, #tpu.memory_space<hbm>> -> memref<1x1x16x128xi32, #tpu.memory_space<hbm>>
        %dma_start3A_325 = tpu.memref_squeeze %dma_start3A_324 : memref<1x1x16x128xi32, #tpu.memory_space<hbm>> -> memref<16x128xi32, #tpu.memory_space<hbm>>
        tpu.enqueue_dma source(%dma_start3A_325 : memref<16x128xi32, #tpu.memory_space<hbm>>) target(%arg10 : memref<16x128xi32, #tpu.memory_space<vmem>>) target_semaphore(%run_scoped3A_317 : memref<!tpu.dma_semaphore, #tpu.memory_space<semaphore_mem>>)
        %dma_wait3A_326 = arith.constant 0 : i32
        %dma_wait3A_327 = arith.constant 0 : i32
        %dma_wait3A_328 = tpu.memref_slice %arg4[%add3A, %add3A_79, %dma_wait3A_326, %dma_wait3A_327] : memref<32x5x16x128xi32, #tpu.memory_space<hbm>> -> memref<1x1x16x128xi32, #tpu.memory_space<hbm>>
        %dma_wait3A_329 = tpu.memref_squeeze %dma_wait3A_328 : memref<1x1x16x128xi32, #tpu.memory_space<hbm>> -> memref<16x128xi32, #tpu.memory_space<hbm>>
        %dma_wait3A_330 = arith.constant 0 : i32
        %dma_wait3A_331 = arith.constant 0 : i32
        %dma_wait3A_332 = tpu.memref_slice %arg4[%add3A, %add3A_79, %dma_wait3A_330, %dma_wait3A_331] : memref<32x5x16x128xi32, #tpu.memory_space<hbm>> -> memref<1x1x16x128xi32, #tpu.memory_space<hbm>>
        %dma_wait3A_333 = tpu.memref_squeeze %dma_wait3A_332 : memref<1x1x16x128xi32, #tpu.memory_space<hbm>> -> memref<16x128xi32, #tpu.memory_space<hbm>>
        tpu.wait_dma2 semaphore(%run_scoped3A_317 : memref<!tpu.dma_semaphore, #tpu.memory_space<semaphore_mem>>) src(%dma_wait3A_333 : memref<16x128xi32, #tpu.memory_space<hbm>>) dst(%arg10 : memref<16x128xi32, #tpu.memory_space<vmem>>)
        tpu.yield
      }) : () -> ()
      %dma_start3A = arith.constant 0 : i32
      %dma_start3A_80 = arith.constant 0 : i32
      %dma_start3A_81 = tpu.memref_slice %arg9[%dma_start3A, %dma_start3A_80] : memref<16x128xi32, #tpu.memory_space<vmem>> -> memref<1x128xi32, #tpu.memory_space<vmem>>
      %dma_start3A_82 = tpu.memref_squeeze %dma_start3A_81 : memref<1x128xi32, #tpu.memory_space<vmem>> -> memref<128xi32, #tpu.memory_space<vmem>>
      %dma_start3A_83 = arith.constant 0 : i32
      %dma_start3A_84 = arith.constant 0 : i32
      %dma_start3A_85 = tpu.memref_slice %arg2[%dma_start3A_83, %dma_start3A_84] : memref<10000x128xf32, #tpu.memory_space<hbm>> -> memref<10000x128xf32, #tpu.memory_space<hbm>>
      tpu.enqueue_indirect_dma source(%dma_start3A_85 : memref<10000x128xf32, #tpu.memory_space<hbm>>) target(%arg11 : memref<128x128xf32, #tpu.memory_space<vmem>>) offsets(%dma_start3A_82 : memref<128xi32, #tpu.memory_space<vmem>>) semaphore(%arg14 : memref<!tpu.dma_semaphore, #tpu.memory_space<semaphore_mem>>)
      %dma_start3A_86 = arith.constant 1 : i32
      %dma_start3A_87 = arith.constant 0 : i32
      %dma_start3A_88 = tpu.memref_slice %arg9[%dma_start3A_86, %dma_start3A_87] : memref<16x128xi32, #tpu.memory_space<vmem>> -> memref<1x128xi32, #tpu.memory_space<vmem>>
      %dma_start3A_89 = tpu.memref_squeeze %dma_start3A_88 : memref<1x128xi32, #tpu.memory_space<vmem>> -> memref<128xi32, #tpu.memory_space<vmem>>
      %dma_start3A_90 = arith.constant 0 : i32
      %dma_start3A_91 = arith.constant 0 : i32
      %dma_start3A_92 = tpu.memref_slice %arg2[%dma_start3A_90, %dma_start3A_91] : memref<10000x128xf32, #tpu.memory_space<hbm>> -> memref<10000x128xf32, #tpu.memory_space<hbm>>
      tpu.enqueue_indirect_dma source(%dma_start3A_92 : memref<10000x128xf32, #tpu.memory_space<hbm>>) target(%arg12 : memref<128x128xf32, #tpu.memory_space<vmem>>) offsets(%dma_start3A_89 : memref<128xi32, #tpu.memory_space<vmem>>) semaphore(%arg15 : memref<!tpu.dma_semaphore, #tpu.memory_space<semaphore_mem>>)
      %dma_wait3A = arith.constant 0 : i32
      %dma_wait3A_93 = arith.constant 0 : i32
      %dma_wait3A_94 = tpu.memref_slice %arg9[%dma_wait3A, %dma_wait3A_93] : memref<16x128xi32, #tpu.memory_space<vmem>> -> memref<1x128xi32, #tpu.memory_space<vmem>>
      %dma_wait3A_95 = tpu.memref_squeeze %dma_wait3A_94 : memref<1x128xi32, #tpu.memory_space<vmem>> -> memref<128xi32, #tpu.memory_space<vmem>>
      %dma_wait3A_96 = arith.constant 0 : i32
      %dma_wait3A_97 = arith.constant 0 : i32
      %dma_wait3A_98 = tpu.memref_slice %arg2[%dma_wait3A_96, %dma_wait3A_97] : memref<10000x128xf32, #tpu.memory_space<hbm>> -> memref<10000x128xf32, #tpu.memory_space<hbm>>
      tpu.wait_indirect_dma semaphore(%arg14 : memref<!tpu.dma_semaphore, #tpu.memory_space<semaphore_mem>>) src(%dma_wait3A_98 : memref<10000x128xf32, #tpu.memory_space<hbm>>) dst(%arg11 : memref<128x128xf32, #tpu.memory_space<vmem>>)
      %run_scoped3A = arith.constant 0 : i32
      "tpu.region"() ({
        %run_scoped3A_317 = tpu.sem_alloc : memref<!tpu.dma_semaphore, #tpu.memory_space<semaphore_mem>>
        %dma_start3A_318 = arith.constant 0 : i32
        %dma_start3A_319 = tpu.memref_slice %arg10[%run_scoped3A, %dma_start3A_318] : memref<16x128xi32, #tpu.memory_space<vmem>> -> memref<1x128xi32, #tpu.memory_space<vmem>>
        %dma_start3A_320 = tpu.memref_squeeze %dma_start3A_319 : memref<1x128xi32, #tpu.memory_space<vmem>> -> memref<128xi32, #tpu.memory_space<vmem>>
        %dma_start3A_321 = arith.constant 0 : i32
        %dma_start3A_322 = arith.constant 0 : i32
        %dma_start3A_323 = tpu.memref_slice %arg13[%dma_start3A_321, %dma_start3A_322] : memref<10112x128xf32, #tpu.memory_space<vmem_shared>> -> memref<10112x128xf32, #tpu.memory_space<vmem_shared>>
        tpu.enqueue_indirect_dma source(%arg11 : memref<128x128xf32, #tpu.memory_space<vmem>>) target(%dma_start3A_323 : memref<10112x128xf32, #tpu.memory_space<vmem_shared>>) offsets(%dma_start3A_320 : memref<128xi32, #tpu.memory_space<vmem>>) semaphore(%run_scoped3A_317 : memref<!tpu.dma_semaphore, #tpu.memory_space<semaphore_mem>>) {add = true}
        %dma_wait3A_324 = arith.constant 0 : i32
        %dma_wait3A_325 = tpu.memref_slice %arg10[%run_scoped3A, %dma_wait3A_324] : memref<16x128xi32, #tpu.memory_space<vmem>> -> memref<1x128xi32, #tpu.memory_space<vmem>>
        %dma_wait3A_326 = tpu.memref_squeeze %dma_wait3A_325 : memref<1x128xi32, #tpu.memory_space<vmem>> -> memref<128xi32, #tpu.memory_space<vmem>>
        %dma_wait3A_327 = arith.constant 0 : i32
        %dma_wait3A_328 = arith.constant 0 : i32
        %dma_wait3A_329 = tpu.memref_slice %arg13[%dma_wait3A_327, %dma_wait3A_328] : memref<10112x128xf32, #tpu.memory_space<vmem_shared>> -> memref<10112x128xf32, #tpu.memory_space<vmem_shared>>
        tpu.wait_indirect_dma semaphore(%run_scoped3A_317 : memref<!tpu.dma_semaphore, #tpu.memory_space<semaphore_mem>>) src(%arg11 : memref<128x128xf32, #tpu.memory_space<vmem>>) dst(%dma_wait3A_329 : memref<10112x128xf32, #tpu.memory_space<vmem_shared>>)
        tpu.yield
      }) : () -> ()
      %dma_start3A_99 = arith.constant 2 : i32
      %dma_start3A_100 = arith.constant 0 : i32
      %dma_start3A_101 = tpu.memref_slice %arg9[%dma_start3A_99, %dma_start3A_100] : memref<16x128xi32, #tpu.memory_space<vmem>> -> memref<1x128xi32, #tpu.memory_space<vmem>>
      %dma_start3A_102 = tpu.memref_squeeze %dma_start3A_101 : memref<1x128xi32, #tpu.memory_space<vmem>> -> memref<128xi32, #tpu.memory_space<vmem>>
      %dma_start3A_103 = arith.constant 0 : i32
      %dma_start3A_104 = arith.constant 0 : i32
      %dma_start3A_105 = tpu.memref_slice %arg2[%dma_start3A_103, %dma_start3A_104] : memref<10000x128xf32, #tpu.memory_space<hbm>> -> memref<10000x128xf32, #tpu.memory_space<hbm>>
      tpu.enqueue_indirect_dma source(%dma_start3A_105 : memref<10000x128xf32, #tpu.memory_space<hbm>>) target(%arg11 : memref<128x128xf32, #tpu.memory_space<vmem>>) offsets(%dma_start3A_102 : memref<128xi32, #tpu.memory_space<vmem>>) semaphore(%arg14 : memref<!tpu.dma_semaphore, #tpu.memory_space<semaphore_mem>>)
      %dma_wait3A_106 = arith.constant 1 : i32
      %dma_wait3A_107 = arith.constant 0 : i32
      %dma_wait3A_108 = tpu.memref_slice %arg9[%dma_wait3A_106, %dma_wait3A_107] : memref<16x128xi32, #tpu.memory_space<vmem>> -> memref<1x128xi32, #tpu.memory_space<vmem>>
      %dma_wait3A_109 = tpu.memref_squeeze %dma_wait3A_108 : memref<1x128xi32, #tpu.memory_space<vmem>> -> memref<128xi32, #tpu.memory_space<vmem>>
      %dma_wait3A_110 = arith.constant 0 : i32
      %dma_wait3A_111 = arith.constant 0 : i32
      %dma_wait3A_112 = tpu.memref_slice %arg2[%dma_wait3A_110, %dma_wait3A_111] : memref<10000x128xf32, #tpu.memory_space<hbm>> -> memref<10000x128xf32, #tpu.memory_space<hbm>>
      tpu.wait_indirect_dma semaphore(%arg15 : memref<!tpu.dma_semaphore, #tpu.memory_space<semaphore_mem>>) src(%dma_wait3A_112 : memref<10000x128xf32, #tpu.memory_space<hbm>>) dst(%arg12 : memref<128x128xf32, #tpu.memory_space<vmem>>)
      %run_scoped3A_113 = arith.constant 1 : i32
      "tpu.region"() ({
        %run_scoped3A_317 = tpu.sem_alloc : memref<!tpu.dma_semaphore, #tpu.memory_space<semaphore_mem>>
        %dma_start3A_318 = arith.constant 0 : i32
        %dma_start3A_319 = tpu.memref_slice %arg10[%run_scoped3A_113, %dma_start3A_318] : memref<16x128xi32, #tpu.memory_space<vmem>> -> memref<1x128xi32, #tpu.memory_space<vmem>>
        %dma_start3A_320 = tpu.memref_squeeze %dma_start3A_319 : memref<1x128xi32, #tpu.memory_space<vmem>> -> memref<128xi32, #tpu.memory_space<vmem>>
        %dma_start3A_321 = arith.constant 0 : i32
        %dma_start3A_322 = arith.constant 0 : i32
        %dma_start3A_323 = tpu.memref_slice %arg13[%dma_start3A_321, %dma_start3A_322] : memref<10112x128xf32, #tpu.memory_space<vmem_shared>> -> memref<10112x128xf32, #tpu.memory_space<vmem_shared>>
        tpu.enqueue_indirect_dma source(%arg12 : memref<128x128xf32, #tpu.memory_space<vmem>>) target(%dma_start3A_323 : memref<10112x128xf32, #tpu.memory_space<vmem_shared>>) offsets(%dma_start3A_320 : memref<128xi32, #tpu.memory_space<vmem>>) semaphore(%run_scoped3A_317 : memref<!tpu.dma_semaphore, #tpu.memory_space<semaphore_mem>>) {add = true}
        %dma_wait3A_324 = arith.constant 0 : i32
        %dma_wait3A_325 = tpu.memref_slice %arg10[%run_scoped3A_113, %dma_wait3A_324] : memref<16x128xi32, #tpu.memory_space<vmem>> -> memref<1x128xi32, #tpu.memory_space<vmem>>
        %dma_wait3A_326 = tpu.memref_squeeze %dma_wait3A_325 : memref<1x128xi32, #tpu.memory_space<vmem>> -> memref<128xi32, #tpu.memory_space<vmem>>
        %dma_wait3A_327 = arith.constant 0 : i32
        %dma_wait3A_328 = arith.constant 0 : i32
        %dma_wait3A_329 = tpu.memref_slice %arg13[%dma_wait3A_327, %dma_wait3A_328] : memref<10112x128xf32, #tpu.memory_space<vmem_shared>> -> memref<10112x128xf32, #tpu.memory_space<vmem_shared>>
        tpu.wait_indirect_dma semaphore(%run_scoped3A_317 : memref<!tpu.dma_semaphore, #tpu.memory_space<semaphore_mem>>) src(%arg12 : memref<128x128xf32, #tpu.memory_space<vmem>>) dst(%dma_wait3A_329 : memref<10112x128xf32, #tpu.memory_space<vmem_shared>>)
        tpu.yield
      }) : () -> ()
      %dma_start3A_114 = arith.constant 3 : i32
      %dma_start3A_115 = arith.constant 0 : i32
      %dma_start3A_116 = tpu.memref_slice %arg9[%dma_start3A_114, %dma_start3A_115] : memref<16x128xi32, #tpu.memory_space<vmem>> -> memref<1x128xi32, #tpu.memory_space<vmem>>
      %dma_start3A_117 = tpu.memref_squeeze %dma_start3A_116 : memref<1x128xi32, #tpu.memory_space<vmem>> -> memref<128xi32, #tpu.memory_space<vmem>>
      %dma_start3A_118 = arith.constant 0 : i32
      %dma_start3A_119 = arith.constant 0 : i32
      %dma_start3A_120 = tpu.memref_slice %arg2[%dma_start3A_118, %dma_start3A_119] : memref<10000x128xf32, #tpu.memory_space<hbm>> -> memref<10000x128xf32, #tpu.memory_space<hbm>>
      tpu.enqueue_indirect_dma source(%dma_start3A_120 : memref<10000x128xf32, #tpu.memory_space<hbm>>) target(%arg12 : memref<128x128xf32, #tpu.memory_space<vmem>>) offsets(%dma_start3A_117 : memref<128xi32, #tpu.memory_space<vmem>>) semaphore(%arg15 : memref<!tpu.dma_semaphore, #tpu.memory_space<semaphore_mem>>)
      %dma_wait3A_121 = arith.constant 2 : i32
      %dma_wait3A_122 = arith.constant 0 : i32
      %dma_wait3A_123 = tpu.memref_slice %arg9[%dma_wait3A_121, %dma_wait3A_122] : memref<16x128xi32, #tpu.memory_space<vmem>> -> memref<1x128xi32, #tpu.memory_space<vmem>>
      %dma_wait3A_124 = tpu.memref_squeeze %dma_wait3A_123 : memref<1x128xi32, #tpu.memory_space<vmem>> -> memref<128xi32, #tpu.memory_space<vmem>>
      %dma_wait3A_125 = arith.constant 0 : i32
      %dma_wait3A_126 = arith.constant 0 : i32
      %dma_wait3A_127 = tpu.memref_slice %arg2[%dma_wait3A_125, %dma_wait3A_126] : memref<10000x128xf32, #tpu.memory_space<hbm>> -> memref<10000x128xf32, #tpu.memory_space<hbm>>
      tpu.wait_indirect_dma semaphore(%arg14 : memref<!tpu.dma_semaphore, #tpu.memory_space<semaphore_mem>>) src(%dma_wait3A_127 : memref<10000x128xf32, #tpu.memory_space<hbm>>) dst(%arg11 : memref<128x128xf32, #tpu.memory_space<vmem>>)
      %run_scoped3A_128 = arith.constant 2 : i32
      "tpu.region"() ({
        %run_scoped3A_317 = tpu.sem_alloc : memref<!tpu.dma_semaphore, #tpu.memory_space<semaphore_mem>>
        %dma_start3A_318 = arith.constant 0 : i32
        %dma_start3A_319 = tpu.memref_slice %arg10[%run_scoped3A_128, %dma_start3A_318] : memref<16x128xi32, #tpu.memory_space<vmem>> -> memref<1x128xi32, #tpu.memory_space<vmem>>
        %dma_start3A_320 = tpu.memref_squeeze %dma_start3A_319 : memref<1x128xi32, #tpu.memory_space<vmem>> -> memref<128xi32, #tpu.memory_space<vmem>>
        %dma_start3A_321 = arith.constant 0 : i32
        %dma_start3A_322 = arith.constant 0 : i32
        %dma_start3A_323 = tpu.memref_slice %arg13[%dma_start3A_321, %dma_start3A_322] : memref<10112x128xf32, #tpu.memory_space<vmem_shared>> -> memref<10112x128xf32, #tpu.memory_space<vmem_shared>>
        tpu.enqueue_indirect_dma source(%arg11 : memref<128x128xf32, #tpu.memory_space<vmem>>) target(%dma_start3A_323 : memref<10112x128xf32, #tpu.memory_space<vmem_shared>>) offsets(%dma_start3A_320 : memref<128xi32, #tpu.memory_space<vmem>>) semaphore(%run_scoped3A_317 : memref<!tpu.dma_semaphore, #tpu.memory_space<semaphore_mem>>) {add = true}
        %dma_wait3A_324 = arith.constant 0 : i32
        %dma_wait3A_325 = tpu.memref_slice %arg10[%run_scoped3A_128, %dma_wait3A_324] : memref<16x128xi32, #tpu.memory_space<vmem>> -> memref<1x128xi32, #tpu.memory_space<vmem>>
        %dma_wait3A_326 = tpu.memref_squeeze %dma_wait3A_325 : memref<1x128xi32, #tpu.memory_space<vmem>> -> memref<128xi32, #tpu.memory_space<vmem>>
        %dma_wait3A_327 = arith.constant 0 : i32
        %dma_wait3A_328 = arith.constant 0 : i32
        %dma_wait3A_329 = tpu.memref_slice %arg13[%dma_wait3A_327, %dma_wait3A_328] : memref<10112x128xf32, #tpu.memory_space<vmem_shared>> -> memref<10112x128xf32, #tpu.memory_space<vmem_shared>>
        tpu.wait_indirect_dma semaphore(%run_scoped3A_317 : memref<!tpu.dma_semaphore, #tpu.memory_space<semaphore_mem>>) src(%arg11 : memref<128x128xf32, #tpu.memory_space<vmem>>) dst(%dma_wait3A_329 : memref<10112x128xf32, #tpu.memory_space<vmem_shared>>)
        tpu.yield
      }) : () -> ()
      %dma_start3A_129 = arith.constant 4 : i32
      %dma_start3A_130 = arith.constant 0 : i32
      %dma_start3A_131 = tpu.memref_slice %arg9[%dma_start3A_129, %dma_start3A_130] : memref<16x128xi32, #tpu.memory_space<vmem>> -> memref<1x128xi32, #tpu.memory_space<vmem>>
      %dma_start3A_132 = tpu.memref_squeeze %dma_start3A_131 : memref<1x128xi32, #tpu.memory_space<vmem>> -> memref<128xi32, #tpu.memory_space<vmem>>
      %dma_start3A_133 = arith.constant 0 : i32
      %dma_start3A_134 = arith.constant 0 : i32
      %dma_start3A_135 = tpu.memref_slice %arg2[%dma_start3A_133, %dma_start3A_134] : memref<10000x128xf32, #tpu.memory_space<hbm>> -> memref<10000x128xf32, #tpu.memory_space<hbm>>
      tpu.enqueue_indirect_dma source(%dma_start3A_135 : memref<10000x128xf32, #tpu.memory_space<hbm>>) target(%arg11 : memref<128x128xf32, #tpu.memory_space<vmem>>) offsets(%dma_start3A_132 : memref<128xi32, #tpu.memory_space<vmem>>) semaphore(%arg14 : memref<!tpu.dma_semaphore, #tpu.memory_space<semaphore_mem>>)
      %dma_wait3A_136 = arith.constant 3 : i32
      %dma_wait3A_137 = arith.constant 0 : i32
      %dma_wait3A_138 = tpu.memref_slice %arg9[%dma_wait3A_136, %dma_wait3A_137] : memref<16x128xi32, #tpu.memory_space<vmem>> -> memref<1x128xi32, #tpu.memory_space<vmem>>
      %dma_wait3A_139 = tpu.memref_squeeze %dma_wait3A_138 : memref<1x128xi32, #tpu.memory_space<vmem>> -> memref<128xi32, #tpu.memory_space<vmem>>
      %dma_wait3A_140 = arith.constant 0 : i32
      %dma_wait3A_141 = arith.constant 0 : i32
      %dma_wait3A_142 = tpu.memref_slice %arg2[%dma_wait3A_140, %dma_wait3A_141] : memref<10000x128xf32, #tpu.memory_space<hbm>> -> memref<10000x128xf32, #tpu.memory_space<hbm>>
      tpu.wait_indirect_dma semaphore(%arg15 : memref<!tpu.dma_semaphore, #tpu.memory_space<semaphore_mem>>) src(%dma_wait3A_142 : memref<10000x128xf32, #tpu.memory_space<hbm>>) dst(%arg12 : memref<128x128xf32, #tpu.memory_space<vmem>>)
      %run_scoped3A_143 = arith.constant 3 : i32
      "tpu.region"() ({
        %run_scoped3A_317 = tpu.sem_alloc : memref<!tpu.dma_semaphore, #tpu.memory_space<semaphore_mem>>
        %dma_start3A_318 = arith.constant 0 : i32
        %dma_start3A_319 = tpu.memref_slice %arg10[%run_scoped3A_143, %dma_start3A_318] : memref<16x128xi32, #tpu.memory_space<vmem>> -> memref<1x128xi32, #tpu.memory_space<vmem>>
        %dma_start3A_320 = tpu.memref_squeeze %dma_start3A_319 : memref<1x128xi32, #tpu.memory_space<vmem>> -> memref<128xi32, #tpu.memory_space<vmem>>
        %dma_start3A_321 = arith.constant 0 : i32
        %dma_start3A_322 = arith.constant 0 : i32
        %dma_start3A_323 = tpu.memref_slice %arg13[%dma_start3A_321, %dma_start3A_322] : memref<10112x128xf32, #tpu.memory_space<vmem_shared>> -> memref<10112x128xf32, #tpu.memory_space<vmem_shared>>
        tpu.enqueue_indirect_dma source(%arg12 : memref<128x128xf32, #tpu.memory_space<vmem>>) target(%dma_start3A_323 : memref<10112x128xf32, #tpu.memory_space<vmem_shared>>) offsets(%dma_start3A_320 : memref<128xi32, #tpu.memory_space<vmem>>) semaphore(%run_scoped3A_317 : memref<!tpu.dma_semaphore, #tpu.memory_space<semaphore_mem>>) {add = true}
        %dma_wait3A_324 = arith.constant 0 : i32
        %dma_wait3A_325 = tpu.memref_slice %arg10[%run_scoped3A_143, %dma_wait3A_324] : memref<16x128xi32, #tpu.memory_space<vmem>> -> memref<1x128xi32, #tpu.memory_space<vmem>>
        %dma_wait3A_326 = tpu.memref_squeeze %dma_wait3A_325 : memref<1x128xi32, #tpu.memory_space<vmem>> -> memref<128xi32, #tpu.memory_space<vmem>>
        %dma_wait3A_327 = arith.constant 0 : i32
        %dma_wait3A_328 = arith.constant 0 : i32
        %dma_wait3A_329 = tpu.memref_slice %arg13[%dma_wait3A_327, %dma_wait3A_328] : memref<10112x128xf32, #tpu.memory_space<vmem_shared>> -> memref<10112x128xf32, #tpu.memory_space<vmem_shared>>
        tpu.wait_indirect_dma semaphore(%run_scoped3A_317 : memref<!tpu.dma_semaphore, #tpu.memory_space<semaphore_mem>>) src(%arg12 : memref<128x128xf32, #tpu.memory_space<vmem>>) dst(%dma_wait3A_329 : memref<10112x128xf32, #tpu.memory_space<vmem_shared>>)
        tpu.yield
      }) : () -> ()
      %dma_start3A_144 = arith.constant 5 : i32
      %dma_start3A_145 = arith.constant 0 : i32
      %dma_start3A_146 = tpu.memref_slice %arg9[%dma_start3A_144, %dma_start3A_145] : memref<16x128xi32, #tpu.memory_space<vmem>> -> memref<1x128xi32, #tpu.memory_space<vmem>>
      %dma_start3A_147 = tpu.memref_squeeze %dma_start3A_146 : memref<1x128xi32, #tpu.memory_space<vmem>> -> memref<128xi32, #tpu.memory_space<vmem>>
      %dma_start3A_148 = arith.constant 0 : i32
      %dma_start3A_149 = arith.constant 0 : i32
      %dma_start3A_150 = tpu.memref_slice %arg2[%dma_start3A_148, %dma_start3A_149] : memref<10000x128xf32, #tpu.memory_space<hbm>> -> memref<10000x128xf32, #tpu.memory_space<hbm>>
      tpu.enqueue_indirect_dma source(%dma_start3A_150 : memref<10000x128xf32, #tpu.memory_space<hbm>>) target(%arg12 : memref<128x128xf32, #tpu.memory_space<vmem>>) offsets(%dma_start3A_147 : memref<128xi32, #tpu.memory_space<vmem>>) semaphore(%arg15 : memref<!tpu.dma_semaphore, #tpu.memory_space<semaphore_mem>>)
      %dma_wait3A_151 = arith.constant 4 : i32
      %dma_wait3A_152 = arith.constant 0 : i32
      %dma_wait3A_153 = tpu.memref_slice %arg9[%dma_wait3A_151, %dma_wait3A_152] : memref<16x128xi32, #tpu.memory_space<vmem>> -> memref<1x128xi32, #tpu.memory_space<vmem>>
      %dma_wait3A_154 = tpu.memref_squeeze %dma_wait3A_153 : memref<1x128xi32, #tpu.memory_space<vmem>> -> memref<128xi32, #tpu.memory_space<vmem>>
      %dma_wait3A_155 = arith.constant 0 : i32
      %dma_wait3A_156 = arith.constant 0 : i32
      %dma_wait3A_157 = tpu.memref_slice %arg2[%dma_wait3A_155, %dma_wait3A_156] : memref<10000x128xf32, #tpu.memory_space<hbm>> -> memref<10000x128xf32, #tpu.memory_space<hbm>>
      tpu.wait_indirect_dma semaphore(%arg14 : memref<!tpu.dma_semaphore, #tpu.memory_space<semaphore_mem>>) src(%dma_wait3A_157 : memref<10000x128xf32, #tpu.memory_space<hbm>>) dst(%arg11 : memref<128x128xf32, #tpu.memory_space<vmem>>)
      %run_scoped3A_158 = arith.constant 4 : i32
      "tpu.region"() ({
        %run_scoped3A_317 = tpu.sem_alloc : memref<!tpu.dma_semaphore, #tpu.memory_space<semaphore_mem>>
        %dma_start3A_318 = arith.constant 0 : i32
        %dma_start3A_319 = tpu.memref_slice %arg10[%run_scoped3A_158, %dma_start3A_318] : memref<16x128xi32, #tpu.memory_space<vmem>> -> memref<1x128xi32, #tpu.memory_space<vmem>>
        %dma_start3A_320 = tpu.memref_squeeze %dma_start3A_319 : memref<1x128xi32, #tpu.memory_space<vmem>> -> memref<128xi32, #tpu.memory_space<vmem>>
        %dma_start3A_321 = arith.constant 0 : i32
        %dma_start3A_322 = arith.constant 0 : i32
        %dma_start3A_323 = tpu.memref_slice %arg13[%dma_start3A_321, %dma_start3A_322] : memref<10112x128xf32, #tpu.memory_space<vmem_shared>> -> memref<10112x128xf32, #tpu.memory_space<vmem_shared>>
        tpu.enqueue_indirect_dma source(%arg11 : memref<128x128xf32, #tpu.memory_space<vmem>>) target(%dma_start3A_323 : memref<10112x128xf32, #tpu.memory_space<vmem_shared>>) offsets(%dma_start3A_320 : memref<128xi32, #tpu.memory_space<vmem>>) semaphore(%run_scoped3A_317 : memref<!tpu.dma_semaphore, #tpu.memory_space<semaphore_mem>>) {add = true}
        %dma_wait3A_324 = arith.constant 0 : i32
        %dma_wait3A_325 = tpu.memref_slice %arg10[%run_scoped3A_158, %dma_wait3A_324] : memref<16x128xi32, #tpu.memory_space<vmem>> -> memref<1x128xi32, #tpu.memory_space<vmem>>
        %dma_wait3A_326 = tpu.memref_squeeze %dma_wait3A_325 : memref<1x128xi32, #tpu.memory_space<vmem>> -> memref<128xi32, #tpu.memory_space<vmem>>
        %dma_wait3A_327 = arith.constant 0 : i32
        %dma_wait3A_328 = arith.constant 0 : i32
        %dma_wait3A_329 = tpu.memref_slice %arg13[%dma_wait3A_327, %dma_wait3A_328] : memref<10112x128xf32, #tpu.memory_space<vmem_shared>> -> memref<10112x128xf32, #tpu.memory_space<vmem_shared>>
        tpu.wait_indirect_dma semaphore(%run_scoped3A_317 : memref<!tpu.dma_semaphore, #tpu.memory_space<semaphore_mem>>) src(%arg11 : memref<128x128xf32, #tpu.memory_space<vmem>>) dst(%dma_wait3A_329 : memref<10112x128xf32, #tpu.memory_space<vmem_shared>>)
        tpu.yield
      }) : () -> ()
      %dma_start3A_159 = arith.constant 6 : i32
      %dma_start3A_160 = arith.constant 0 : i32
      %dma_start3A_161 = tpu.memref_slice %arg9[%dma_start3A_159, %dma_start3A_160] : memref<16x128xi32, #tpu.memory_space<vmem>> -> memref<1x128xi32, #tpu.memory_space<vmem>>
      %dma_start3A_162 = tpu.memref_squeeze %dma_start3A_161 : memref<1x128xi32, #tpu.memory_space<vmem>> -> memref<128xi32, #tpu.memory_space<vmem>>
      %dma_start3A_163 = arith.constant 0 : i32
      %dma_start3A_164 = arith.constant 0 : i32
      %dma_start3A_165 = tpu.memref_slice %arg2[%dma_start3A_163, %dma_start3A_164] : memref<10000x128xf32, #tpu.memory_space<hbm>> -> memref<10000x128xf32, #tpu.memory_space<hbm>>
      tpu.enqueue_indirect_dma source(%dma_start3A_165 : memref<10000x128xf32, #tpu.memory_space<hbm>>) target(%arg11 : memref<128x128xf32, #tpu.memory_space<vmem>>) offsets(%dma_start3A_162 : memref<128xi32, #tpu.memory_space<vmem>>) semaphore(%arg14 : memref<!tpu.dma_semaphore, #tpu.memory_space<semaphore_mem>>)
      %dma_wait3A_166 = arith.constant 5 : i32
      %dma_wait3A_167 = arith.constant 0 : i32
      %dma_wait3A_168 = tpu.memref_slice %arg9[%dma_wait3A_166, %dma_wait3A_167] : memref<16x128xi32, #tpu.memory_space<vmem>> -> memref<1x128xi32, #tpu.memory_space<vmem>>
      %dma_wait3A_169 = tpu.memref_squeeze %dma_wait3A_168 : memref<1x128xi32, #tpu.memory_space<vmem>> -> memref<128xi32, #tpu.memory_space<vmem>>
      %dma_wait3A_170 = arith.constant 0 : i32
      %dma_wait3A_171 = arith.constant 0 : i32
      %dma_wait3A_172 = tpu.memref_slice %arg2[%dma_wait3A_170, %dma_wait3A_171] : memref<10000x128xf32, #tpu.memory_space<hbm>> -> memref<10000x128xf32, #tpu.memory_space<hbm>>
      tpu.wait_indirect_dma semaphore(%arg15 : memref<!tpu.dma_semaphore, #tpu.memory_space<semaphore_mem>>) src(%dma_wait3A_172 : memref<10000x128xf32, #tpu.memory_space<hbm>>) dst(%arg12 : memref<128x128xf32, #tpu.memory_space<vmem>>)
      %run_scoped3A_173 = arith.constant 5 : i32
      "tpu.region"() ({
        %run_scoped3A_317 = tpu.sem_alloc : memref<!tpu.dma_semaphore, #tpu.memory_space<semaphore_mem>>
        %dma_start3A_318 = arith.constant 0 : i32
        %dma_start3A_319 = tpu.memref_slice %arg10[%run_scoped3A_173, %dma_start3A_318] : memref<16x128xi32, #tpu.memory_space<vmem>> -> memref<1x128xi32, #tpu.memory_space<vmem>>
        %dma_start3A_320 = tpu.memref_squeeze %dma_start3A_319 : memref<1x128xi32, #tpu.memory_space<vmem>> -> memref<128xi32, #tpu.memory_space<vmem>>
        %dma_start3A_321 = arith.constant 0 : i32
        %dma_start3A_322 = arith.constant 0 : i32
        %dma_start3A_323 = tpu.memref_slice %arg13[%dma_start3A_321, %dma_start3A_322] : memref<10112x128xf32, #tpu.memory_space<vmem_shared>> -> memref<10112x128xf32, #tpu.memory_space<vmem_shared>>
        tpu.enqueue_indirect_dma source(%arg12 : memref<128x128xf32, #tpu.memory_space<vmem>>) target(%dma_start3A_323 : memref<10112x128xf32, #tpu.memory_space<vmem_shared>>) offsets(%dma_start3A_320 : memref<128xi32, #tpu.memory_space<vmem>>) semaphore(%run_scoped3A_317 : memref<!tpu.dma_semaphore, #tpu.memory_space<semaphore_mem>>) {add = true}
        %dma_wait3A_324 = arith.constant 0 : i32
        %dma_wait3A_325 = tpu.memref_slice %arg10[%run_scoped3A_173, %dma_wait3A_324] : memref<16x128xi32, #tpu.memory_space<vmem>> -> memref<1x128xi32, #tpu.memory_space<vmem>>
        %dma_wait3A_326 = tpu.memref_squeeze %dma_wait3A_325 : memref<1x128xi32, #tpu.memory_space<vmem>> -> memref<128xi32, #tpu.memory_space<vmem>>
        %dma_wait3A_327 = arith.constant 0 : i32
        %dma_wait3A_328 = arith.constant 0 : i32
        %dma_wait3A_329 = tpu.memref_slice %arg13[%dma_wait3A_327, %dma_wait3A_328] : memref<10112x128xf32, #tpu.memory_space<vmem_shared>> -> memref<10112x128xf32, #tpu.memory_space<vmem_shared>>
        tpu.wait_indirect_dma semaphore(%run_scoped3A_317 : memref<!tpu.dma_semaphore, #tpu.memory_space<semaphore_mem>>) src(%arg12 : memref<128x128xf32, #tpu.memory_space<vmem>>) dst(%dma_wait3A_329 : memref<10112x128xf32, #tpu.memory_space<vmem_shared>>)
        tpu.yield
      }) : () -> ()
      %dma_start3A_174 = arith.constant 7 : i32
      %dma_start3A_175 = arith.constant 0 : i32
      %dma_start3A_176 = tpu.memref_slice %arg9[%dma_start3A_174, %dma_start3A_175] : memref<16x128xi32, #tpu.memory_space<vmem>> -> memref<1x128xi32, #tpu.memory_space<vmem>>
      %dma_start3A_177 = tpu.memref_squeeze %dma_start3A_176 : memref<1x128xi32, #tpu.memory_space<vmem>> -> memref<128xi32, #tpu.memory_space<vmem>>
      %dma_start3A_178 = arith.constant 0 : i32
      %dma_start3A_179 = arith.constant 0 : i32
      %dma_start3A_180 = tpu.memref_slice %arg2[%dma_start3A_178, %dma_start3A_179] : memref<10000x128xf32, #tpu.memory_space<hbm>> -> memref<10000x128xf32, #tpu.memory_space<hbm>>
      tpu.enqueue_indirect_dma source(%dma_start3A_180 : memref<10000x128xf32, #tpu.memory_space<hbm>>) target(%arg12 : memref<128x128xf32, #tpu.memory_space<vmem>>) offsets(%dma_start3A_177 : memref<128xi32, #tpu.memory_space<vmem>>) semaphore(%arg15 : memref<!tpu.dma_semaphore, #tpu.memory_space<semaphore_mem>>)
      %dma_wait3A_181 = arith.constant 6 : i32
      %dma_wait3A_182 = arith.constant 0 : i32
      %dma_wait3A_183 = tpu.memref_slice %arg9[%dma_wait3A_181, %dma_wait3A_182] : memref<16x128xi32, #tpu.memory_space<vmem>> -> memref<1x128xi32, #tpu.memory_space<vmem>>
      %dma_wait3A_184 = tpu.memref_squeeze %dma_wait3A_183 : memref<1x128xi32, #tpu.memory_space<vmem>> -> memref<128xi32, #tpu.memory_space<vmem>>
      %dma_wait3A_185 = arith.constant 0 : i32
      %dma_wait3A_186 = arith.constant 0 : i32
      %dma_wait3A_187 = tpu.memref_slice %arg2[%dma_wait3A_185, %dma_wait3A_186] : memref<10000x128xf32, #tpu.memory_space<hbm>> -> memref<10000x128xf32, #tpu.memory_space<hbm>>
      tpu.wait_indirect_dma semaphore(%arg14 : memref<!tpu.dma_semaphore, #tpu.memory_space<semaphore_mem>>) src(%dma_wait3A_187 : memref<10000x128xf32, #tpu.memory_space<hbm>>) dst(%arg11 : memref<128x128xf32, #tpu.memory_space<vmem>>)
      %run_scoped3A_188 = arith.constant 6 : i32
      "tpu.region"() ({
        %run_scoped3A_317 = tpu.sem_alloc : memref<!tpu.dma_semaphore, #tpu.memory_space<semaphore_mem>>
        %dma_start3A_318 = arith.constant 0 : i32
        %dma_start3A_319 = tpu.memref_slice %arg10[%run_scoped3A_188, %dma_start3A_318] : memref<16x128xi32, #tpu.memory_space<vmem>> -> memref<1x128xi32, #tpu.memory_space<vmem>>
        %dma_start3A_320 = tpu.memref_squeeze %dma_start3A_319 : memref<1x128xi32, #tpu.memory_space<vmem>> -> memref<128xi32, #tpu.memory_space<vmem>>
        %dma_start3A_321 = arith.constant 0 : i32
        %dma_start3A_322 = arith.constant 0 : i32
        %dma_start3A_323 = tpu.memref_slice %arg13[%dma_start3A_321, %dma_start3A_322] : memref<10112x128xf32, #tpu.memory_space<vmem_shared>> -> memref<10112x128xf32, #tpu.memory_space<vmem_shared>>
        tpu.enqueue_indirect_dma source(%arg11 : memref<128x128xf32, #tpu.memory_space<vmem>>) target(%dma_start3A_323 : memref<10112x128xf32, #tpu.memory_space<vmem_shared>>) offsets(%dma_start3A_320 : memref<128xi32, #tpu.memory_space<vmem>>) semaphore(%run_scoped3A_317 : memref<!tpu.dma_semaphore, #tpu.memory_space<semaphore_mem>>) {add = true}
        %dma_wait3A_324 = arith.constant 0 : i32
        %dma_wait3A_325 = tpu.memref_slice %arg10[%run_scoped3A_188, %dma_wait3A_324] : memref<16x128xi32, #tpu.memory_space<vmem>> -> memref<1x128xi32, #tpu.memory_space<vmem>>
        %dma_wait3A_326 = tpu.memref_squeeze %dma_wait3A_325 : memref<1x128xi32, #tpu.memory_space<vmem>> -> memref<128xi32, #tpu.memory_space<vmem>>
        %dma_wait3A_327 = arith.constant 0 : i32
        %dma_wait3A_328 = arith.constant 0 : i32
        %dma_wait3A_329 = tpu.memref_slice %arg13[%dma_wait3A_327, %dma_wait3A_328] : memref<10112x128xf32, #tpu.memory_space<vmem_shared>> -> memref<10112x128xf32, #tpu.memory_space<vmem_shared>>
        tpu.wait_indirect_dma semaphore(%run_scoped3A_317 : memref<!tpu.dma_semaphore, #tpu.memory_space<semaphore_mem>>) src(%arg11 : memref<128x128xf32, #tpu.memory_space<vmem>>) dst(%dma_wait3A_329 : memref<10112x128xf32, #tpu.memory_space<vmem_shared>>)
        tpu.yield
      }) : () -> ()
      %dma_start3A_189 = arith.constant 8 : i32
      %dma_start3A_190 = arith.constant 0 : i32
      %dma_start3A_191 = tpu.memref_slice %arg9[%dma_start3A_189, %dma_start3A_190] : memref<16x128xi32, #tpu.memory_space<vmem>> -> memref<1x128xi32, #tpu.memory_space<vmem>>
      %dma_start3A_192 = tpu.memref_squeeze %dma_start3A_191 : memref<1x128xi32, #tpu.memory_space<vmem>> -> memref<128xi32, #tpu.memory_space<vmem>>
      %dma_start3A_193 = arith.constant 0 : i32
      %dma_start3A_194 = arith.constant 0 : i32
      %dma_start3A_195 = tpu.memref_slice %arg2[%dma_start3A_193, %dma_start3A_194] : memref<10000x128xf32, #tpu.memory_space<hbm>> -> memref<10000x128xf32, #tpu.memory_space<hbm>>
      tpu.enqueue_indirect_dma source(%dma_start3A_195 : memref<10000x128xf32, #tpu.memory_space<hbm>>) target(%arg11 : memref<128x128xf32, #tpu.memory_space<vmem>>) offsets(%dma_start3A_192 : memref<128xi32, #tpu.memory_space<vmem>>) semaphore(%arg14 : memref<!tpu.dma_semaphore, #tpu.memory_space<semaphore_mem>>)
      %dma_wait3A_196 = arith.constant 7 : i32
      %dma_wait3A_197 = arith.constant 0 : i32
      %dma_wait3A_198 = tpu.memref_slice %arg9[%dma_wait3A_196, %dma_wait3A_197] : memref<16x128xi32, #tpu.memory_space<vmem>> -> memref<1x128xi32, #tpu.memory_space<vmem>>
      %dma_wait3A_199 = tpu.memref_squeeze %dma_wait3A_198 : memref<1x128xi32, #tpu.memory_space<vmem>> -> memref<128xi32, #tpu.memory_space<vmem>>
      %dma_wait3A_200 = arith.constant 0 : i32
      %dma_wait3A_201 = arith.constant 0 : i32
      %dma_wait3A_202 = tpu.memref_slice %arg2[%dma_wait3A_200, %dma_wait3A_201] : memref<10000x128xf32, #tpu.memory_space<hbm>> -> memref<10000x128xf32, #tpu.memory_space<hbm>>
      tpu.wait_indirect_dma semaphore(%arg15 : memref<!tpu.dma_semaphore, #tpu.memory_space<semaphore_mem>>) src(%dma_wait3A_202 : memref<10000x128xf32, #tpu.memory_space<hbm>>) dst(%arg12 : memref<128x128xf32, #tpu.memory_space<vmem>>)
      %run_scoped3A_203 = arith.constant 7 : i32
      "tpu.region"() ({
        %run_scoped3A_317 = tpu.sem_alloc : memref<!tpu.dma_semaphore, #tpu.memory_space<semaphore_mem>>
        %dma_start3A_318 = arith.constant 0 : i32
        %dma_start3A_319 = tpu.memref_slice %arg10[%run_scoped3A_203, %dma_start3A_318] : memref<16x128xi32, #tpu.memory_space<vmem>> -> memref<1x128xi32, #tpu.memory_space<vmem>>
        %dma_start3A_320 = tpu.memref_squeeze %dma_start3A_319 : memref<1x128xi32, #tpu.memory_space<vmem>> -> memref<128xi32, #tpu.memory_space<vmem>>
        %dma_start3A_321 = arith.constant 0 : i32
        %dma_start3A_322 = arith.constant 0 : i32
        %dma_start3A_323 = tpu.memref_slice %arg13[%dma_start3A_321, %dma_start3A_322] : memref<10112x128xf32, #tpu.memory_space<vmem_shared>> -> memref<10112x128xf32, #tpu.memory_space<vmem_shared>>
        tpu.enqueue_indirect_dma source(%arg12 : memref<128x128xf32, #tpu.memory_space<vmem>>) target(%dma_start3A_323 : memref<10112x128xf32, #tpu.memory_space<vmem_shared>>) offsets(%dma_start3A_320 : memref<128xi32, #tpu.memory_space<vmem>>) semaphore(%run_scoped3A_317 : memref<!tpu.dma_semaphore, #tpu.memory_space<semaphore_mem>>) {add = true}
        %dma_wait3A_324 = arith.constant 0 : i32
        %dma_wait3A_325 = tpu.memref_slice %arg10[%run_scoped3A_203, %dma_wait3A_324] : memref<16x128xi32, #tpu.memory_space<vmem>> -> memref<1x128xi32, #tpu.memory_space<vmem>>
        %dma_wait3A_326 = tpu.memref_squeeze %dma_wait3A_325 : memref<1x128xi32, #tpu.memory_space<vmem>> -> memref<128xi32, #tpu.memory_space<vmem>>
        %dma_wait3A_327 = arith.constant 0 : i32
        %dma_wait3A_328 = arith.constant 0 : i32
        %dma_wait3A_329 = tpu.memref_slice %arg13[%dma_wait3A_327, %dma_wait3A_328] : memref<10112x128xf32, #tpu.memory_space<vmem_shared>> -> memref<10112x128xf32, #tpu.memory_space<vmem_shared>>
        tpu.wait_indirect_dma semaphore(%run_scoped3A_317 : memref<!tpu.dma_semaphore, #tpu.memory_space<semaphore_mem>>) src(%arg12 : memref<128x128xf32, #tpu.memory_space<vmem>>) dst(%dma_wait3A_329 : memref<10112x128xf32, #tpu.memory_space<vmem_shared>>)
        tpu.yield
      }) : () -> ()
      %dma_start3A_204 = arith.constant 9 : i32
      %dma_start3A_205 = arith.constant 0 : i32
      %dma_start3A_206 = tpu.memref_slice %arg9[%dma_start3A_204, %dma_start3A_205] : memref<16x128xi32, #tpu.memory_space<vmem>> -> memref<1x128xi32, #tpu.memory_space<vmem>>
      %dma_start3A_207 = tpu.memref_squeeze %dma_start3A_206 : memref<1x128xi32, #tpu.memory_space<vmem>> -> memref<128xi32, #tpu.memory_space<vmem>>
      %dma_start3A_208 = arith.constant 0 : i32
      %dma_start3A_209 = arith.constant 0 : i32
      %dma_start3A_210 = tpu.memref_slice %arg2[%dma_start3A_208, %dma_start3A_209] : memref<10000x128xf32, #tpu.memory_space<hbm>> -> memref<10000x128xf32, #tpu.memory_space<hbm>>
      tpu.enqueue_indirect_dma source(%dma_start3A_210 : memref<10000x128xf32, #tpu.memory_space<hbm>>) target(%arg12 : memref<128x128xf32, #tpu.memory_space<vmem>>) offsets(%dma_start3A_207 : memref<128xi32, #tpu.memory_space<vmem>>) semaphore(%arg15 : memref<!tpu.dma_semaphore, #tpu.memory_space<semaphore_mem>>)
      %dma_wait3A_211 = arith.constant 8 : i32
      %dma_wait3A_212 = arith.constant 0 : i32
      %dma_wait3A_213 = tpu.memref_slice %arg9[%dma_wait3A_211, %dma_wait3A_212] : memref<16x128xi32, #tpu.memory_space<vmem>> -> memref<1x128xi32, #tpu.memory_space<vmem>>
      %dma_wait3A_214 = tpu.memref_squeeze %dma_wait3A_213 : memref<1x128xi32, #tpu.memory_space<vmem>> -> memref<128xi32, #tpu.memory_space<vmem>>
      %dma_wait3A_215 = arith.constant 0 : i32
      %dma_wait3A_216 = arith.constant 0 : i32
      %dma_wait3A_217 = tpu.memref_slice %arg2[%dma_wait3A_215, %dma_wait3A_216] : memref<10000x128xf32, #tpu.memory_space<hbm>> -> memref<10000x128xf32, #tpu.memory_space<hbm>>
      tpu.wait_indirect_dma semaphore(%arg14 : memref<!tpu.dma_semaphore, #tpu.memory_space<semaphore_mem>>) src(%dma_wait3A_217 : memref<10000x128xf32, #tpu.memory_space<hbm>>) dst(%arg11 : memref<128x128xf32, #tpu.memory_space<vmem>>)
      %run_scoped3A_218 = arith.constant 8 : i32
      "tpu.region"() ({
        %run_scoped3A_317 = tpu.sem_alloc : memref<!tpu.dma_semaphore, #tpu.memory_space<semaphore_mem>>
        %dma_start3A_318 = arith.constant 0 : i32
        %dma_start3A_319 = tpu.memref_slice %arg10[%run_scoped3A_218, %dma_start3A_318] : memref<16x128xi32, #tpu.memory_space<vmem>> -> memref<1x128xi32, #tpu.memory_space<vmem>>
        %dma_start3A_320 = tpu.memref_squeeze %dma_start3A_319 : memref<1x128xi32, #tpu.memory_space<vmem>> -> memref<128xi32, #tpu.memory_space<vmem>>
        %dma_start3A_321 = arith.constant 0 : i32
        %dma_start3A_322 = arith.constant 0 : i32
        %dma_start3A_323 = tpu.memref_slice %arg13[%dma_start3A_321, %dma_start3A_322] : memref<10112x128xf32, #tpu.memory_space<vmem_shared>> -> memref<10112x128xf32, #tpu.memory_space<vmem_shared>>
        tpu.enqueue_indirect_dma source(%arg11 : memref<128x128xf32, #tpu.memory_space<vmem>>) target(%dma_start3A_323 : memref<10112x128xf32, #tpu.memory_space<vmem_shared>>) offsets(%dma_start3A_320 : memref<128xi32, #tpu.memory_space<vmem>>) semaphore(%run_scoped3A_317 : memref<!tpu.dma_semaphore, #tpu.memory_space<semaphore_mem>>) {add = true}
        %dma_wait3A_324 = arith.constant 0 : i32
        %dma_wait3A_325 = tpu.memref_slice %arg10[%run_scoped3A_218, %dma_wait3A_324] : memref<16x128xi32, #tpu.memory_space<vmem>> -> memref<1x128xi32, #tpu.memory_space<vmem>>
        %dma_wait3A_326 = tpu.memref_squeeze %dma_wait3A_325 : memref<1x128xi32, #tpu.memory_space<vmem>> -> memref<128xi32, #tpu.memory_space<vmem>>
        %dma_wait3A_327 = arith.constant 0 : i32
        %dma_wait3A_328 = arith.constant 0 : i32
        %dma_wait3A_329 = tpu.memref_slice %arg13[%dma_wait3A_327, %dma_wait3A_328] : memref<10112x128xf32, #tpu.memory_space<vmem_shared>> -> memref<10112x128xf32, #tpu.memory_space<vmem_shared>>
        tpu.wait_indirect_dma semaphore(%run_scoped3A_317 : memref<!tpu.dma_semaphore, #tpu.memory_space<semaphore_mem>>) src(%arg11 : memref<128x128xf32, #tpu.memory_space<vmem>>) dst(%dma_wait3A_329 : memref<10112x128xf32, #tpu.memory_space<vmem_shared>>)
        tpu.yield
      }) : () -> ()
      %dma_start3A_219 = arith.constant 10 : i32
      %dma_start3A_220 = arith.constant 0 : i32
      %dma_start3A_221 = tpu.memref_slice %arg9[%dma_start3A_219, %dma_start3A_220] : memref<16x128xi32, #tpu.memory_space<vmem>> -> memref<1x128xi32, #tpu.memory_space<vmem>>
      %dma_start3A_222 = tpu.memref_squeeze %dma_start3A_221 : memref<1x128xi32, #tpu.memory_space<vmem>> -> memref<128xi32, #tpu.memory_space<vmem>>
      %dma_start3A_223 = arith.constant 0 : i32
      %dma_start3A_224 = arith.constant 0 : i32
      %dma_start3A_225 = tpu.memref_slice %arg2[%dma_start3A_223, %dma_start3A_224] : memref<10000x128xf32, #tpu.memory_space<hbm>> -> memref<10000x128xf32, #tpu.memory_space<hbm>>
      tpu.enqueue_indirect_dma source(%dma_start3A_225 : memref<10000x128xf32, #tpu.memory_space<hbm>>) target(%arg11 : memref<128x128xf32, #tpu.memory_space<vmem>>) offsets(%dma_start3A_222 : memref<128xi32, #tpu.memory_space<vmem>>) semaphore(%arg14 : memref<!tpu.dma_semaphore, #tpu.memory_space<semaphore_mem>>)
      %dma_wait3A_226 = arith.constant 9 : i32
      %dma_wait3A_227 = arith.constant 0 : i32
      %dma_wait3A_228 = tpu.memref_slice %arg9[%dma_wait3A_226, %dma_wait3A_227] : memref<16x128xi32, #tpu.memory_space<vmem>> -> memref<1x128xi32, #tpu.memory_space<vmem>>
      %dma_wait3A_229 = tpu.memref_squeeze %dma_wait3A_228 : memref<1x128xi32, #tpu.memory_space<vmem>> -> memref<128xi32, #tpu.memory_space<vmem>>
      %dma_wait3A_230 = arith.constant 0 : i32
      %dma_wait3A_231 = arith.constant 0 : i32
      %dma_wait3A_232 = tpu.memref_slice %arg2[%dma_wait3A_230, %dma_wait3A_231] : memref<10000x128xf32, #tpu.memory_space<hbm>> -> memref<10000x128xf32, #tpu.memory_space<hbm>>
      tpu.wait_indirect_dma semaphore(%arg15 : memref<!tpu.dma_semaphore, #tpu.memory_space<semaphore_mem>>) src(%dma_wait3A_232 : memref<10000x128xf32, #tpu.memory_space<hbm>>) dst(%arg12 : memref<128x128xf32, #tpu.memory_space<vmem>>)
      %run_scoped3A_233 = arith.constant 9 : i32
      "tpu.region"() ({
        %run_scoped3A_317 = tpu.sem_alloc : memref<!tpu.dma_semaphore, #tpu.memory_space<semaphore_mem>>
        %dma_start3A_318 = arith.constant 0 : i32
        %dma_start3A_319 = tpu.memref_slice %arg10[%run_scoped3A_233, %dma_start3A_318] : memref<16x128xi32, #tpu.memory_space<vmem>> -> memref<1x128xi32, #tpu.memory_space<vmem>>
        %dma_start3A_320 = tpu.memref_squeeze %dma_start3A_319 : memref<1x128xi32, #tpu.memory_space<vmem>> -> memref<128xi32, #tpu.memory_space<vmem>>
        %dma_start3A_321 = arith.constant 0 : i32
        %dma_start3A_322 = arith.constant 0 : i32
        %dma_start3A_323 = tpu.memref_slice %arg13[%dma_start3A_321, %dma_start3A_322] : memref<10112x128xf32, #tpu.memory_space<vmem_shared>> -> memref<10112x128xf32, #tpu.memory_space<vmem_shared>>
        tpu.enqueue_indirect_dma source(%arg12 : memref<128x128xf32, #tpu.memory_space<vmem>>) target(%dma_start3A_323 : memref<10112x128xf32, #tpu.memory_space<vmem_shared>>) offsets(%dma_start3A_320 : memref<128xi32, #tpu.memory_space<vmem>>) semaphore(%run_scoped3A_317 : memref<!tpu.dma_semaphore, #tpu.memory_space<semaphore_mem>>) {add = true}
        %dma_wait3A_324 = arith.constant 0 : i32
        %dma_wait3A_325 = tpu.memref_slice %arg10[%run_scoped3A_233, %dma_wait3A_324] : memref<16x128xi32, #tpu.memory_space<vmem>> -> memref<1x128xi32, #tpu.memory_space<vmem>>
        %dma_wait3A_326 = tpu.memref_squeeze %dma_wait3A_325 : memref<1x128xi32, #tpu.memory_space<vmem>> -> memref<128xi32, #tpu.memory_space<vmem>>
        %dma_wait3A_327 = arith.constant 0 : i32
        %dma_wait3A_328 = arith.constant 0 : i32
        %dma_wait3A_329 = tpu.memref_slice %arg13[%dma_wait3A_327, %dma_wait3A_328] : memref<10112x128xf32, #tpu.memory_space<vmem_shared>> -> memref<10112x128xf32, #tpu.memory_space<vmem_shared>>
        tpu.wait_indirect_dma semaphore(%run_scoped3A_317 : memref<!tpu.dma_semaphore, #tpu.memory_space<semaphore_mem>>) src(%arg12 : memref<128x128xf32, #tpu.memory_space<vmem>>) dst(%dma_wait3A_329 : memref<10112x128xf32, #tpu.memory_space<vmem_shared>>)
        tpu.yield
      }) : () -> ()
      %dma_start3A_234 = arith.constant 11 : i32
      %dma_start3A_235 = arith.constant 0 : i32
      %dma_start3A_236 = tpu.memref_slice %arg9[%dma_start3A_234, %dma_start3A_235] : memref<16x128xi32, #tpu.memory_space<vmem>> -> memref<1x128xi32, #tpu.memory_space<vmem>>
      %dma_start3A_237 = tpu.memref_squeeze %dma_start3A_236 : memref<1x128xi32, #tpu.memory_space<vmem>> -> memref<128xi32, #tpu.memory_space<vmem>>
      %dma_start3A_238 = arith.constant 0 : i32
      %dma_start3A_239 = arith.constant 0 : i32
      %dma_start3A_240 = tpu.memref_slice %arg2[%dma_start3A_238, %dma_start3A_239] : memref<10000x128xf32, #tpu.memory_space<hbm>> -> memref<10000x128xf32, #tpu.memory_space<hbm>>
      tpu.enqueue_indirect_dma source(%dma_start3A_240 : memref<10000x128xf32, #tpu.memory_space<hbm>>) target(%arg12 : memref<128x128xf32, #tpu.memory_space<vmem>>) offsets(%dma_start3A_237 : memref<128xi32, #tpu.memory_space<vmem>>) semaphore(%arg15 : memref<!tpu.dma_semaphore, #tpu.memory_space<semaphore_mem>>)
      %dma_wait3A_241 = arith.constant 10 : i32
      %dma_wait3A_242 = arith.constant 0 : i32
      %dma_wait3A_243 = tpu.memref_slice %arg9[%dma_wait3A_241, %dma_wait3A_242] : memref<16x128xi32, #tpu.memory_space<vmem>> -> memref<1x128xi32, #tpu.memory_space<vmem>>
      %dma_wait3A_244 = tpu.memref_squeeze %dma_wait3A_243 : memref<1x128xi32, #tpu.memory_space<vmem>> -> memref<128xi32, #tpu.memory_space<vmem>>
      %dma_wait3A_245 = arith.constant 0 : i32
      %dma_wait3A_246 = arith.constant 0 : i32
      %dma_wait3A_247 = tpu.memref_slice %arg2[%dma_wait3A_245, %dma_wait3A_246] : memref<10000x128xf32, #tpu.memory_space<hbm>> -> memref<10000x128xf32, #tpu.memory_space<hbm>>
      tpu.wait_indirect_dma semaphore(%arg14 : memref<!tpu.dma_semaphore, #tpu.memory_space<semaphore_mem>>) src(%dma_wait3A_247 : memref<10000x128xf32, #tpu.memory_space<hbm>>) dst(%arg11 : memref<128x128xf32, #tpu.memory_space<vmem>>)
      %run_scoped3A_248 = arith.constant 10 : i32
      "tpu.region"() ({
        %run_scoped3A_317 = tpu.sem_alloc : memref<!tpu.dma_semaphore, #tpu.memory_space<semaphore_mem>>
        %dma_start3A_318 = arith.constant 0 : i32
        %dma_start3A_319 = tpu.memref_slice %arg10[%run_scoped3A_248, %dma_start3A_318] : memref<16x128xi32, #tpu.memory_space<vmem>> -> memref<1x128xi32, #tpu.memory_space<vmem>>
        %dma_start3A_320 = tpu.memref_squeeze %dma_start3A_319 : memref<1x128xi32, #tpu.memory_space<vmem>> -> memref<128xi32, #tpu.memory_space<vmem>>
        %dma_start3A_321 = arith.constant 0 : i32
        %dma_start3A_322 = arith.constant 0 : i32
        %dma_start3A_323 = tpu.memref_slice %arg13[%dma_start3A_321, %dma_start3A_322] : memref<10112x128xf32, #tpu.memory_space<vmem_shared>> -> memref<10112x128xf32, #tpu.memory_space<vmem_shared>>
        tpu.enqueue_indirect_dma source(%arg11 : memref<128x128xf32, #tpu.memory_space<vmem>>) target(%dma_start3A_323 : memref<10112x128xf32, #tpu.memory_space<vmem_shared>>) offsets(%dma_start3A_320 : memref<128xi32, #tpu.memory_space<vmem>>) semaphore(%run_scoped3A_317 : memref<!tpu.dma_semaphore, #tpu.memory_space<semaphore_mem>>) {add = true}
        %dma_wait3A_324 = arith.constant 0 : i32
        %dma_wait3A_325 = tpu.memref_slice %arg10[%run_scoped3A_248, %dma_wait3A_324] : memref<16x128xi32, #tpu.memory_space<vmem>> -> memref<1x128xi32, #tpu.memory_space<vmem>>
        %dma_wait3A_326 = tpu.memref_squeeze %dma_wait3A_325 : memref<1x128xi32, #tpu.memory_space<vmem>> -> memref<128xi32, #tpu.memory_space<vmem>>
        %dma_wait3A_327 = arith.constant 0 : i32
        %dma_wait3A_328 = arith.constant 0 : i32
        %dma_wait3A_329 = tpu.memref_slice %arg13[%dma_wait3A_327, %dma_wait3A_328] : memref<10112x128xf32, #tpu.memory_space<vmem_shared>> -> memref<10112x128xf32, #tpu.memory_space<vmem_shared>>
        tpu.wait_indirect_dma semaphore(%run_scoped3A_317 : memref<!tpu.dma_semaphore, #tpu.memory_space<semaphore_mem>>) src(%arg11 : memref<128x128xf32, #tpu.memory_space<vmem>>) dst(%dma_wait3A_329 : memref<10112x128xf32, #tpu.memory_space<vmem_shared>>)
        tpu.yield
      }) : () -> ()
      %dma_start3A_249 = arith.constant 12 : i32
      %dma_start3A_250 = arith.constant 0 : i32
      %dma_start3A_251 = tpu.memref_slice %arg9[%dma_start3A_249, %dma_start3A_250] : memref<16x128xi32, #tpu.memory_space<vmem>> -> memref<1x128xi32, #tpu.memory_space<vmem>>
      %dma_start3A_252 = tpu.memref_squeeze %dma_start3A_251 : memref<1x128xi32, #tpu.memory_space<vmem>> -> memref<128xi32, #tpu.memory_space<vmem>>
      %dma_start3A_253 = arith.constant 0 : i32
      %dma_start3A_254 = arith.constant 0 : i32
      %dma_start3A_255 = tpu.memref_slice %arg2[%dma_start3A_253, %dma_start3A_254] : memref<10000x128xf32, #tpu.memory_space<hbm>> -> memref<10000x128xf32, #tpu.memory_space<hbm>>
      tpu.enqueue_indirect_dma source(%dma_start3A_255 : memref<10000x128xf32, #tpu.memory_space<hbm>>) target(%arg11 : memref<128x128xf32, #tpu.memory_space<vmem>>) offsets(%dma_start3A_252 : memref<128xi32, #tpu.memory_space<vmem>>) semaphore(%arg14 : memref<!tpu.dma_semaphore, #tpu.memory_space<semaphore_mem>>)
      %dma_wait3A_256 = arith.constant 11 : i32
      %dma_wait3A_257 = arith.constant 0 : i32
      %dma_wait3A_258 = tpu.memref_slice %arg9[%dma_wait3A_256, %dma_wait3A_257] : memref<16x128xi32, #tpu.memory_space<vmem>> -> memref<1x128xi32, #tpu.memory_space<vmem>>
      %dma_wait3A_259 = tpu.memref_squeeze %dma_wait3A_258 : memref<1x128xi32, #tpu.memory_space<vmem>> -> memref<128xi32, #tpu.memory_space<vmem>>
      %dma_wait3A_260 = arith.constant 0 : i32
      %dma_wait3A_261 = arith.constant 0 : i32
      %dma_wait3A_262 = tpu.memref_slice %arg2[%dma_wait3A_260, %dma_wait3A_261] : memref<10000x128xf32, #tpu.memory_space<hbm>> -> memref<10000x128xf32, #tpu.memory_space<hbm>>
      tpu.wait_indirect_dma semaphore(%arg15 : memref<!tpu.dma_semaphore, #tpu.memory_space<semaphore_mem>>) src(%dma_wait3A_262 : memref<10000x128xf32, #tpu.memory_space<hbm>>) dst(%arg12 : memref<128x128xf32, #tpu.memory_space<vmem>>)
      %run_scoped3A_263 = arith.constant 11 : i32
      "tpu.region"() ({
        %run_scoped3A_317 = tpu.sem_alloc : memref<!tpu.dma_semaphore, #tpu.memory_space<semaphore_mem>>
        %dma_start3A_318 = arith.constant 0 : i32
        %dma_start3A_319 = tpu.memref_slice %arg10[%run_scoped3A_263, %dma_start3A_318] : memref<16x128xi32, #tpu.memory_space<vmem>> -> memref<1x128xi32, #tpu.memory_space<vmem>>
        %dma_start3A_320 = tpu.memref_squeeze %dma_start3A_319 : memref<1x128xi32, #tpu.memory_space<vmem>> -> memref<128xi32, #tpu.memory_space<vmem>>
        %dma_start3A_321 = arith.constant 0 : i32
        %dma_start3A_322 = arith.constant 0 : i32
        %dma_start3A_323 = tpu.memref_slice %arg13[%dma_start3A_321, %dma_start3A_322] : memref<10112x128xf32, #tpu.memory_space<vmem_shared>> -> memref<10112x128xf32, #tpu.memory_space<vmem_shared>>
        tpu.enqueue_indirect_dma source(%arg12 : memref<128x128xf32, #tpu.memory_space<vmem>>) target(%dma_start3A_323 : memref<10112x128xf32, #tpu.memory_space<vmem_shared>>) offsets(%dma_start3A_320 : memref<128xi32, #tpu.memory_space<vmem>>) semaphore(%run_scoped3A_317 : memref<!tpu.dma_semaphore, #tpu.memory_space<semaphore_mem>>) {add = true}
        %dma_wait3A_324 = arith.constant 0 : i32
        %dma_wait3A_325 = tpu.memref_slice %arg10[%run_scoped3A_263, %dma_wait3A_324] : memref<16x128xi32, #tpu.memory_space<vmem>> -> memref<1x128xi32, #tpu.memory_space<vmem>>
        %dma_wait3A_326 = tpu.memref_squeeze %dma_wait3A_325 : memref<1x128xi32, #tpu.memory_space<vmem>> -> memref<128xi32, #tpu.memory_space<vmem>>
        %dma_wait3A_327 = arith.constant 0 : i32
        %dma_wait3A_328 = arith.constant 0 : i32
        %dma_wait3A_329 = tpu.memref_slice %arg13[%dma_wait3A_327, %dma_wait3A_328] : memref<10112x128xf32, #tpu.memory_space<vmem_shared>> -> memref<10112x128xf32, #tpu.memory_space<vmem_shared>>
        tpu.wait_indirect_dma semaphore(%run_scoped3A_317 : memref<!tpu.dma_semaphore, #tpu.memory_space<semaphore_mem>>) src(%arg12 : memref<128x128xf32, #tpu.memory_space<vmem>>) dst(%dma_wait3A_329 : memref<10112x128xf32, #tpu.memory_space<vmem_shared>>)
        tpu.yield
      }) : () -> ()
      %dma_start3A_264 = arith.constant 13 : i32
      %dma_start3A_265 = arith.constant 0 : i32
      %dma_start3A_266 = tpu.memref_slice %arg9[%dma_start3A_264, %dma_start3A_265] : memref<16x128xi32, #tpu.memory_space<vmem>> -> memref<1x128xi32, #tpu.memory_space<vmem>>
      %dma_start3A_267 = tpu.memref_squeeze %dma_start3A_266 : memref<1x128xi32, #tpu.memory_space<vmem>> -> memref<128xi32, #tpu.memory_space<vmem>>
      %dma_start3A_268 = arith.constant 0 : i32
      %dma_start3A_269 = arith.constant 0 : i32
      %dma_start3A_270 = tpu.memref_slice %arg2[%dma_start3A_268, %dma_start3A_269] : memref<10000x128xf32, #tpu.memory_space<hbm>> -> memref<10000x128xf32, #tpu.memory_space<hbm>>
      tpu.enqueue_indirect_dma source(%dma_start3A_270 : memref<10000x128xf32, #tpu.memory_space<hbm>>) target(%arg12 : memref<128x128xf32, #tpu.memory_space<vmem>>) offsets(%dma_start3A_267 : memref<128xi32, #tpu.memory_space<vmem>>) semaphore(%arg15 : memref<!tpu.dma_semaphore, #tpu.memory_space<semaphore_mem>>)
      %dma_wait3A_271 = arith.constant 12 : i32
      %dma_wait3A_272 = arith.constant 0 : i32
      %dma_wait3A_273 = tpu.memref_slice %arg9[%dma_wait3A_271, %dma_wait3A_272] : memref<16x128xi32, #tpu.memory_space<vmem>> -> memref<1x128xi32, #tpu.memory_space<vmem>>
      %dma_wait3A_274 = tpu.memref_squeeze %dma_wait3A_273 : memref<1x128xi32, #tpu.memory_space<vmem>> -> memref<128xi32, #tpu.memory_space<vmem>>
      %dma_wait3A_275 = arith.constant 0 : i32
      %dma_wait3A_276 = arith.constant 0 : i32
      %dma_wait3A_277 = tpu.memref_slice %arg2[%dma_wait3A_275, %dma_wait3A_276] : memref<10000x128xf32, #tpu.memory_space<hbm>> -> memref<10000x128xf32, #tpu.memory_space<hbm>>
      tpu.wait_indirect_dma semaphore(%arg14 : memref<!tpu.dma_semaphore, #tpu.memory_space<semaphore_mem>>) src(%dma_wait3A_277 : memref<10000x128xf32, #tpu.memory_space<hbm>>) dst(%arg11 : memref<128x128xf32, #tpu.memory_space<vmem>>)
      %run_scoped3A_278 = arith.constant 12 : i32
      "tpu.region"() ({
        %run_scoped3A_317 = tpu.sem_alloc : memref<!tpu.dma_semaphore, #tpu.memory_space<semaphore_mem>>
        %dma_start3A_318 = arith.constant 0 : i32
        %dma_start3A_319 = tpu.memref_slice %arg10[%run_scoped3A_278, %dma_start3A_318] : memref<16x128xi32, #tpu.memory_space<vmem>> -> memref<1x128xi32, #tpu.memory_space<vmem>>
        %dma_start3A_320 = tpu.memref_squeeze %dma_start3A_319 : memref<1x128xi32, #tpu.memory_space<vmem>> -> memref<128xi32, #tpu.memory_space<vmem>>
        %dma_start3A_321 = arith.constant 0 : i32
        %dma_start3A_322 = arith.constant 0 : i32
        %dma_start3A_323 = tpu.memref_slice %arg13[%dma_start3A_321, %dma_start3A_322] : memref<10112x128xf32, #tpu.memory_space<vmem_shared>> -> memref<10112x128xf32, #tpu.memory_space<vmem_shared>>
        tpu.enqueue_indirect_dma source(%arg11 : memref<128x128xf32, #tpu.memory_space<vmem>>) target(%dma_start3A_323 : memref<10112x128xf32, #tpu.memory_space<vmem_shared>>) offsets(%dma_start3A_320 : memref<128xi32, #tpu.memory_space<vmem>>) semaphore(%run_scoped3A_317 : memref<!tpu.dma_semaphore, #tpu.memory_space<semaphore_mem>>) {add = true}
        %dma_wait3A_324 = arith.constant 0 : i32
        %dma_wait3A_325 = tpu.memref_slice %arg10[%run_scoped3A_278, %dma_wait3A_324] : memref<16x128xi32, #tpu.memory_space<vmem>> -> memref<1x128xi32, #tpu.memory_space<vmem>>
        %dma_wait3A_326 = tpu.memref_squeeze %dma_wait3A_325 : memref<1x128xi32, #tpu.memory_space<vmem>> -> memref<128xi32, #tpu.memory_space<vmem>>
        %dma_wait3A_327 = arith.constant 0 : i32
        %dma_wait3A_328 = arith.constant 0 : i32
        %dma_wait3A_329 = tpu.memref_slice %arg13[%dma_wait3A_327, %dma_wait3A_328] : memref<10112x128xf32, #tpu.memory_space<vmem_shared>> -> memref<10112x128xf32, #tpu.memory_space<vmem_shared>>
        tpu.wait_indirect_dma semaphore(%run_scoped3A_317 : memref<!tpu.dma_semaphore, #tpu.memory_space<semaphore_mem>>) src(%arg11 : memref<128x128xf32, #tpu.memory_space<vmem>>) dst(%dma_wait3A_329 : memref<10112x128xf32, #tpu.memory_space<vmem_shared>>)
        tpu.yield
      }) : () -> ()
      %dma_start3A_279 = arith.constant 14 : i32
      %dma_start3A_280 = arith.constant 0 : i32
      %dma_start3A_281 = tpu.memref_slice %arg9[%dma_start3A_279, %dma_start3A_280] : memref<16x128xi32, #tpu.memory_space<vmem>> -> memref<1x128xi32, #tpu.memory_space<vmem>>
      %dma_start3A_282 = tpu.memref_squeeze %dma_start3A_281 : memref<1x128xi32, #tpu.memory_space<vmem>> -> memref<128xi32, #tpu.memory_space<vmem>>
      %dma_start3A_283 = arith.constant 0 : i32
      %dma_start3A_284 = arith.constant 0 : i32
      %dma_start3A_285 = tpu.memref_slice %arg2[%dma_start3A_283, %dma_start3A_284] : memref<10000x128xf32, #tpu.memory_space<hbm>> -> memref<10000x128xf32, #tpu.memory_space<hbm>>
      tpu.enqueue_indirect_dma source(%dma_start3A_285 : memref<10000x128xf32, #tpu.memory_space<hbm>>) target(%arg11 : memref<128x128xf32, #tpu.memory_space<vmem>>) offsets(%dma_start3A_282 : memref<128xi32, #tpu.memory_space<vmem>>) semaphore(%arg14 : memref<!tpu.dma_semaphore, #tpu.memory_space<semaphore_mem>>)
      %dma_wait3A_286 = arith.constant 13 : i32
      %dma_wait3A_287 = arith.constant 0 : i32
      %dma_wait3A_288 = tpu.memref_slice %arg9[%dma_wait3A_286, %dma_wait3A_287] : memref<16x128xi32, #tpu.memory_space<vmem>> -> memref<1x128xi32, #tpu.memory_space<vmem>>
      %dma_wait3A_289 = tpu.memref_squeeze %dma_wait3A_288 : memref<1x128xi32, #tpu.memory_space<vmem>> -> memref<128xi32, #tpu.memory_space<vmem>>
      %dma_wait3A_290 = arith.constant 0 : i32
      %dma_wait3A_291 = arith.constant 0 : i32
      %dma_wait3A_292 = tpu.memref_slice %arg2[%dma_wait3A_290, %dma_wait3A_291] : memref<10000x128xf32, #tpu.memory_space<hbm>> -> memref<10000x128xf32, #tpu.memory_space<hbm>>
      tpu.wait_indirect_dma semaphore(%arg15 : memref<!tpu.dma_semaphore, #tpu.memory_space<semaphore_mem>>) src(%dma_wait3A_292 : memref<10000x128xf32, #tpu.memory_space<hbm>>) dst(%arg12 : memref<128x128xf32, #tpu.memory_space<vmem>>)
      %run_scoped3A_293 = arith.constant 13 : i32
      "tpu.region"() ({
        %run_scoped3A_317 = tpu.sem_alloc : memref<!tpu.dma_semaphore, #tpu.memory_space<semaphore_mem>>
        %dma_start3A_318 = arith.constant 0 : i32
        %dma_start3A_319 = tpu.memref_slice %arg10[%run_scoped3A_293, %dma_start3A_318] : memref<16x128xi32, #tpu.memory_space<vmem>> -> memref<1x128xi32, #tpu.memory_space<vmem>>
        %dma_start3A_320 = tpu.memref_squeeze %dma_start3A_319 : memref<1x128xi32, #tpu.memory_space<vmem>> -> memref<128xi32, #tpu.memory_space<vmem>>
        %dma_start3A_321 = arith.constant 0 : i32
        %dma_start3A_322 = arith.constant 0 : i32
        %dma_start3A_323 = tpu.memref_slice %arg13[%dma_start3A_321, %dma_start3A_322] : memref<10112x128xf32, #tpu.memory_space<vmem_shared>> -> memref<10112x128xf32, #tpu.memory_space<vmem_shared>>
        tpu.enqueue_indirect_dma source(%arg12 : memref<128x128xf32, #tpu.memory_space<vmem>>) target(%dma_start3A_323 : memref<10112x128xf32, #tpu.memory_space<vmem_shared>>) offsets(%dma_start3A_320 : memref<128xi32, #tpu.memory_space<vmem>>) semaphore(%run_scoped3A_317 : memref<!tpu.dma_semaphore, #tpu.memory_space<semaphore_mem>>) {add = true}
        %dma_wait3A_324 = arith.constant 0 : i32
        %dma_wait3A_325 = tpu.memref_slice %arg10[%run_scoped3A_293, %dma_wait3A_324] : memref<16x128xi32, #tpu.memory_space<vmem>> -> memref<1x128xi32, #tpu.memory_space<vmem>>
        %dma_wait3A_326 = tpu.memref_squeeze %dma_wait3A_325 : memref<1x128xi32, #tpu.memory_space<vmem>> -> memref<128xi32, #tpu.memory_space<vmem>>
        %dma_wait3A_327 = arith.constant 0 : i32
        %dma_wait3A_328 = arith.constant 0 : i32
        %dma_wait3A_329 = tpu.memref_slice %arg13[%dma_wait3A_327, %dma_wait3A_328] : memref<10112x128xf32, #tpu.memory_space<vmem_shared>> -> memref<10112x128xf32, #tpu.memory_space<vmem_shared>>
        tpu.wait_indirect_dma semaphore(%run_scoped3A_317 : memref<!tpu.dma_semaphore, #tpu.memory_space<semaphore_mem>>) src(%arg12 : memref<128x128xf32, #tpu.memory_space<vmem>>) dst(%dma_wait3A_329 : memref<10112x128xf32, #tpu.memory_space<vmem_shared>>)
        tpu.yield
      }) : () -> ()
      %dma_start3A_294 = arith.constant 15 : i32
      %dma_start3A_295 = arith.constant 0 : i32
      %dma_start3A_296 = tpu.memref_slice %arg9[%dma_start3A_294, %dma_start3A_295] : memref<16x128xi32, #tpu.memory_space<vmem>> -> memref<1x128xi32, #tpu.memory_space<vmem>>
      %dma_start3A_297 = tpu.memref_squeeze %dma_start3A_296 : memref<1x128xi32, #tpu.memory_space<vmem>> -> memref<128xi32, #tpu.memory_space<vmem>>
      %dma_start3A_298 = arith.constant 0 : i32
      %dma_start3A_299 = arith.constant 0 : i32
      %dma_start3A_300 = tpu.memref_slice %arg2[%dma_start3A_298, %dma_start3A_299] : memref<10000x128xf32, #tpu.memory_space<hbm>> -> memref<10000x128xf32, #tpu.memory_space<hbm>>
      tpu.enqueue_indirect_dma source(%dma_start3A_300 : memref<10000x128xf32, #tpu.memory_space<hbm>>) target(%arg12 : memref<128x128xf32, #tpu.memory_space<vmem>>) offsets(%dma_start3A_297 : memref<128xi32, #tpu.memory_space<vmem>>) semaphore(%arg15 : memref<!tpu.dma_semaphore, #tpu.memory_space<semaphore_mem>>)
      %dma_wait3A_301 = arith.constant 14 : i32
      %dma_wait3A_302 = arith.constant 0 : i32
      %dma_wait3A_303 = tpu.memref_slice %arg9[%dma_wait3A_301, %dma_wait3A_302] : memref<16x128xi32, #tpu.memory_space<vmem>> -> memref<1x128xi32, #tpu.memory_space<vmem>>
      %dma_wait3A_304 = tpu.memref_squeeze %dma_wait3A_303 : memref<1x128xi32, #tpu.memory_space<vmem>> -> memref<128xi32, #tpu.memory_space<vmem>>
      %dma_wait3A_305 = arith.constant 0 : i32
      %dma_wait3A_306 = arith.constant 0 : i32
      %dma_wait3A_307 = tpu.memref_slice %arg2[%dma_wait3A_305, %dma_wait3A_306] : memref<10000x128xf32, #tpu.memory_space<hbm>> -> memref<10000x128xf32, #tpu.memory_space<hbm>>
      tpu.wait_indirect_dma semaphore(%arg14 : memref<!tpu.dma_semaphore, #tpu.memory_space<semaphore_mem>>) src(%dma_wait3A_307 : memref<10000x128xf32, #tpu.memory_space<hbm>>) dst(%arg11 : memref<128x128xf32, #tpu.memory_space<vmem>>)
      %run_scoped3A_308 = arith.constant 14 : i32
      "tpu.region"() ({
        %run_scoped3A_317 = tpu.sem_alloc : memref<!tpu.dma_semaphore, #tpu.memory_space<semaphore_mem>>
        %dma_start3A_318 = arith.constant 0 : i32
        %dma_start3A_319 = tpu.memref_slice %arg10[%run_scoped3A_308, %dma_start3A_318] : memref<16x128xi32, #tpu.memory_space<vmem>> -> memref<1x128xi32, #tpu.memory_space<vmem>>
        %dma_start3A_320 = tpu.memref_squeeze %dma_start3A_319 : memref<1x128xi32, #tpu.memory_space<vmem>> -> memref<128xi32, #tpu.memory_space<vmem>>
        %dma_start3A_321 = arith.constant 0 : i32
        %dma_start3A_322 = arith.constant 0 : i32
        %dma_start3A_323 = tpu.memref_slice %arg13[%dma_start3A_321, %dma_start3A_322] : memref<10112x128xf32, #tpu.memory_space<vmem_shared>> -> memref<10112x128xf32, #tpu.memory_space<vmem_shared>>
        tpu.enqueue_indirect_dma source(%arg11 : memref<128x128xf32, #tpu.memory_space<vmem>>) target(%dma_start3A_323 : memref<10112x128xf32, #tpu.memory_space<vmem_shared>>) offsets(%dma_start3A_320 : memref<128xi32, #tpu.memory_space<vmem>>) semaphore(%run_scoped3A_317 : memref<!tpu.dma_semaphore, #tpu.memory_space<semaphore_mem>>) {add = true}
        %dma_wait3A_324 = arith.constant 0 : i32
        %dma_wait3A_325 = tpu.memref_slice %arg10[%run_scoped3A_308, %dma_wait3A_324] : memref<16x128xi32, #tpu.memory_space<vmem>> -> memref<1x128xi32, #tpu.memory_space<vmem>>
        %dma_wait3A_326 = tpu.memref_squeeze %dma_wait3A_325 : memref<1x128xi32, #tpu.memory_space<vmem>> -> memref<128xi32, #tpu.memory_space<vmem>>
        %dma_wait3A_327 = arith.constant 0 : i32
        %dma_wait3A_328 = arith.constant 0 : i32
        %dma_wait3A_329 = tpu.memref_slice %arg13[%dma_wait3A_327, %dma_wait3A_328] : memref<10112x128xf32, #tpu.memory_space<vmem_shared>> -> memref<10112x128xf32, #tpu.memory_space<vmem_shared>>
        tpu.wait_indirect_dma semaphore(%run_scoped3A_317 : memref<!tpu.dma_semaphore, #tpu.memory_space<semaphore_mem>>) src(%arg11 : memref<128x128xf32, #tpu.memory_space<vmem>>) dst(%dma_wait3A_329 : memref<10112x128xf32, #tpu.memory_space<vmem_shared>>)
        tpu.yield
      }) : () -> ()
      %dma_wait3A_309 = arith.constant 15 : i32
      %dma_wait3A_310 = arith.constant 0 : i32
      %dma_wait3A_311 = tpu.memref_slice %arg9[%dma_wait3A_309, %dma_wait3A_310] : memref<16x128xi32, #tpu.memory_space<vmem>> -> memref<1x128xi32, #tpu.memory_space<vmem>>
      %dma_wait3A_312 = tpu.memref_squeeze %dma_wait3A_311 : memref<1x128xi32, #tpu.memory_space<vmem>> -> memref<128xi32, #tpu.memory_space<vmem>>
      %dma_wait3A_313 = arith.constant 0 : i32
      %dma_wait3A_314 = arith.constant 0 : i32
      %dma_wait3A_315 = tpu.memref_slice %arg2[%dma_wait3A_313, %dma_wait3A_314] : memref<10000x128xf32, #tpu.memory_space<hbm>> -> memref<10000x128xf32, #tpu.memory_space<hbm>>
      tpu.wait_indirect_dma semaphore(%arg15 : memref<!tpu.dma_semaphore, #tpu.memory_space<semaphore_mem>>) src(%dma_wait3A_315 : memref<10000x128xf32, #tpu.memory_space<hbm>>) dst(%arg12 : memref<128x128xf32, #tpu.memory_space<vmem>>)
      %run_scoped3A_316 = arith.constant 15 : i32
      "tpu.region"() ({
        %run_scoped3A_317 = tpu.sem_alloc : memref<!tpu.dma_semaphore, #tpu.memory_space<semaphore_mem>>
        %dma_start3A_318 = arith.constant 0 : i32
        %dma_start3A_319 = tpu.memref_slice %arg10[%run_scoped3A_316, %dma_start3A_318] : memref<16x128xi32, #tpu.memory_space<vmem>> -> memref<1x128xi32, #tpu.memory_space<vmem>>
        %dma_start3A_320 = tpu.memref_squeeze %dma_start3A_319 : memref<1x128xi32, #tpu.memory_space<vmem>> -> memref<128xi32, #tpu.memory_space<vmem>>
        %dma_start3A_321 = arith.constant 0 : i32
        %dma_start3A_322 = arith.constant 0 : i32
        %dma_start3A_323 = tpu.memref_slice %arg13[%dma_start3A_321, %dma_start3A_322] : memref<10112x128xf32, #tpu.memory_space<vmem_shared>> -> memref<10112x128xf32, #tpu.memory_space<vmem_shared>>
        tpu.enqueue_indirect_dma source(%arg12 : memref<128x128xf32, #tpu.memory_space<vmem>>) target(%dma_start3A_323 : memref<10112x128xf32, #tpu.memory_space<vmem_shared>>) offsets(%dma_start3A_320 : memref<128xi32, #tpu.memory_space<vmem>>) semaphore(%run_scoped3A_317 : memref<!tpu.dma_semaphore, #tpu.memory_space<semaphore_mem>>) {add = true}
        %dma_wait3A_324 = arith.constant 0 : i32
        %dma_wait3A_325 = tpu.memref_slice %arg10[%run_scoped3A_316, %dma_wait3A_324] : memref<16x128xi32, #tpu.memory_space<vmem>> -> memref<1x128xi32, #tpu.memory_space<vmem>>
        %dma_wait3A_326 = tpu.memref_squeeze %dma_wait3A_325 : memref<1x128xi32, #tpu.memory_space<vmem>> -> memref<128xi32, #tpu.memory_space<vmem>>
        %dma_wait3A_327 = arith.constant 0 : i32
        %dma_wait3A_328 = arith.constant 0 : i32
        %dma_wait3A_329 = tpu.memref_slice %arg13[%dma_wait3A_327, %dma_wait3A_328] : memref<10112x128xf32, #tpu.memory_space<vmem_shared>> -> memref<10112x128xf32, #tpu.memory_space<vmem_shared>>
        tpu.wait_indirect_dma semaphore(%run_scoped3A_317 : memref<!tpu.dma_semaphore, #tpu.memory_space<semaphore_mem>>) src(%arg12 : memref<128x128xf32, #tpu.memory_space<vmem>>) dst(%dma_wait3A_329 : memref<10112x128xf32, #tpu.memory_space<vmem_shared>>)
        tpu.yield
      }) : () -> ()
    }
    %scan3A_16 = arith.constant 5 : i32
    %barrier3A_17 = arith.constant 0 : index
    tpu.barrier barrier_id(%barrier3A_17)
    %add3A_18 = arith.constant 0 : i32
    %add3A_19 = arith.addi %mul3A_2, %add3A_18 : i32
    "tpu.region"() ({
      %run_scoped3A = tpu.sem_alloc : memref<!tpu.dma_semaphore, #tpu.memory_space<semaphore_mem>>
      %dma_start3A = arith.constant 0 : i32
      %dma_start3A_75 = arith.constant 0 : i32
      %dma_start3A_76 = tpu.memref_slice %arg11[%dma_start3A, %dma_start3A_75] : memref<128x128xf32, #tpu.memory_space<vmem>> -> memref<128x128xf32, #tpu.memory_space<vmem>>
      %dma_start3A_77 = arith.constant 0 : i32
      %dma_start3A_78 = tpu.memref_slice %arg13[%add3A_19, %dma_start3A_77] : memref<10112x128xf32, #tpu.memory_space<vmem_shared>> -> memref<128x128xf32, #tpu.memory_space<vmem_shared>>
      %dma_start3A_79 = arith.constant 0 : i32
      %dma_start3A_80 = arith.constant 0 : i32
      %dma_start3A_81 = tpu.memref_slice %arg11[%dma_start3A_79, %dma_start3A_80] : memref<128x128xf32, #tpu.memory_space<vmem>> -> memref<128x128xf32, #tpu.memory_space<vmem>>
      %dma_start3A_82 = arith.constant 0 : i32
      %dma_start3A_83 = tpu.memref_slice %arg13[%add3A_19, %dma_start3A_82] : memref<10112x128xf32, #tpu.memory_space<vmem_shared>> -> memref<128x128xf32, #tpu.memory_space<vmem_shared>>
      tpu.enqueue_dma source(%dma_start3A_83 : memref<128x128xf32, #tpu.memory_space<vmem_shared>>) target(%dma_start3A_81 : memref<128x128xf32, #tpu.memory_space<vmem>>) target_semaphore(%run_scoped3A : memref<!tpu.dma_semaphore, #tpu.memory_space<semaphore_mem>>)
      %dma_wait3A = arith.constant 0 : i32
      %dma_wait3A_84 = arith.constant 0 : i32
      %dma_wait3A_85 = tpu.memref_slice %arg11[%dma_wait3A, %dma_wait3A_84] : memref<128x128xf32, #tpu.memory_space<vmem>> -> memref<128x128xf32, #tpu.memory_space<vmem>>
      %dma_wait3A_86 = arith.constant 0 : i32
      %dma_wait3A_87 = tpu.memref_slice %arg13[%add3A_19, %dma_wait3A_86] : memref<10112x128xf32, #tpu.memory_space<vmem_shared>> -> memref<128x128xf32, #tpu.memory_space<vmem_shared>>
      %dma_wait3A_88 = arith.constant 0 : i32
      %dma_wait3A_89 = arith.constant 0 : i32
      %dma_wait3A_90 = tpu.memref_slice %arg11[%dma_wait3A_88, %dma_wait3A_89] : memref<128x128xf32, #tpu.memory_space<vmem>> -> memref<128x128xf32, #tpu.memory_space<vmem>>
      %dma_wait3A_91 = arith.constant 0 : i32
      %dma_wait3A_92 = tpu.memref_slice %arg13[%add3A_19, %dma_wait3A_91] : memref<10112x128xf32, #tpu.memory_space<vmem_shared>> -> memref<128x128xf32, #tpu.memory_space<vmem_shared>>
      tpu.wait_dma2 semaphore(%run_scoped3A : memref<!tpu.dma_semaphore, #tpu.memory_space<semaphore_mem>>) src(%dma_wait3A_92 : memref<128x128xf32, #tpu.memory_space<vmem_shared>>) dst(%dma_wait3A_90 : memref<128x128xf32, #tpu.memory_space<vmem>>)
      tpu.yield
    }) : () -> ()
    %add3A_20 = arith.constant 0 : i32
    %add3A_21 = arith.addi %mul3A_2, %add3A_20 : i32
    "tpu.region"() ({
      %run_scoped3A = tpu.sem_alloc : memref<!tpu.dma_semaphore, #tpu.memory_space<semaphore_mem>>
      %dma_start3A = arith.constant 0 : i32
      %dma_start3A_75 = arith.constant 0 : i32
      %dma_start3A_76 = tpu.memref_slice %arg11[%dma_start3A, %dma_start3A_75] : memref<128x128xf32, #tpu.memory_space<vmem>> -> memref<128x128xf32, #tpu.memory_space<vmem>>
      %dma_start3A_77 = arith.constant 0 : i32
      %dma_start3A_78 = tpu.memref_slice %arg7[%arg0, %add3A_21, %dma_start3A_77] : memref<2x10112x128xf32, #tpu.memory_space<hbm>> -> memref<1x128x128xf32, #tpu.memory_space<hbm>>
      %dma_start3A_79 = tpu.memref_squeeze %dma_start3A_78 : memref<1x128x128xf32, #tpu.memory_space<hbm>> -> memref<128x128xf32, #tpu.memory_space<hbm>>
      %dma_start3A_80 = arith.constant 0 : i32
      %dma_start3A_81 = tpu.memref_slice %arg7[%arg0, %add3A_21, %dma_start3A_80] : memref<2x10112x128xf32, #tpu.memory_space<hbm>> -> memref<1x128x128xf32, #tpu.memory_space<hbm>>
      %dma_start3A_82 = tpu.memref_squeeze %dma_start3A_81 : memref<1x128x128xf32, #tpu.memory_space<hbm>> -> memref<128x128xf32, #tpu.memory_space<hbm>>
      %dma_start3A_83 = arith.constant 0 : i32
      %dma_start3A_84 = arith.constant 0 : i32
      %dma_start3A_85 = tpu.memref_slice %arg11[%dma_start3A_83, %dma_start3A_84] : memref<128x128xf32, #tpu.memory_space<vmem>> -> memref<128x128xf32, #tpu.memory_space<vmem>>
      tpu.enqueue_dma source(%dma_start3A_85 : memref<128x128xf32, #tpu.memory_space<vmem>>) target(%dma_start3A_82 : memref<128x128xf32, #tpu.memory_space<hbm>>) target_semaphore(%run_scoped3A : memref<!tpu.dma_semaphore, #tpu.memory_space<semaphore_mem>>)
      %dma_wait3A = arith.constant 0 : i32
      %dma_wait3A_86 = arith.constant 0 : i32
      %dma_wait3A_87 = tpu.memref_slice %arg11[%dma_wait3A, %dma_wait3A_86] : memref<128x128xf32, #tpu.memory_space<vmem>> -> memref<128x128xf32, #tpu.memory_space<vmem>>
      %dma_wait3A_88 = arith.constant 0 : i32
      %dma_wait3A_89 = tpu.memref_slice %arg7[%arg0, %add3A_21, %dma_wait3A_88] : memref<2x10112x128xf32, #tpu.memory_space<hbm>> -> memref<1x128x128xf32, #tpu.memory_space<hbm>>
      %dma_wait3A_90 = tpu.memref_squeeze %dma_wait3A_89 : memref<1x128x128xf32, #tpu.memory_space<hbm>> -> memref<128x128xf32, #tpu.memory_space<hbm>>
      %dma_wait3A_91 = arith.constant 0 : i32
      %dma_wait3A_92 = tpu.memref_slice %arg7[%arg0, %add3A_21, %dma_wait3A_91] : memref<2x10112x128xf32, #tpu.memory_space<hbm>> -> memref<1x128x128xf32, #tpu.memory_space<hbm>>
      %dma_wait3A_93 = tpu.memref_squeeze %dma_wait3A_92 : memref<1x128x128xf32, #tpu.memory_space<hbm>> -> memref<128x128xf32, #tpu.memory_space<hbm>>
      %dma_wait3A_94 = arith.constant 0 : i32
      %dma_wait3A_95 = arith.constant 0 : i32
      %dma_wait3A_96 = tpu.memref_slice %arg11[%dma_wait3A_94, %dma_wait3A_95] : memref<128x128xf32, #tpu.memory_space<vmem>> -> memref<128x128xf32, #tpu.memory_space<vmem>>
      tpu.wait_dma2 semaphore(%run_scoped3A : memref<!tpu.dma_semaphore, #tpu.memory_space<semaphore_mem>>) src(%dma_wait3A_96 : memref<128x128xf32, #tpu.memory_space<vmem>>) dst(%dma_wait3A_93 : memref<128x128xf32, #tpu.memory_space<hbm>>)
      tpu.yield
    }) : () -> ()
    %add3A_22 = arith.constant 128 : i32
    %add3A_23 = arith.addi %mul3A_2, %add3A_22 : i32
    "tpu.region"() ({
      %run_scoped3A = tpu.sem_alloc : memref<!tpu.dma_semaphore, #tpu.memory_space<semaphore_mem>>
      %dma_start3A = arith.constant 0 : i32
      %dma_start3A_75 = arith.constant 0 : i32
      %dma_start3A_76 = tpu.memref_slice %arg11[%dma_start3A, %dma_start3A_75] : memref<128x128xf32, #tpu.memory_space<vmem>> -> memref<128x128xf32, #tpu.memory_space<vmem>>
      %dma_start3A_77 = arith.constant 0 : i32
      %dma_start3A_78 = tpu.memref_slice %arg13[%add3A_23, %dma_start3A_77] : memref<10112x128xf32, #tpu.memory_space<vmem_shared>> -> memref<128x128xf32, #tpu.memory_space<vmem_shared>>
      %dma_start3A_79 = arith.constant 0 : i32
      %dma_start3A_80 = arith.constant 0 : i32
      %dma_start3A_81 = tpu.memref_slice %arg11[%dma_start3A_79, %dma_start3A_80] : memref<128x128xf32, #tpu.memory_space<vmem>> -> memref<128x128xf32, #tpu.memory_space<vmem>>
      %dma_start3A_82 = arith.constant 0 : i32
      %dma_start3A_83 = tpu.memref_slice %arg13[%add3A_23, %dma_start3A_82] : memref<10112x128xf32, #tpu.memory_space<vmem_shared>> -> memref<128x128xf32, #tpu.memory_space<vmem_shared>>
      tpu.enqueue_dma source(%dma_start3A_83 : memref<128x128xf32, #tpu.memory_space<vmem_shared>>) target(%dma_start3A_81 : memref<128x128xf32, #tpu.memory_space<vmem>>) target_semaphore(%run_scoped3A : memref<!tpu.dma_semaphore, #tpu.memory_space<semaphore_mem>>)
      %dma_wait3A = arith.constant 0 : i32
      %dma_wait3A_84 = arith.constant 0 : i32
      %dma_wait3A_85 = tpu.memref_slice %arg11[%dma_wait3A, %dma_wait3A_84] : memref<128x128xf32, #tpu.memory_space<vmem>> -> memref<128x128xf32, #tpu.memory_space<vmem>>
      %dma_wait3A_86 = arith.constant 0 : i32
      %dma_wait3A_87 = tpu.memref_slice %arg13[%add3A_23, %dma_wait3A_86] : memref<10112x128xf32, #tpu.memory_space<vmem_shared>> -> memref<128x128xf32, #tpu.memory_space<vmem_shared>>
      %dma_wait3A_88 = arith.constant 0 : i32
      %dma_wait3A_89 = arith.constant 0 : i32
      %dma_wait3A_90 = tpu.memref_slice %arg11[%dma_wait3A_88, %dma_wait3A_89] : memref<128x128xf32, #tpu.memory_space<vmem>> -> memref<128x128xf32, #tpu.memory_space<vmem>>
      %dma_wait3A_91 = arith.constant 0 : i32
      %dma_wait3A_92 = tpu.memref_slice %arg13[%add3A_23, %dma_wait3A_91] : memref<10112x128xf32, #tpu.memory_space<vmem_shared>> -> memref<128x128xf32, #tpu.memory_space<vmem_shared>>
      tpu.wait_dma2 semaphore(%run_scoped3A : memref<!tpu.dma_semaphore, #tpu.memory_space<semaphore_mem>>) src(%dma_wait3A_92 : memref<128x128xf32, #tpu.memory_space<vmem_shared>>) dst(%dma_wait3A_90 : memref<128x128xf32, #tpu.memory_space<vmem>>)
      tpu.yield
    }) : () -> ()
    %add3A_24 = arith.constant 128 : i32
    %add3A_25 = arith.addi %mul3A_2, %add3A_24 : i32
    "tpu.region"() ({
      %run_scoped3A = tpu.sem_alloc : memref<!tpu.dma_semaphore, #tpu.memory_space<semaphore_mem>>
      %dma_start3A = arith.constant 0 : i32
      %dma_start3A_75 = arith.constant 0 : i32
      %dma_start3A_76 = tpu.memref_slice %arg11[%dma_start3A, %dma_start3A_75] : memref<128x128xf32, #tpu.memory_space<vmem>> -> memref<128x128xf32, #tpu.memory_space<vmem>>
      %dma_start3A_77 = arith.constant 0 : i32
      %dma_start3A_78 = tpu.memref_slice %arg7[%arg0, %add3A_25, %dma_start3A_77] : memref<2x10112x128xf32, #tpu.memory_space<hbm>> -> memref<1x128x128xf32, #tpu.memory_space<hbm>>
      %dma_start3A_79 = tpu.memref_squeeze %dma_start3A_78 : memref<1x128x128xf32, #tpu.memory_space<hbm>> -> memref<128x128xf32, #tpu.memory_space<hbm>>
      %dma_start3A_80 = arith.constant 0 : i32
      %dma_start3A_81 = tpu.memref_slice %arg7[%arg0, %add3A_25, %dma_start3A_80] : memref<2x10112x128xf32, #tpu.memory_space<hbm>> -> memref<1x128x128xf32, #tpu.memory_space<hbm>>
      %dma_start3A_82 = tpu.memref_squeeze %dma_start3A_81 : memref<1x128x128xf32, #tpu.memory_space<hbm>> -> memref<128x128xf32, #tpu.memory_space<hbm>>
      %dma_start3A_83 = arith.constant 0 : i32
      %dma_start3A_84 = arith.constant 0 : i32
      %dma_start3A_85 = tpu.memref_slice %arg11[%dma_start3A_83, %dma_start3A_84] : memref<128x128xf32, #tpu.memory_space<vmem>> -> memref<128x128xf32, #tpu.memory_space<vmem>>
      tpu.enqueue_dma source(%dma_start3A_85 : memref<128x128xf32, #tpu.memory_space<vmem>>) target(%dma_start3A_82 : memref<128x128xf32, #tpu.memory_space<hbm>>) target_semaphore(%run_scoped3A : memref<!tpu.dma_semaphore, #tpu.memory_space<semaphore_mem>>)
      %dma_wait3A = arith.constant 0 : i32
      %dma_wait3A_86 = arith.constant 0 : i32
      %dma_wait3A_87 = tpu.memref_slice %arg11[%dma_wait3A, %dma_wait3A_86] : memref<128x128xf32, #tpu.memory_space<vmem>> -> memref<128x128xf32, #tpu.memory_space<vmem>>
      %dma_wait3A_88 = arith.constant 0 : i32
      %dma_wait3A_89 = tpu.memref_slice %arg7[%arg0, %add3A_25, %dma_wait3A_88] : memref<2x10112x128xf32, #tpu.memory_space<hbm>> -> memref<1x128x128xf32, #tpu.memory_space<hbm>>
      %dma_wait3A_90 = tpu.memref_squeeze %dma_wait3A_89 : memref<1x128x128xf32, #tpu.memory_space<hbm>> -> memref<128x128xf32, #tpu.memory_space<hbm>>
      %dma_wait3A_91 = arith.constant 0 : i32
      %dma_wait3A_92 = tpu.memref_slice %arg7[%arg0, %add3A_25, %dma_wait3A_91] : memref<2x10112x128xf32, #tpu.memory_space<hbm>> -> memref<1x128x128xf32, #tpu.memory_space<hbm>>
      %dma_wait3A_93 = tpu.memref_squeeze %dma_wait3A_92 : memref<1x128x128xf32, #tpu.memory_space<hbm>> -> memref<128x128xf32, #tpu.memory_space<hbm>>
      %dma_wait3A_94 = arith.constant 0 : i32
      %dma_wait3A_95 = arith.constant 0 : i32
      %dma_wait3A_96 = tpu.memref_slice %arg11[%dma_wait3A_94, %dma_wait3A_95] : memref<128x128xf32, #tpu.memory_space<vmem>> -> memref<128x128xf32, #tpu.memory_space<vmem>>
      tpu.wait_dma2 semaphore(%run_scoped3A : memref<!tpu.dma_semaphore, #tpu.memory_space<semaphore_mem>>) src(%dma_wait3A_96 : memref<128x128xf32, #tpu.memory_space<vmem>>) dst(%dma_wait3A_93 : memref<128x128xf32, #tpu.memory_space<hbm>>)
      tpu.yield
    }) : () -> ()
    %add3A_26 = arith.constant 256 : i32
    %add3A_27 = arith.addi %mul3A_2, %add3A_26 : i32
    "tpu.region"() ({
      %run_scoped3A = tpu.sem_alloc : memref<!tpu.dma_semaphore, #tpu.memory_space<semaphore_mem>>
      %dma_start3A = arith.constant 0 : i32
      %dma_start3A_75 = arith.constant 0 : i32
      %dma_start3A_76 = tpu.memref_slice %arg11[%dma_start3A, %dma_start3A_75] : memref<128x128xf32, #tpu.memory_space<vmem>> -> memref<128x128xf32, #tpu.memory_space<vmem>>
      %dma_start3A_77 = arith.constant 0 : i32
      %dma_start3A_78 = tpu.memref_slice %arg13[%add3A_27, %dma_start3A_77] : memref<10112x128xf32, #tpu.memory_space<vmem_shared>> -> memref<128x128xf32, #tpu.memory_space<vmem_shared>>
      %dma_start3A_79 = arith.constant 0 : i32
      %dma_start3A_80 = arith.constant 0 : i32
      %dma_start3A_81 = tpu.memref_slice %arg11[%dma_start3A_79, %dma_start3A_80] : memref<128x128xf32, #tpu.memory_space<vmem>> -> memref<128x128xf32, #tpu.memory_space<vmem>>
      %dma_start3A_82 = arith.constant 0 : i32
      %dma_start3A_83 = tpu.memref_slice %arg13[%add3A_27, %dma_start3A_82] : memref<10112x128xf32, #tpu.memory_space<vmem_shared>> -> memref<128x128xf32, #tpu.memory_space<vmem_shared>>
      tpu.enqueue_dma source(%dma_start3A_83 : memref<128x128xf32, #tpu.memory_space<vmem_shared>>) target(%dma_start3A_81 : memref<128x128xf32, #tpu.memory_space<vmem>>) target_semaphore(%run_scoped3A : memref<!tpu.dma_semaphore, #tpu.memory_space<semaphore_mem>>)
      %dma_wait3A = arith.constant 0 : i32
      %dma_wait3A_84 = arith.constant 0 : i32
      %dma_wait3A_85 = tpu.memref_slice %arg11[%dma_wait3A, %dma_wait3A_84] : memref<128x128xf32, #tpu.memory_space<vmem>> -> memref<128x128xf32, #tpu.memory_space<vmem>>
      %dma_wait3A_86 = arith.constant 0 : i32
      %dma_wait3A_87 = tpu.memref_slice %arg13[%add3A_27, %dma_wait3A_86] : memref<10112x128xf32, #tpu.memory_space<vmem_shared>> -> memref<128x128xf32, #tpu.memory_space<vmem_shared>>
      %dma_wait3A_88 = arith.constant 0 : i32
      %dma_wait3A_89 = arith.constant 0 : i32
      %dma_wait3A_90 = tpu.memref_slice %arg11[%dma_wait3A_88, %dma_wait3A_89] : memref<128x128xf32, #tpu.memory_space<vmem>> -> memref<128x128xf32, #tpu.memory_space<vmem>>
      %dma_wait3A_91 = arith.constant 0 : i32
      %dma_wait3A_92 = tpu.memref_slice %arg13[%add3A_27, %dma_wait3A_91] : memref<10112x128xf32, #tpu.memory_space<vmem_shared>> -> memref<128x128xf32, #tpu.memory_space<vmem_shared>>
      tpu.wait_dma2 semaphore(%run_scoped3A : memref<!tpu.dma_semaphore, #tpu.memory_space<semaphore_mem>>) src(%dma_wait3A_92 : memref<128x128xf32, #tpu.memory_space<vmem_shared>>) dst(%dma_wait3A_90 : memref<128x128xf32, #tpu.memory_space<vmem>>)
      tpu.yield
    }) : () -> ()
    %add3A_28 = arith.constant 256 : i32
    %add3A_29 = arith.addi %mul3A_2, %add3A_28 : i32
    "tpu.region"() ({
      %run_scoped3A = tpu.sem_alloc : memref<!tpu.dma_semaphore, #tpu.memory_space<semaphore_mem>>
      %dma_start3A = arith.constant 0 : i32
      %dma_start3A_75 = arith.constant 0 : i32
      %dma_start3A_76 = tpu.memref_slice %arg11[%dma_start3A, %dma_start3A_75] : memref<128x128xf32, #tpu.memory_space<vmem>> -> memref<128x128xf32, #tpu.memory_space<vmem>>
      %dma_start3A_77 = arith.constant 0 : i32
      %dma_start3A_78 = tpu.memref_slice %arg7[%arg0, %add3A_29, %dma_start3A_77] : memref<2x10112x128xf32, #tpu.memory_space<hbm>> -> memref<1x128x128xf32, #tpu.memory_space<hbm>>
      %dma_start3A_79 = tpu.memref_squeeze %dma_start3A_78 : memref<1x128x128xf32, #tpu.memory_space<hbm>> -> memref<128x128xf32, #tpu.memory_space<hbm>>
      %dma_start3A_80 = arith.constant 0 : i32
      %dma_start3A_81 = tpu.memref_slice %arg7[%arg0, %add3A_29, %dma_start3A_80] : memref<2x10112x128xf32, #tpu.memory_space<hbm>> -> memref<1x128x128xf32, #tpu.memory_space<hbm>>
      %dma_start3A_82 = tpu.memref_squeeze %dma_start3A_81 : memref<1x128x128xf32, #tpu.memory_space<hbm>> -> memref<128x128xf32, #tpu.memory_space<hbm>>
      %dma_start3A_83 = arith.constant 0 : i32
      %dma_start3A_84 = arith.constant 0 : i32
      %dma_start3A_85 = tpu.memref_slice %arg11[%dma_start3A_83, %dma_start3A_84] : memref<128x128xf32, #tpu.memory_space<vmem>> -> memref<128x128xf32, #tpu.memory_space<vmem>>
      tpu.enqueue_dma source(%dma_start3A_85 : memref<128x128xf32, #tpu.memory_space<vmem>>) target(%dma_start3A_82 : memref<128x128xf32, #tpu.memory_space<hbm>>) target_semaphore(%run_scoped3A : memref<!tpu.dma_semaphore, #tpu.memory_space<semaphore_mem>>)
      %dma_wait3A = arith.constant 0 : i32
      %dma_wait3A_86 = arith.constant 0 : i32
      %dma_wait3A_87 = tpu.memref_slice %arg11[%dma_wait3A, %dma_wait3A_86] : memref<128x128xf32, #tpu.memory_space<vmem>> -> memref<128x128xf32, #tpu.memory_space<vmem>>
      %dma_wait3A_88 = arith.constant 0 : i32
      %dma_wait3A_89 = tpu.memref_slice %arg7[%arg0, %add3A_29, %dma_wait3A_88] : memref<2x10112x128xf32, #tpu.memory_space<hbm>> -> memref<1x128x128xf32, #tpu.memory_space<hbm>>
      %dma_wait3A_90 = tpu.memref_squeeze %dma_wait3A_89 : memref<1x128x128xf32, #tpu.memory_space<hbm>> -> memref<128x128xf32, #tpu.memory_space<hbm>>
      %dma_wait3A_91 = arith.constant 0 : i32
      %dma_wait3A_92 = tpu.memref_slice %arg7[%arg0, %add3A_29, %dma_wait3A_91] : memref<2x10112x128xf32, #tpu.memory_space<hbm>> -> memref<1x128x128xf32, #tpu.memory_space<hbm>>
      %dma_wait3A_93 = tpu.memref_squeeze %dma_wait3A_92 : memref<1x128x128xf32, #tpu.memory_space<hbm>> -> memref<128x128xf32, #tpu.memory_space<hbm>>
      %dma_wait3A_94 = arith.constant 0 : i32
      %dma_wait3A_95 = arith.constant 0 : i32
      %dma_wait3A_96 = tpu.memref_slice %arg11[%dma_wait3A_94, %dma_wait3A_95] : memref<128x128xf32, #tpu.memory_space<vmem>> -> memref<128x128xf32, #tpu.memory_space<vmem>>
      tpu.wait_dma2 semaphore(%run_scoped3A : memref<!tpu.dma_semaphore, #tpu.memory_space<semaphore_mem>>) src(%dma_wait3A_96 : memref<128x128xf32, #tpu.memory_space<vmem>>) dst(%dma_wait3A_93 : memref<128x128xf32, #tpu.memory_space<hbm>>)
      tpu.yield
    }) : () -> ()
    %add3A_30 = arith.constant 384 : i32
    %add3A_31 = arith.addi %mul3A_2, %add3A_30 : i32
    "tpu.region"() ({
      %run_scoped3A = tpu.sem_alloc : memref<!tpu.dma_semaphore, #tpu.memory_space<semaphore_mem>>
      %dma_start3A = arith.constant 0 : i32
      %dma_start3A_75 = arith.constant 0 : i32
      %dma_start3A_76 = tpu.memref_slice %arg11[%dma_start3A, %dma_start3A_75] : memref<128x128xf32, #tpu.memory_space<vmem>> -> memref<128x128xf32, #tpu.memory_space<vmem>>
      %dma_start3A_77 = arith.constant 0 : i32
      %dma_start3A_78 = tpu.memref_slice %arg13[%add3A_31, %dma_start3A_77] : memref<10112x128xf32, #tpu.memory_space<vmem_shared>> -> memref<128x128xf32, #tpu.memory_space<vmem_shared>>
      %dma_start3A_79 = arith.constant 0 : i32
      %dma_start3A_80 = arith.constant 0 : i32
      %dma_start3A_81 = tpu.memref_slice %arg11[%dma_start3A_79, %dma_start3A_80] : memref<128x128xf32, #tpu.memory_space<vmem>> -> memref<128x128xf32, #tpu.memory_space<vmem>>
      %dma_start3A_82 = arith.constant 0 : i32
      %dma_start3A_83 = tpu.memref_slice %arg13[%add3A_31, %dma_start3A_82] : memref<10112x128xf32, #tpu.memory_space<vmem_shared>> -> memref<128x128xf32, #tpu.memory_space<vmem_shared>>
      tpu.enqueue_dma source(%dma_start3A_83 : memref<128x128xf32, #tpu.memory_space<vmem_shared>>) target(%dma_start3A_81 : memref<128x128xf32, #tpu.memory_space<vmem>>) target_semaphore(%run_scoped3A : memref<!tpu.dma_semaphore, #tpu.memory_space<semaphore_mem>>)
      %dma_wait3A = arith.constant 0 : i32
      %dma_wait3A_84 = arith.constant 0 : i32
      %dma_wait3A_85 = tpu.memref_slice %arg11[%dma_wait3A, %dma_wait3A_84] : memref<128x128xf32, #tpu.memory_space<vmem>> -> memref<128x128xf32, #tpu.memory_space<vmem>>
      %dma_wait3A_86 = arith.constant 0 : i32
      %dma_wait3A_87 = tpu.memref_slice %arg13[%add3A_31, %dma_wait3A_86] : memref<10112x128xf32, #tpu.memory_space<vmem_shared>> -> memref<128x128xf32, #tpu.memory_space<vmem_shared>>
      %dma_wait3A_88 = arith.constant 0 : i32
      %dma_wait3A_89 = arith.constant 0 : i32
      %dma_wait3A_90 = tpu.memref_slice %arg11[%dma_wait3A_88, %dma_wait3A_89] : memref<128x128xf32, #tpu.memory_space<vmem>> -> memref<128x128xf32, #tpu.memory_space<vmem>>
      %dma_wait3A_91 = arith.constant 0 : i32
      %dma_wait3A_92 = tpu.memref_slice %arg13[%add3A_31, %dma_wait3A_91] : memref<10112x128xf32, #tpu.memory_space<vmem_shared>> -> memref<128x128xf32, #tpu.memory_space<vmem_shared>>
      tpu.wait_dma2 semaphore(%run_scoped3A : memref<!tpu.dma_semaphore, #tpu.memory_space<semaphore_mem>>) src(%dma_wait3A_92 : memref<128x128xf32, #tpu.memory_space<vmem_shared>>) dst(%dma_wait3A_90 : memref<128x128xf32, #tpu.memory_space<vmem>>)
      tpu.yield
    }) : () -> ()
    %add3A_32 = arith.constant 384 : i32
    %add3A_33 = arith.addi %mul3A_2, %add3A_32 : i32
    "tpu.region"() ({
      %run_scoped3A = tpu.sem_alloc : memref<!tpu.dma_semaphore, #tpu.memory_space<semaphore_mem>>
      %dma_start3A = arith.constant 0 : i32
      %dma_start3A_75 = arith.constant 0 : i32
      %dma_start3A_76 = tpu.memref_slice %arg11[%dma_start3A, %dma_start3A_75] : memref<128x128xf32, #tpu.memory_space<vmem>> -> memref<128x128xf32, #tpu.memory_space<vmem>>
      %dma_start3A_77 = arith.constant 0 : i32
      %dma_start3A_78 = tpu.memref_slice %arg7[%arg0, %add3A_33, %dma_start3A_77] : memref<2x10112x128xf32, #tpu.memory_space<hbm>> -> memref<1x128x128xf32, #tpu.memory_space<hbm>>
      %dma_start3A_79 = tpu.memref_squeeze %dma_start3A_78 : memref<1x128x128xf32, #tpu.memory_space<hbm>> -> memref<128x128xf32, #tpu.memory_space<hbm>>
      %dma_start3A_80 = arith.constant 0 : i32
      %dma_start3A_81 = tpu.memref_slice %arg7[%arg0, %add3A_33, %dma_start3A_80] : memref<2x10112x128xf32, #tpu.memory_space<hbm>> -> memref<1x128x128xf32, #tpu.memory_space<hbm>>
      %dma_start3A_82 = tpu.memref_squeeze %dma_start3A_81 : memref<1x128x128xf32, #tpu.memory_space<hbm>> -> memref<128x128xf32, #tpu.memory_space<hbm>>
      %dma_start3A_83 = arith.constant 0 : i32
      %dma_start3A_84 = arith.constant 0 : i32
      %dma_start3A_85 = tpu.memref_slice %arg11[%dma_start3A_83, %dma_start3A_84] : memref<128x128xf32, #tpu.memory_space<vmem>> -> memref<128x128xf32, #tpu.memory_space<vmem>>
      tpu.enqueue_dma source(%dma_start3A_85 : memref<128x128xf32, #tpu.memory_space<vmem>>) target(%dma_start3A_82 : memref<128x128xf32, #tpu.memory_space<hbm>>) target_semaphore(%run_scoped3A : memref<!tpu.dma_semaphore, #tpu.memory_space<semaphore_mem>>)
      %dma_wait3A = arith.constant 0 : i32
      %dma_wait3A_86 = arith.constant 0 : i32
      %dma_wait3A_87 = tpu.memref_slice %arg11[%dma_wait3A, %dma_wait3A_86] : memref<128x128xf32, #tpu.memory_space<vmem>> -> memref<128x128xf32, #tpu.memory_space<vmem>>
      %dma_wait3A_88 = arith.constant 0 : i32
      %dma_wait3A_89 = tpu.memref_slice %arg7[%arg0, %add3A_33, %dma_wait3A_88] : memref<2x10112x128xf32, #tpu.memory_space<hbm>> -> memref<1x128x128xf32, #tpu.memory_space<hbm>>
      %dma_wait3A_90 = tpu.memref_squeeze %dma_wait3A_89 : memref<1x128x128xf32, #tpu.memory_space<hbm>> -> memref<128x128xf32, #tpu.memory_space<hbm>>
      %dma_wait3A_91 = arith.constant 0 : i32
      %dma_wait3A_92 = tpu.memref_slice %arg7[%arg0, %add3A_33, %dma_wait3A_91] : memref<2x10112x128xf32, #tpu.memory_space<hbm>> -> memref<1x128x128xf32, #tpu.memory_space<hbm>>
      %dma_wait3A_93 = tpu.memref_squeeze %dma_wait3A_92 : memref<1x128x128xf32, #tpu.memory_space<hbm>> -> memref<128x128xf32, #tpu.memory_space<hbm>>
      %dma_wait3A_94 = arith.constant 0 : i32
      %dma_wait3A_95 = arith.constant 0 : i32
      %dma_wait3A_96 = tpu.memref_slice %arg11[%dma_wait3A_94, %dma_wait3A_95] : memref<128x128xf32, #tpu.memory_space<vmem>> -> memref<128x128xf32, #tpu.memory_space<vmem>>
      tpu.wait_dma2 semaphore(%run_scoped3A : memref<!tpu.dma_semaphore, #tpu.memory_space<semaphore_mem>>) src(%dma_wait3A_96 : memref<128x128xf32, #tpu.memory_space<vmem>>) dst(%dma_wait3A_93 : memref<128x128xf32, #tpu.memory_space<hbm>>)
      tpu.yield
    }) : () -> ()
    %add3A_34 = arith.constant 512 : i32
    %add3A_35 = arith.addi %mul3A_2, %add3A_34 : i32
    "tpu.region"() ({
      %run_scoped3A = tpu.sem_alloc : memref<!tpu.dma_semaphore, #tpu.memory_space<semaphore_mem>>
      %dma_start3A = arith.constant 0 : i32
      %dma_start3A_75 = arith.constant 0 : i32
      %dma_start3A_76 = tpu.memref_slice %arg11[%dma_start3A, %dma_start3A_75] : memref<128x128xf32, #tpu.memory_space<vmem>> -> memref<120x128xf32, #tpu.memory_space<vmem>>
      %dma_start3A_77 = arith.constant 0 : i32
      %dma_start3A_78 = tpu.memref_slice %arg13[%add3A_35, %dma_start3A_77] : memref<10112x128xf32, #tpu.memory_space<vmem_shared>> -> memref<120x128xf32, #tpu.memory_space<vmem_shared>>
      %dma_start3A_79 = arith.constant 0 : i32
      %dma_start3A_80 = arith.constant 0 : i32
      %dma_start3A_81 = tpu.memref_slice %arg11[%dma_start3A_79, %dma_start3A_80] : memref<128x128xf32, #tpu.memory_space<vmem>> -> memref<120x128xf32, #tpu.memory_space<vmem>>
      %dma_start3A_82 = arith.constant 0 : i32
      %dma_start3A_83 = tpu.memref_slice %arg13[%add3A_35, %dma_start3A_82] : memref<10112x128xf32, #tpu.memory_space<vmem_shared>> -> memref<120x128xf32, #tpu.memory_space<vmem_shared>>
      tpu.enqueue_dma source(%dma_start3A_83 : memref<120x128xf32, #tpu.memory_space<vmem_shared>>) target(%dma_start3A_81 : memref<120x128xf32, #tpu.memory_space<vmem>>) target_semaphore(%run_scoped3A : memref<!tpu.dma_semaphore, #tpu.memory_space<semaphore_mem>>)
      %dma_wait3A = arith.constant 0 : i32
      %dma_wait3A_84 = arith.constant 0 : i32
      %dma_wait3A_85 = tpu.memref_slice %arg11[%dma_wait3A, %dma_wait3A_84] : memref<128x128xf32, #tpu.memory_space<vmem>> -> memref<120x128xf32, #tpu.memory_space<vmem>>
      %dma_wait3A_86 = arith.constant 0 : i32
      %dma_wait3A_87 = tpu.memref_slice %arg13[%add3A_35, %dma_wait3A_86] : memref<10112x128xf32, #tpu.memory_space<vmem_shared>> -> memref<120x128xf32, #tpu.memory_space<vmem_shared>>
      %dma_wait3A_88 = arith.constant 0 : i32
      %dma_wait3A_89 = arith.constant 0 : i32
      %dma_wait3A_90 = tpu.memref_slice %arg11[%dma_wait3A_88, %dma_wait3A_89] : memref<128x128xf32, #tpu.memory_space<vmem>> -> memref<120x128xf32, #tpu.memory_space<vmem>>
      %dma_wait3A_91 = arith.constant 0 : i32
      %dma_wait3A_92 = tpu.memref_slice %arg13[%add3A_35, %dma_wait3A_91] : memref<10112x128xf32, #tpu.memory_space<vmem_shared>> -> memref<120x128xf32, #tpu.memory_space<vmem_shared>>
      tpu.wait_dma2 semaphore(%run_scoped3A : memref<!tpu.dma_semaphore, #tpu.memory_space<semaphore_mem>>) src(%dma_wait3A_92 : memref<120x128xf32, #tpu.memory_space<vmem_shared>>) dst(%dma_wait3A_90 : memref<120x128xf32, #tpu.memory_space<vmem>>)
      tpu.yield
    }) : () -> ()
    %add3A_36 = arith.constant 512 : i32
    %add3A_37 = arith.addi %mul3A_2, %add3A_36 : i32
    "tpu.region"() ({
      %run_scoped3A = tpu.sem_alloc : memref<!tpu.dma_semaphore, #tpu.memory_space<semaphore_mem>>
      %dma_start3A = arith.constant 0 : i32
      %dma_start3A_75 = arith.constant 0 : i32
      %dma_start3A_76 = tpu.memref_slice %arg11[%dma_start3A, %dma_start3A_75] : memref<128x128xf32, #tpu.memory_space<vmem>> -> memref<120x128xf32, #tpu.memory_space<vmem>>
      %dma_start3A_77 = arith.constant 0 : i32
      %dma_start3A_78 = tpu.memref_slice %arg7[%arg0, %add3A_37, %dma_start3A_77] : memref<2x10112x128xf32, #tpu.memory_space<hbm>> -> memref<1x120x128xf32, #tpu.memory_space<hbm>>
      %dma_start3A_79 = tpu.memref_squeeze %dma_start3A_78 : memref<1x120x128xf32, #tpu.memory_space<hbm>> -> memref<120x128xf32, #tpu.memory_space<hbm>>
      %dma_start3A_80 = arith.constant 0 : i32
      %dma_start3A_81 = tpu.memref_slice %arg7[%arg0, %add3A_37, %dma_start3A_80] : memref<2x10112x128xf32, #tpu.memory_space<hbm>> -> memref<1x120x128xf32, #tpu.memory_space<hbm>>
      %dma_start3A_82 = tpu.memref_squeeze %dma_start3A_81 : memref<1x120x128xf32, #tpu.memory_space<hbm>> -> memref<120x128xf32, #tpu.memory_space<hbm>>
      %dma_start3A_83 = arith.constant 0 : i32
      %dma_start3A_84 = arith.constant 0 : i32
      %dma_start3A_85 = tpu.memref_slice %arg11[%dma_start3A_83, %dma_start3A_84] : memref<128x128xf32, #tpu.memory_space<vmem>> -> memref<120x128xf32, #tpu.memory_space<vmem>>
      tpu.enqueue_dma source(%dma_start3A_85 : memref<120x128xf32, #tpu.memory_space<vmem>>) target(%dma_start3A_82 : memref<120x128xf32, #tpu.memory_space<hbm>>) target_semaphore(%run_scoped3A : memref<!tpu.dma_semaphore, #tpu.memory_space<semaphore_mem>>)
      %dma_wait3A = arith.constant 0 : i32
      %dma_wait3A_86 = arith.constant 0 : i32
      %dma_wait3A_87 = tpu.memref_slice %arg11[%dma_wait3A, %dma_wait3A_86] : memref<128x128xf32, #tpu.memory_space<vmem>> -> memref<120x128xf32, #tpu.memory_space<vmem>>
      %dma_wait3A_88 = arith.constant 0 : i32
      %dma_wait3A_89 = tpu.memref_slice %arg7[%arg0, %add3A_37, %dma_wait3A_88] : memref<2x10112x128xf32, #tpu.memory_space<hbm>> -> memref<1x120x128xf32, #tpu.memory_space<hbm>>
      %dma_wait3A_90 = tpu.memref_squeeze %dma_wait3A_89 : memref<1x120x128xf32, #tpu.memory_space<hbm>> -> memref<120x128xf32, #tpu.memory_space<hbm>>
      %dma_wait3A_91 = arith.constant 0 : i32
      %dma_wait3A_92 = tpu.memref_slice %arg7[%arg0, %add3A_37, %dma_wait3A_91] : memref<2x10112x128xf32, #tpu.memory_space<hbm>> -> memref<1x120x128xf32, #tpu.memory_space<hbm>>
      %dma_wait3A_93 = tpu.memref_squeeze %dma_wait3A_92 : memref<1x120x128xf32, #tpu.memory_space<hbm>> -> memref<120x128xf32, #tpu.memory_space<hbm>>
      %dma_wait3A_94 = arith.constant 0 : i32
      %dma_wait3A_95 = arith.constant 0 : i32
      %dma_wait3A_96 = tpu.memref_slice %arg11[%dma_wait3A_94, %dma_wait3A_95] : memref<128x128xf32, #tpu.memory_space<vmem>> -> memref<120x128xf32, #tpu.memory_space<vmem>>
      tpu.wait_dma2 semaphore(%run_scoped3A : memref<!tpu.dma_semaphore, #tpu.memory_space<semaphore_mem>>) src(%dma_wait3A_96 : memref<120x128xf32, #tpu.memory_space<vmem>>) dst(%dma_wait3A_93 : memref<120x128xf32, #tpu.memory_space<hbm>>)
      tpu.yield
    }) : () -> ()
    "tpu.region"() ({
      %run_scoped3A = tpu.sem_alloc : memref<!tpu.dma_semaphore, #tpu.memory_space<semaphore_mem>>
      tpu.enqueue_dma source(%arg5 : memref<128x128xf32, #tpu.memory_space<hbm>>) target(%arg11 : memref<128x128xf32, #tpu.memory_space<vmem>>) target_semaphore(%run_scoped3A : memref<!tpu.dma_semaphore, #tpu.memory_space<semaphore_mem>>)
      tpu.wait_dma2 semaphore(%run_scoped3A : memref<!tpu.dma_semaphore, #tpu.memory_space<semaphore_mem>>) src(%arg5 : memref<128x128xf32, #tpu.memory_space<hbm>>) dst(%arg11 : memref<128x128xf32, #tpu.memory_space<vmem>>)
      tpu.yield
    }) : () -> ()
    %add3A_38 = arith.constant 0 : i32
    %add3A_39 = arith.addi %mul3A_2, %add3A_38 : i32
    "tpu.region"() ({
      %run_scoped3A = tpu.sem_alloc : memref<!tpu.dma_semaphore, #tpu.memory_space<semaphore_mem>>
      %dma_start3A = arith.constant 0 : i32
      %dma_start3A_75 = arith.constant 0 : i32
      %dma_start3A_76 = tpu.memref_slice %arg11[%dma_start3A, %dma_start3A_75] : memref<128x128xf32, #tpu.memory_space<vmem>> -> memref<128x128xf32, #tpu.memory_space<vmem>>
      %dma_start3A_77 = arith.constant 0 : i32
      %dma_start3A_78 = tpu.memref_slice %arg13[%add3A_39, %dma_start3A_77] : memref<10112x128xf32, #tpu.memory_space<vmem_shared>> -> memref<128x128xf32, #tpu.memory_space<vmem_shared>>
      %dma_start3A_79 = arith.constant 0 : i32
      %dma_start3A_80 = tpu.memref_slice %arg13[%add3A_39, %dma_start3A_79] : memref<10112x128xf32, #tpu.memory_space<vmem_shared>> -> memref<128x128xf32, #tpu.memory_space<vmem_shared>>
      %dma_start3A_81 = arith.constant 0 : i32
      %dma_start3A_82 = arith.constant 0 : i32
      %dma_start3A_83 = tpu.memref_slice %arg11[%dma_start3A_81, %dma_start3A_82] : memref<128x128xf32, #tpu.memory_space<vmem>> -> memref<128x128xf32, #tpu.memory_space<vmem>>
      tpu.enqueue_dma source(%dma_start3A_83 : memref<128x128xf32, #tpu.memory_space<vmem>>) target(%dma_start3A_80 : memref<128x128xf32, #tpu.memory_space<vmem_shared>>) target_semaphore(%run_scoped3A : memref<!tpu.dma_semaphore, #tpu.memory_space<semaphore_mem>>)
      %dma_wait3A = arith.constant 0 : i32
      %dma_wait3A_84 = arith.constant 0 : i32
      %dma_wait3A_85 = tpu.memref_slice %arg11[%dma_wait3A, %dma_wait3A_84] : memref<128x128xf32, #tpu.memory_space<vmem>> -> memref<128x128xf32, #tpu.memory_space<vmem>>
      %dma_wait3A_86 = arith.constant 0 : i32
      %dma_wait3A_87 = tpu.memref_slice %arg13[%add3A_39, %dma_wait3A_86] : memref<10112x128xf32, #tpu.memory_space<vmem_shared>> -> memref<128x128xf32, #tpu.memory_space<vmem_shared>>
      %dma_wait3A_88 = arith.constant 0 : i32
      %dma_wait3A_89 = tpu.memref_slice %arg13[%add3A_39, %dma_wait3A_88] : memref<10112x128xf32, #tpu.memory_space<vmem_shared>> -> memref<128x128xf32, #tpu.memory_space<vmem_shared>>
      %dma_wait3A_90 = arith.constant 0 : i32
      %dma_wait3A_91 = arith.constant 0 : i32
      %dma_wait3A_92 = tpu.memref_slice %arg11[%dma_wait3A_90, %dma_wait3A_91] : memref<128x128xf32, #tpu.memory_space<vmem>> -> memref<128x128xf32, #tpu.memory_space<vmem>>
      tpu.wait_dma2 semaphore(%run_scoped3A : memref<!tpu.dma_semaphore, #tpu.memory_space<semaphore_mem>>) src(%dma_wait3A_92 : memref<128x128xf32, #tpu.memory_space<vmem>>) dst(%dma_wait3A_89 : memref<128x128xf32, #tpu.memory_space<vmem_shared>>)
      tpu.yield
    }) : () -> ()
    %add3A_40 = arith.constant 128 : i32
    %add3A_41 = arith.addi %mul3A_2, %add3A_40 : i32
    "tpu.region"() ({
      %run_scoped3A = tpu.sem_alloc : memref<!tpu.dma_semaphore, #tpu.memory_space<semaphore_mem>>
      %dma_start3A = arith.constant 0 : i32
      %dma_start3A_75 = arith.constant 0 : i32
      %dma_start3A_76 = tpu.memref_slice %arg11[%dma_start3A, %dma_start3A_75] : memref<128x128xf32, #tpu.memory_space<vmem>> -> memref<128x128xf32, #tpu.memory_space<vmem>>
      %dma_start3A_77 = arith.constant 0 : i32
      %dma_start3A_78 = tpu.memref_slice %arg13[%add3A_41, %dma_start3A_77] : memref<10112x128xf32, #tpu.memory_space<vmem_shared>> -> memref<128x128xf32, #tpu.memory_space<vmem_shared>>
      %dma_start3A_79 = arith.constant 0 : i32
      %dma_start3A_80 = tpu.memref_slice %arg13[%add3A_41, %dma_start3A_79] : memref<10112x128xf32, #tpu.memory_space<vmem_shared>> -> memref<128x128xf32, #tpu.memory_space<vmem_shared>>
      %dma_start3A_81 = arith.constant 0 : i32
      %dma_start3A_82 = arith.constant 0 : i32
      %dma_start3A_83 = tpu.memref_slice %arg11[%dma_start3A_81, %dma_start3A_82] : memref<128x128xf32, #tpu.memory_space<vmem>> -> memref<128x128xf32, #tpu.memory_space<vmem>>
      tpu.enqueue_dma source(%dma_start3A_83 : memref<128x128xf32, #tpu.memory_space<vmem>>) target(%dma_start3A_80 : memref<128x128xf32, #tpu.memory_space<vmem_shared>>) target_semaphore(%run_scoped3A : memref<!tpu.dma_semaphore, #tpu.memory_space<semaphore_mem>>)
      %dma_wait3A = arith.constant 0 : i32
      %dma_wait3A_84 = arith.constant 0 : i32
      %dma_wait3A_85 = tpu.memref_slice %arg11[%dma_wait3A, %dma_wait3A_84] : memref<128x128xf32, #tpu.memory_space<vmem>> -> memref<128x128xf32, #tpu.memory_space<vmem>>
      %dma_wait3A_86 = arith.constant 0 : i32
      %dma_wait3A_87 = tpu.memref_slice %arg13[%add3A_41, %dma_wait3A_86] : memref<10112x128xf32, #tpu.memory_space<vmem_shared>> -> memref<128x128xf32, #tpu.memory_space<vmem_shared>>
      %dma_wait3A_88 = arith.constant 0 : i32
      %dma_wait3A_89 = tpu.memref_slice %arg13[%add3A_41, %dma_wait3A_88] : memref<10112x128xf32, #tpu.memory_space<vmem_shared>> -> memref<128x128xf32, #tpu.memory_space<vmem_shared>>
      %dma_wait3A_90 = arith.constant 0 : i32
      %dma_wait3A_91 = arith.constant 0 : i32
      %dma_wait3A_92 = tpu.memref_slice %arg11[%dma_wait3A_90, %dma_wait3A_91] : memref<128x128xf32, #tpu.memory_space<vmem>> -> memref<128x128xf32, #tpu.memory_space<vmem>>
      tpu.wait_dma2 semaphore(%run_scoped3A : memref<!tpu.dma_semaphore, #tpu.memory_space<semaphore_mem>>) src(%dma_wait3A_92 : memref<128x128xf32, #tpu.memory_space<vmem>>) dst(%dma_wait3A_89 : memref<128x128xf32, #tpu.memory_space<vmem_shared>>)
      tpu.yield
    }) : () -> ()
    %add3A_42 = arith.constant 256 : i32
    %add3A_43 = arith.addi %mul3A_2, %add3A_42 : i32
    "tpu.region"() ({
      %run_scoped3A = tpu.sem_alloc : memref<!tpu.dma_semaphore, #tpu.memory_space<semaphore_mem>>
      %dma_start3A = arith.constant 0 : i32
      %dma_start3A_75 = arith.constant 0 : i32
      %dma_start3A_76 = tpu.memref_slice %arg11[%dma_start3A, %dma_start3A_75] : memref<128x128xf32, #tpu.memory_space<vmem>> -> memref<128x128xf32, #tpu.memory_space<vmem>>
      %dma_start3A_77 = arith.constant 0 : i32
      %dma_start3A_78 = tpu.memref_slice %arg13[%add3A_43, %dma_start3A_77] : memref<10112x128xf32, #tpu.memory_space<vmem_shared>> -> memref<128x128xf32, #tpu.memory_space<vmem_shared>>
      %dma_start3A_79 = arith.constant 0 : i32
      %dma_start3A_80 = tpu.memref_slice %arg13[%add3A_43, %dma_start3A_79] : memref<10112x128xf32, #tpu.memory_space<vmem_shared>> -> memref<128x128xf32, #tpu.memory_space<vmem_shared>>
      %dma_start3A_81 = arith.constant 0 : i32
      %dma_start3A_82 = arith.constant 0 : i32
      %dma_start3A_83 = tpu.memref_slice %arg11[%dma_start3A_81, %dma_start3A_82] : memref<128x128xf32, #tpu.memory_space<vmem>> -> memref<128x128xf32, #tpu.memory_space<vmem>>
      tpu.enqueue_dma source(%dma_start3A_83 : memref<128x128xf32, #tpu.memory_space<vmem>>) target(%dma_start3A_80 : memref<128x128xf32, #tpu.memory_space<vmem_shared>>) target_semaphore(%run_scoped3A : memref<!tpu.dma_semaphore, #tpu.memory_space<semaphore_mem>>)
      %dma_wait3A = arith.constant 0 : i32
      %dma_wait3A_84 = arith.constant 0 : i32
      %dma_wait3A_85 = tpu.memref_slice %arg11[%dma_wait3A, %dma_wait3A_84] : memref<128x128xf32, #tpu.memory_space<vmem>> -> memref<128x128xf32, #tpu.memory_space<vmem>>
      %dma_wait3A_86 = arith.constant 0 : i32
      %dma_wait3A_87 = tpu.memref_slice %arg13[%add3A_43, %dma_wait3A_86] : memref<10112x128xf32, #tpu.memory_space<vmem_shared>> -> memref<128x128xf32, #tpu.memory_space<vmem_shared>>
      %dma_wait3A_88 = arith.constant 0 : i32
      %dma_wait3A_89 = tpu.memref_slice %arg13[%add3A_43, %dma_wait3A_88] : memref<10112x128xf32, #tpu.memory_space<vmem_shared>> -> memref<128x128xf32, #tpu.memory_space<vmem_shared>>
      %dma_wait3A_90 = arith.constant 0 : i32
      %dma_wait3A_91 = arith.constant 0 : i32
      %dma_wait3A_92 = tpu.memref_slice %arg11[%dma_wait3A_90, %dma_wait3A_91] : memref<128x128xf32, #tpu.memory_space<vmem>> -> memref<128x128xf32, #tpu.memory_space<vmem>>
      tpu.wait_dma2 semaphore(%run_scoped3A : memref<!tpu.dma_semaphore, #tpu.memory_space<semaphore_mem>>) src(%dma_wait3A_92 : memref<128x128xf32, #tpu.memory_space<vmem>>) dst(%dma_wait3A_89 : memref<128x128xf32, #tpu.memory_space<vmem_shared>>)
      tpu.yield
    }) : () -> ()
    %add3A_44 = arith.constant 384 : i32
    %add3A_45 = arith.addi %mul3A_2, %add3A_44 : i32
    "tpu.region"() ({
      %run_scoped3A = tpu.sem_alloc : memref<!tpu.dma_semaphore, #tpu.memory_space<semaphore_mem>>
      %dma_start3A = arith.constant 0 : i32
      %dma_start3A_75 = arith.constant 0 : i32
      %dma_start3A_76 = tpu.memref_slice %arg11[%dma_start3A, %dma_start3A_75] : memref<128x128xf32, #tpu.memory_space<vmem>> -> memref<128x128xf32, #tpu.memory_space<vmem>>
      %dma_start3A_77 = arith.constant 0 : i32
      %dma_start3A_78 = tpu.memref_slice %arg13[%add3A_45, %dma_start3A_77] : memref<10112x128xf32, #tpu.memory_space<vmem_shared>> -> memref<128x128xf32, #tpu.memory_space<vmem_shared>>
      %dma_start3A_79 = arith.constant 0 : i32
      %dma_start3A_80 = tpu.memref_slice %arg13[%add3A_45, %dma_start3A_79] : memref<10112x128xf32, #tpu.memory_space<vmem_shared>> -> memref<128x128xf32, #tpu.memory_space<vmem_shared>>
      %dma_start3A_81 = arith.constant 0 : i32
      %dma_start3A_82 = arith.constant 0 : i32
      %dma_start3A_83 = tpu.memref_slice %arg11[%dma_start3A_81, %dma_start3A_82] : memref<128x128xf32, #tpu.memory_space<vmem>> -> memref<128x128xf32, #tpu.memory_space<vmem>>
      tpu.enqueue_dma source(%dma_start3A_83 : memref<128x128xf32, #tpu.memory_space<vmem>>) target(%dma_start3A_80 : memref<128x128xf32, #tpu.memory_space<vmem_shared>>) target_semaphore(%run_scoped3A : memref<!tpu.dma_semaphore, #tpu.memory_space<semaphore_mem>>)
      %dma_wait3A = arith.constant 0 : i32
      %dma_wait3A_84 = arith.constant 0 : i32
      %dma_wait3A_85 = tpu.memref_slice %arg11[%dma_wait3A, %dma_wait3A_84] : memref<128x128xf32, #tpu.memory_space<vmem>> -> memref<128x128xf32, #tpu.memory_space<vmem>>
      %dma_wait3A_86 = arith.constant 0 : i32
      %dma_wait3A_87 = tpu.memref_slice %arg13[%add3A_45, %dma_wait3A_86] : memref<10112x128xf32, #tpu.memory_space<vmem_shared>> -> memref<128x128xf32, #tpu.memory_space<vmem_shared>>
      %dma_wait3A_88 = arith.constant 0 : i32
      %dma_wait3A_89 = tpu.memref_slice %arg13[%add3A_45, %dma_wait3A_88] : memref<10112x128xf32, #tpu.memory_space<vmem_shared>> -> memref<128x128xf32, #tpu.memory_space<vmem_shared>>
      %dma_wait3A_90 = arith.constant 0 : i32
      %dma_wait3A_91 = arith.constant 0 : i32
      %dma_wait3A_92 = tpu.memref_slice %arg11[%dma_wait3A_90, %dma_wait3A_91] : memref<128x128xf32, #tpu.memory_space<vmem>> -> memref<128x128xf32, #tpu.memory_space<vmem>>
      tpu.wait_dma2 semaphore(%run_scoped3A : memref<!tpu.dma_semaphore, #tpu.memory_space<semaphore_mem>>) src(%dma_wait3A_92 : memref<128x128xf32, #tpu.memory_space<vmem>>) dst(%dma_wait3A_89 : memref<128x128xf32, #tpu.memory_space<vmem_shared>>)
      tpu.yield
    }) : () -> ()
    %add3A_46 = arith.constant 512 : i32
    %add3A_47 = arith.addi %mul3A_2, %add3A_46 : i32
    "tpu.region"() ({
      %run_scoped3A = tpu.sem_alloc : memref<!tpu.dma_semaphore, #tpu.memory_space<semaphore_mem>>
      %dma_start3A = arith.constant 0 : i32
      %dma_start3A_75 = arith.constant 0 : i32
      %dma_start3A_76 = tpu.memref_slice %arg11[%dma_start3A, %dma_start3A_75] : memref<128x128xf32, #tpu.memory_space<vmem>> -> memref<120x128xf32, #tpu.memory_space<vmem>>
      %dma_start3A_77 = arith.constant 0 : i32
      %dma_start3A_78 = tpu.memref_slice %arg13[%add3A_47, %dma_start3A_77] : memref<10112x128xf32, #tpu.memory_space<vmem_shared>> -> memref<120x128xf32, #tpu.memory_space<vmem_shared>>
      %dma_start3A_79 = arith.constant 0 : i32
      %dma_start3A_80 = tpu.memref_slice %arg13[%add3A_47, %dma_start3A_79] : memref<10112x128xf32, #tpu.memory_space<vmem_shared>> -> memref<120x128xf32, #tpu.memory_space<vmem_shared>>
      %dma_start3A_81 = arith.constant 0 : i32
      %dma_start3A_82 = arith.constant 0 : i32
      %dma_start3A_83 = tpu.memref_slice %arg11[%dma_start3A_81, %dma_start3A_82] : memref<128x128xf32, #tpu.memory_space<vmem>> -> memref<120x128xf32, #tpu.memory_space<vmem>>
      tpu.enqueue_dma source(%dma_start3A_83 : memref<120x128xf32, #tpu.memory_space<vmem>>) target(%dma_start3A_80 : memref<120x128xf32, #tpu.memory_space<vmem_shared>>) target_semaphore(%run_scoped3A : memref<!tpu.dma_semaphore, #tpu.memory_space<semaphore_mem>>)
      %dma_wait3A = arith.constant 0 : i32
      %dma_wait3A_84 = arith.constant 0 : i32
      %dma_wait3A_85 = tpu.memref_slice %arg11[%dma_wait3A, %dma_wait3A_84] : memref<128x128xf32, #tpu.memory_space<vmem>> -> memref<120x128xf32, #tpu.memory_space<vmem>>
      %dma_wait3A_86 = arith.constant 0 : i32
      %dma_wait3A_87 = tpu.memref_slice %arg13[%add3A_47, %dma_wait3A_86] : memref<10112x128xf32, #tpu.memory_space<vmem_shared>> -> memref<120x128xf32, #tpu.memory_space<vmem_shared>>
      %dma_wait3A_88 = arith.constant 0 : i32
      %dma_wait3A_89 = tpu.memref_slice %arg13[%add3A_47, %dma_wait3A_88] : memref<10112x128xf32, #tpu.memory_space<vmem_shared>> -> memref<120x128xf32, #tpu.memory_space<vmem_shared>>
      %dma_wait3A_90 = arith.constant 0 : i32
      %dma_wait3A_91 = arith.constant 0 : i32
      %dma_wait3A_92 = tpu.memref_slice %arg11[%dma_wait3A_90, %dma_wait3A_91] : memref<128x128xf32, #tpu.memory_space<vmem>> -> memref<120x128xf32, #tpu.memory_space<vmem>>
      tpu.wait_dma2 semaphore(%run_scoped3A : memref<!tpu.dma_semaphore, #tpu.memory_space<semaphore_mem>>) src(%dma_wait3A_92 : memref<120x128xf32, #tpu.memory_space<vmem>>) dst(%dma_wait3A_89 : memref<120x128xf32, #tpu.memory_space<vmem_shared>>)
      tpu.yield
    }) : () -> ()
    "tpu.region"() ({
      %run_scoped3A = tpu.sem_alloc : memref<!tpu.dma_semaphore, #tpu.memory_space<semaphore_mem>>
      tpu.enqueue_dma source(%arg6 : memref<128x128xf32, #tpu.memory_space<hbm>>) target(%arg12 : memref<128x128xf32, #tpu.memory_space<vmem>>) target_semaphore(%run_scoped3A : memref<!tpu.dma_semaphore, #tpu.memory_space<semaphore_mem>>)
      tpu.wait_dma2 semaphore(%run_scoped3A : memref<!tpu.dma_semaphore, #tpu.memory_space<semaphore_mem>>) src(%arg6 : memref<128x128xf32, #tpu.memory_space<hbm>>) dst(%arg12 : memref<128x128xf32, #tpu.memory_space<vmem>>)
      tpu.yield
    }) : () -> ()
    %barrier3A_48 = arith.constant 0 : index
    tpu.barrier barrier_id(%barrier3A_48)
    %scan3A_49 = arith.constant 0 : i32
    %scan3A_50 = arith.constant 5 : i32
    %scan3A_51 = arith.addi %scan3A_49, %scan3A_50 : i32
    %scan3A_52 = arith.constant 1 : i32
    scf.for %scan3A_75 = %scan3A_49 to %scan3A_51 step %scan3A_52  : i32 {
      %mul3A_76 = arith.constant 1 : i32
      %mul3A_77 = arith.muli %scan3A_75, %mul3A_76 : i32
      %add3A_78 = arith.constant 0 : i32
      %add3A_79 = arith.addi %add3A_78, %mul3A_77 : i32
      "tpu.region"() ({
        %run_scoped3A = tpu.sem_alloc : memref<!tpu.dma_semaphore, #tpu.memory_space<semaphore_mem>>
        %dma_start3A_302 = arith.constant 0 : i32
        %dma_start3A_303 = arith.constant 0 : i32
        %dma_start3A_304 = tpu.memref_slice %arg4[%add3A, %add3A_79, %dma_start3A_302, %dma_start3A_303] : memref<32x5x16x128xi32, #tpu.memory_space<hbm>> -> memref<1x1x16x128xi32, #tpu.memory_space<hbm>>
        %dma_start3A_305 = tpu.memref_squeeze %dma_start3A_304 : memref<1x1x16x128xi32, #tpu.memory_space<hbm>> -> memref<16x128xi32, #tpu.memory_space<hbm>>
        %dma_start3A_306 = arith.constant 0 : i32
        %dma_start3A_307 = arith.constant 0 : i32
        %dma_start3A_308 = tpu.memref_slice %arg4[%add3A, %add3A_79, %dma_start3A_306, %dma_start3A_307] : memref<32x5x16x128xi32, #tpu.memory_space<hbm>> -> memref<1x1x16x128xi32, #tpu.memory_space<hbm>>
        %dma_start3A_309 = tpu.memref_squeeze %dma_start3A_308 : memref<1x1x16x128xi32, #tpu.memory_space<hbm>> -> memref<16x128xi32, #tpu.memory_space<hbm>>
        tpu.enqueue_dma source(%dma_start3A_309 : memref<16x128xi32, #tpu.memory_space<hbm>>) target(%arg10 : memref<16x128xi32, #tpu.memory_space<vmem>>) target_semaphore(%run_scoped3A : memref<!tpu.dma_semaphore, #tpu.memory_space<semaphore_mem>>)
        %dma_wait3A_310 = arith.constant 0 : i32
        %dma_wait3A_311 = arith.constant 0 : i32
        %dma_wait3A_312 = tpu.memref_slice %arg4[%add3A, %add3A_79, %dma_wait3A_310, %dma_wait3A_311] : memref<32x5x16x128xi32, #tpu.memory_space<hbm>> -> memref<1x1x16x128xi32, #tpu.memory_space<hbm>>
        %dma_wait3A_313 = tpu.memref_squeeze %dma_wait3A_312 : memref<1x1x16x128xi32, #tpu.memory_space<hbm>> -> memref<16x128xi32, #tpu.memory_space<hbm>>
        %dma_wait3A_314 = arith.constant 0 : i32
        %dma_wait3A_315 = arith.constant 0 : i32
        %dma_wait3A_316 = tpu.memref_slice %arg4[%add3A, %add3A_79, %dma_wait3A_314, %dma_wait3A_315] : memref<32x5x16x128xi32, #tpu.memory_space<hbm>> -> memref<1x1x16x128xi32, #tpu.memory_space<hbm>>
        %dma_wait3A_317 = tpu.memref_squeeze %dma_wait3A_316 : memref<1x1x16x128xi32, #tpu.memory_space<hbm>> -> memref<16x128xi32, #tpu.memory_space<hbm>>
        tpu.wait_dma2 semaphore(%run_scoped3A : memref<!tpu.dma_semaphore, #tpu.memory_space<semaphore_mem>>) src(%dma_wait3A_317 : memref<16x128xi32, #tpu.memory_space<hbm>>) dst(%arg10 : memref<16x128xi32, #tpu.memory_space<vmem>>)
        tpu.yield
      }) : () -> ()
      %dma_start3A = arith.constant 0 : i32
      %dma_start3A_80 = arith.constant 0 : i32
      %dma_start3A_81 = tpu.memref_slice %arg10[%dma_start3A, %dma_start3A_80] : memref<16x128xi32, #tpu.memory_space<vmem>> -> memref<1x128xi32, #tpu.memory_space<vmem>>
      %dma_start3A_82 = tpu.memref_squeeze %dma_start3A_81 : memref<1x128xi32, #tpu.memory_space<vmem>> -> memref<128xi32, #tpu.memory_space<vmem>>
      %dma_start3A_83 = arith.constant 0 : i32
      %dma_start3A_84 = arith.constant 0 : i32
      %dma_start3A_85 = tpu.memref_slice %arg13[%dma_start3A_83, %dma_start3A_84] : memref<10112x128xf32, #tpu.memory_space<vmem_shared>> -> memref<10112x128xf32, #tpu.memory_space<vmem_shared>>
      tpu.enqueue_indirect_dma source(%arg12 : memref<128x128xf32, #tpu.memory_space<vmem>>) target(%dma_start3A_85 : memref<10112x128xf32, #tpu.memory_space<vmem_shared>>) offsets(%dma_start3A_82 : memref<128xi32, #tpu.memory_space<vmem>>) semaphore(%arg14 : memref<!tpu.dma_semaphore, #tpu.memory_space<semaphore_mem>>) {add = true}
      %dma_start3A_86 = arith.constant 1 : i32
      %dma_start3A_87 = arith.constant 0 : i32
      %dma_start3A_88 = tpu.memref_slice %arg10[%dma_start3A_86, %dma_start3A_87] : memref<16x128xi32, #tpu.memory_space<vmem>> -> memref<1x128xi32, #tpu.memory_space<vmem>>
      %dma_start3A_89 = tpu.memref_squeeze %dma_start3A_88 : memref<1x128xi32, #tpu.memory_space<vmem>> -> memref<128xi32, #tpu.memory_space<vmem>>
      %dma_start3A_90 = arith.constant 0 : i32
      %dma_start3A_91 = arith.constant 0 : i32
      %dma_start3A_92 = tpu.memref_slice %arg13[%dma_start3A_90, %dma_start3A_91] : memref<10112x128xf32, #tpu.memory_space<vmem_shared>> -> memref<10112x128xf32, #tpu.memory_space<vmem_shared>>
      tpu.enqueue_indirect_dma source(%arg12 : memref<128x128xf32, #tpu.memory_space<vmem>>) target(%dma_start3A_92 : memref<10112x128xf32, #tpu.memory_space<vmem_shared>>) offsets(%dma_start3A_89 : memref<128xi32, #tpu.memory_space<vmem>>) semaphore(%arg14 : memref<!tpu.dma_semaphore, #tpu.memory_space<semaphore_mem>>) {add = true}
      %dma_start3A_93 = arith.constant 2 : i32
      %dma_start3A_94 = arith.constant 0 : i32
      %dma_start3A_95 = tpu.memref_slice %arg10[%dma_start3A_93, %dma_start3A_94] : memref<16x128xi32, #tpu.memory_space<vmem>> -> memref<1x128xi32, #tpu.memory_space<vmem>>
      %dma_start3A_96 = tpu.memref_squeeze %dma_start3A_95 : memref<1x128xi32, #tpu.memory_space<vmem>> -> memref<128xi32, #tpu.memory_space<vmem>>
      %dma_start3A_97 = arith.constant 0 : i32
      %dma_start3A_98 = arith.constant 0 : i32
      %dma_start3A_99 = tpu.memref_slice %arg13[%dma_start3A_97, %dma_start3A_98] : memref<10112x128xf32, #tpu.memory_space<vmem_shared>> -> memref<10112x128xf32, #tpu.memory_space<vmem_shared>>
      tpu.enqueue_indirect_dma source(%arg12 : memref<128x128xf32, #tpu.memory_space<vmem>>) target(%dma_start3A_99 : memref<10112x128xf32, #tpu.memory_space<vmem_shared>>) offsets(%dma_start3A_96 : memref<128xi32, #tpu.memory_space<vmem>>) semaphore(%arg14 : memref<!tpu.dma_semaphore, #tpu.memory_space<semaphore_mem>>) {add = true}
      %dma_start3A_100 = arith.constant 3 : i32
      %dma_start3A_101 = arith.constant 0 : i32
      %dma_start3A_102 = tpu.memref_slice %arg10[%dma_start3A_100, %dma_start3A_101] : memref<16x128xi32, #tpu.memory_space<vmem>> -> memref<1x128xi32, #tpu.memory_space<vmem>>
      %dma_start3A_103 = tpu.memref_squeeze %dma_start3A_102 : memref<1x128xi32, #tpu.memory_space<vmem>> -> memref<128xi32, #tpu.memory_space<vmem>>
      %dma_start3A_104 = arith.constant 0 : i32
      %dma_start3A_105 = arith.constant 0 : i32
      %dma_start3A_106 = tpu.memref_slice %arg13[%dma_start3A_104, %dma_start3A_105] : memref<10112x128xf32, #tpu.memory_space<vmem_shared>> -> memref<10112x128xf32, #tpu.memory_space<vmem_shared>>
      tpu.enqueue_indirect_dma source(%arg12 : memref<128x128xf32, #tpu.memory_space<vmem>>) target(%dma_start3A_106 : memref<10112x128xf32, #tpu.memory_space<vmem_shared>>) offsets(%dma_start3A_103 : memref<128xi32, #tpu.memory_space<vmem>>) semaphore(%arg14 : memref<!tpu.dma_semaphore, #tpu.memory_space<semaphore_mem>>) {add = true}
      %dma_start3A_107 = arith.constant 4 : i32
      %dma_start3A_108 = arith.constant 0 : i32
      %dma_start3A_109 = tpu.memref_slice %arg10[%dma_start3A_107, %dma_start3A_108] : memref<16x128xi32, #tpu.memory_space<vmem>> -> memref<1x128xi32, #tpu.memory_space<vmem>>
      %dma_start3A_110 = tpu.memref_squeeze %dma_start3A_109 : memref<1x128xi32, #tpu.memory_space<vmem>> -> memref<128xi32, #tpu.memory_space<vmem>>
      %dma_start3A_111 = arith.constant 0 : i32
      %dma_start3A_112 = arith.constant 0 : i32
      %dma_start3A_113 = tpu.memref_slice %arg13[%dma_start3A_111, %dma_start3A_112] : memref<10112x128xf32, #tpu.memory_space<vmem_shared>> -> memref<10112x128xf32, #tpu.memory_space<vmem_shared>>
      tpu.enqueue_indirect_dma source(%arg12 : memref<128x128xf32, #tpu.memory_space<vmem>>) target(%dma_start3A_113 : memref<10112x128xf32, #tpu.memory_space<vmem_shared>>) offsets(%dma_start3A_110 : memref<128xi32, #tpu.memory_space<vmem>>) semaphore(%arg14 : memref<!tpu.dma_semaphore, #tpu.memory_space<semaphore_mem>>) {add = true}
      %dma_start3A_114 = arith.constant 5 : i32
      %dma_start3A_115 = arith.constant 0 : i32
      %dma_start3A_116 = tpu.memref_slice %arg10[%dma_start3A_114, %dma_start3A_115] : memref<16x128xi32, #tpu.memory_space<vmem>> -> memref<1x128xi32, #tpu.memory_space<vmem>>
      %dma_start3A_117 = tpu.memref_squeeze %dma_start3A_116 : memref<1x128xi32, #tpu.memory_space<vmem>> -> memref<128xi32, #tpu.memory_space<vmem>>
      %dma_start3A_118 = arith.constant 0 : i32
      %dma_start3A_119 = arith.constant 0 : i32
      %dma_start3A_120 = tpu.memref_slice %arg13[%dma_start3A_118, %dma_start3A_119] : memref<10112x128xf32, #tpu.memory_space<vmem_shared>> -> memref<10112x128xf32, #tpu.memory_space<vmem_shared>>
      tpu.enqueue_indirect_dma source(%arg12 : memref<128x128xf32, #tpu.memory_space<vmem>>) target(%dma_start3A_120 : memref<10112x128xf32, #tpu.memory_space<vmem_shared>>) offsets(%dma_start3A_117 : memref<128xi32, #tpu.memory_space<vmem>>) semaphore(%arg14 : memref<!tpu.dma_semaphore, #tpu.memory_space<semaphore_mem>>) {add = true}
      %dma_start3A_121 = arith.constant 6 : i32
      %dma_start3A_122 = arith.constant 0 : i32
      %dma_start3A_123 = tpu.memref_slice %arg10[%dma_start3A_121, %dma_start3A_122] : memref<16x128xi32, #tpu.memory_space<vmem>> -> memref<1x128xi32, #tpu.memory_space<vmem>>
      %dma_start3A_124 = tpu.memref_squeeze %dma_start3A_123 : memref<1x128xi32, #tpu.memory_space<vmem>> -> memref<128xi32, #tpu.memory_space<vmem>>
      %dma_start3A_125 = arith.constant 0 : i32
      %dma_start3A_126 = arith.constant 0 : i32
      %dma_start3A_127 = tpu.memref_slice %arg13[%dma_start3A_125, %dma_start3A_126] : memref<10112x128xf32, #tpu.memory_space<vmem_shared>> -> memref<10112x128xf32, #tpu.memory_space<vmem_shared>>
      tpu.enqueue_indirect_dma source(%arg12 : memref<128x128xf32, #tpu.memory_space<vmem>>) target(%dma_start3A_127 : memref<10112x128xf32, #tpu.memory_space<vmem_shared>>) offsets(%dma_start3A_124 : memref<128xi32, #tpu.memory_space<vmem>>) semaphore(%arg14 : memref<!tpu.dma_semaphore, #tpu.memory_space<semaphore_mem>>) {add = true}
      %dma_start3A_128 = arith.constant 7 : i32
      %dma_start3A_129 = arith.constant 0 : i32
      %dma_start3A_130 = tpu.memref_slice %arg10[%dma_start3A_128, %dma_start3A_129] : memref<16x128xi32, #tpu.memory_space<vmem>> -> memref<1x128xi32, #tpu.memory_space<vmem>>
      %dma_start3A_131 = tpu.memref_squeeze %dma_start3A_130 : memref<1x128xi32, #tpu.memory_space<vmem>> -> memref<128xi32, #tpu.memory_space<vmem>>
      %dma_start3A_132 = arith.constant 0 : i32
      %dma_start3A_133 = arith.constant 0 : i32
      %dma_start3A_134 = tpu.memref_slice %arg13[%dma_start3A_132, %dma_start3A_133] : memref<10112x128xf32, #tpu.memory_space<vmem_shared>> -> memref<10112x128xf32, #tpu.memory_space<vmem_shared>>
      tpu.enqueue_indirect_dma source(%arg12 : memref<128x128xf32, #tpu.memory_space<vmem>>) target(%dma_start3A_134 : memref<10112x128xf32, #tpu.memory_space<vmem_shared>>) offsets(%dma_start3A_131 : memref<128xi32, #tpu.memory_space<vmem>>) semaphore(%arg14 : memref<!tpu.dma_semaphore, #tpu.memory_space<semaphore_mem>>) {add = true}
      %dma_start3A_135 = arith.constant 8 : i32
      %dma_start3A_136 = arith.constant 0 : i32
      %dma_start3A_137 = tpu.memref_slice %arg10[%dma_start3A_135, %dma_start3A_136] : memref<16x128xi32, #tpu.memory_space<vmem>> -> memref<1x128xi32, #tpu.memory_space<vmem>>
      %dma_start3A_138 = tpu.memref_squeeze %dma_start3A_137 : memref<1x128xi32, #tpu.memory_space<vmem>> -> memref<128xi32, #tpu.memory_space<vmem>>
      %dma_start3A_139 = arith.constant 0 : i32
      %dma_start3A_140 = arith.constant 0 : i32
      %dma_start3A_141 = tpu.memref_slice %arg13[%dma_start3A_139, %dma_start3A_140] : memref<10112x128xf32, #tpu.memory_space<vmem_shared>> -> memref<10112x128xf32, #tpu.memory_space<vmem_shared>>
      tpu.enqueue_indirect_dma source(%arg12 : memref<128x128xf32, #tpu.memory_space<vmem>>) target(%dma_start3A_141 : memref<10112x128xf32, #tpu.memory_space<vmem_shared>>) offsets(%dma_start3A_138 : memref<128xi32, #tpu.memory_space<vmem>>) semaphore(%arg14 : memref<!tpu.dma_semaphore, #tpu.memory_space<semaphore_mem>>) {add = true}
      %dma_start3A_142 = arith.constant 9 : i32
      %dma_start3A_143 = arith.constant 0 : i32
      %dma_start3A_144 = tpu.memref_slice %arg10[%dma_start3A_142, %dma_start3A_143] : memref<16x128xi32, #tpu.memory_space<vmem>> -> memref<1x128xi32, #tpu.memory_space<vmem>>
      %dma_start3A_145 = tpu.memref_squeeze %dma_start3A_144 : memref<1x128xi32, #tpu.memory_space<vmem>> -> memref<128xi32, #tpu.memory_space<vmem>>
      %dma_start3A_146 = arith.constant 0 : i32
      %dma_start3A_147 = arith.constant 0 : i32
      %dma_start3A_148 = tpu.memref_slice %arg13[%dma_start3A_146, %dma_start3A_147] : memref<10112x128xf32, #tpu.memory_space<vmem_shared>> -> memref<10112x128xf32, #tpu.memory_space<vmem_shared>>
      tpu.enqueue_indirect_dma source(%arg12 : memref<128x128xf32, #tpu.memory_space<vmem>>) target(%dma_start3A_148 : memref<10112x128xf32, #tpu.memory_space<vmem_shared>>) offsets(%dma_start3A_145 : memref<128xi32, #tpu.memory_space<vmem>>) semaphore(%arg14 : memref<!tpu.dma_semaphore, #tpu.memory_space<semaphore_mem>>) {add = true}
      %dma_start3A_149 = arith.constant 10 : i32
      %dma_start3A_150 = arith.constant 0 : i32
      %dma_start3A_151 = tpu.memref_slice %arg10[%dma_start3A_149, %dma_start3A_150] : memref<16x128xi32, #tpu.memory_space<vmem>> -> memref<1x128xi32, #tpu.memory_space<vmem>>
      %dma_start3A_152 = tpu.memref_squeeze %dma_start3A_151 : memref<1x128xi32, #tpu.memory_space<vmem>> -> memref<128xi32, #tpu.memory_space<vmem>>
      %dma_start3A_153 = arith.constant 0 : i32
      %dma_start3A_154 = arith.constant 0 : i32
      %dma_start3A_155 = tpu.memref_slice %arg13[%dma_start3A_153, %dma_start3A_154] : memref<10112x128xf32, #tpu.memory_space<vmem_shared>> -> memref<10112x128xf32, #tpu.memory_space<vmem_shared>>
      tpu.enqueue_indirect_dma source(%arg12 : memref<128x128xf32, #tpu.memory_space<vmem>>) target(%dma_start3A_155 : memref<10112x128xf32, #tpu.memory_space<vmem_shared>>) offsets(%dma_start3A_152 : memref<128xi32, #tpu.memory_space<vmem>>) semaphore(%arg14 : memref<!tpu.dma_semaphore, #tpu.memory_space<semaphore_mem>>) {add = true}
      %dma_start3A_156 = arith.constant 11 : i32
      %dma_start3A_157 = arith.constant 0 : i32
      %dma_start3A_158 = tpu.memref_slice %arg10[%dma_start3A_156, %dma_start3A_157] : memref<16x128xi32, #tpu.memory_space<vmem>> -> memref<1x128xi32, #tpu.memory_space<vmem>>
      %dma_start3A_159 = tpu.memref_squeeze %dma_start3A_158 : memref<1x128xi32, #tpu.memory_space<vmem>> -> memref<128xi32, #tpu.memory_space<vmem>>
      %dma_start3A_160 = arith.constant 0 : i32
      %dma_start3A_161 = arith.constant 0 : i32
      %dma_start3A_162 = tpu.memref_slice %arg13[%dma_start3A_160, %dma_start3A_161] : memref<10112x128xf32, #tpu.memory_space<vmem_shared>> -> memref<10112x128xf32, #tpu.memory_space<vmem_shared>>
      tpu.enqueue_indirect_dma source(%arg12 : memref<128x128xf32, #tpu.memory_space<vmem>>) target(%dma_start3A_162 : memref<10112x128xf32, #tpu.memory_space<vmem_shared>>) offsets(%dma_start3A_159 : memref<128xi32, #tpu.memory_space<vmem>>) semaphore(%arg14 : memref<!tpu.dma_semaphore, #tpu.memory_space<semaphore_mem>>) {add = true}
      %dma_start3A_163 = arith.constant 12 : i32
      %dma_start3A_164 = arith.constant 0 : i32
      %dma_start3A_165 = tpu.memref_slice %arg10[%dma_start3A_163, %dma_start3A_164] : memref<16x128xi32, #tpu.memory_space<vmem>> -> memref<1x128xi32, #tpu.memory_space<vmem>>
      %dma_start3A_166 = tpu.memref_squeeze %dma_start3A_165 : memref<1x128xi32, #tpu.memory_space<vmem>> -> memref<128xi32, #tpu.memory_space<vmem>>
      %dma_start3A_167 = arith.constant 0 : i32
      %dma_start3A_168 = arith.constant 0 : i32
      %dma_start3A_169 = tpu.memref_slice %arg13[%dma_start3A_167, %dma_start3A_168] : memref<10112x128xf32, #tpu.memory_space<vmem_shared>> -> memref<10112x128xf32, #tpu.memory_space<vmem_shared>>
      tpu.enqueue_indirect_dma source(%arg12 : memref<128x128xf32, #tpu.memory_space<vmem>>) target(%dma_start3A_169 : memref<10112x128xf32, #tpu.memory_space<vmem_shared>>) offsets(%dma_start3A_166 : memref<128xi32, #tpu.memory_space<vmem>>) semaphore(%arg14 : memref<!tpu.dma_semaphore, #tpu.memory_space<semaphore_mem>>) {add = true}
      %dma_start3A_170 = arith.constant 13 : i32
      %dma_start3A_171 = arith.constant 0 : i32
      %dma_start3A_172 = tpu.memref_slice %arg10[%dma_start3A_170, %dma_start3A_171] : memref<16x128xi32, #tpu.memory_space<vmem>> -> memref<1x128xi32, #tpu.memory_space<vmem>>
      %dma_start3A_173 = tpu.memref_squeeze %dma_start3A_172 : memref<1x128xi32, #tpu.memory_space<vmem>> -> memref<128xi32, #tpu.memory_space<vmem>>
      %dma_start3A_174 = arith.constant 0 : i32
      %dma_start3A_175 = arith.constant 0 : i32
      %dma_start3A_176 = tpu.memref_slice %arg13[%dma_start3A_174, %dma_start3A_175] : memref<10112x128xf32, #tpu.memory_space<vmem_shared>> -> memref<10112x128xf32, #tpu.memory_space<vmem_shared>>
      tpu.enqueue_indirect_dma source(%arg12 : memref<128x128xf32, #tpu.memory_space<vmem>>) target(%dma_start3A_176 : memref<10112x128xf32, #tpu.memory_space<vmem_shared>>) offsets(%dma_start3A_173 : memref<128xi32, #tpu.memory_space<vmem>>) semaphore(%arg14 : memref<!tpu.dma_semaphore, #tpu.memory_space<semaphore_mem>>) {add = true}
      %dma_start3A_177 = arith.constant 14 : i32
      %dma_start3A_178 = arith.constant 0 : i32
      %dma_start3A_179 = tpu.memref_slice %arg10[%dma_start3A_177, %dma_start3A_178] : memref<16x128xi32, #tpu.memory_space<vmem>> -> memref<1x128xi32, #tpu.memory_space<vmem>>
      %dma_start3A_180 = tpu.memref_squeeze %dma_start3A_179 : memref<1x128xi32, #tpu.memory_space<vmem>> -> memref<128xi32, #tpu.memory_space<vmem>>
      %dma_start3A_181 = arith.constant 0 : i32
      %dma_start3A_182 = arith.constant 0 : i32
      %dma_start3A_183 = tpu.memref_slice %arg13[%dma_start3A_181, %dma_start3A_182] : memref<10112x128xf32, #tpu.memory_space<vmem_shared>> -> memref<10112x128xf32, #tpu.memory_space<vmem_shared>>
      tpu.enqueue_indirect_dma source(%arg12 : memref<128x128xf32, #tpu.memory_space<vmem>>) target(%dma_start3A_183 : memref<10112x128xf32, #tpu.memory_space<vmem_shared>>) offsets(%dma_start3A_180 : memref<128xi32, #tpu.memory_space<vmem>>) semaphore(%arg14 : memref<!tpu.dma_semaphore, #tpu.memory_space<semaphore_mem>>) {add = true}
      %dma_start3A_184 = arith.constant 15 : i32
      %dma_start3A_185 = arith.constant 0 : i32
      %dma_start3A_186 = tpu.memref_slice %arg10[%dma_start3A_184, %dma_start3A_185] : memref<16x128xi32, #tpu.memory_space<vmem>> -> memref<1x128xi32, #tpu.memory_space<vmem>>
      %dma_start3A_187 = tpu.memref_squeeze %dma_start3A_186 : memref<1x128xi32, #tpu.memory_space<vmem>> -> memref<128xi32, #tpu.memory_space<vmem>>
      %dma_start3A_188 = arith.constant 0 : i32
      %dma_start3A_189 = arith.constant 0 : i32
      %dma_start3A_190 = tpu.memref_slice %arg13[%dma_start3A_188, %dma_start3A_189] : memref<10112x128xf32, #tpu.memory_space<vmem_shared>> -> memref<10112x128xf32, #tpu.memory_space<vmem_shared>>
      tpu.enqueue_indirect_dma source(%arg12 : memref<128x128xf32, #tpu.memory_space<vmem>>) target(%dma_start3A_190 : memref<10112x128xf32, #tpu.memory_space<vmem_shared>>) offsets(%dma_start3A_187 : memref<128xi32, #tpu.memory_space<vmem>>) semaphore(%arg14 : memref<!tpu.dma_semaphore, #tpu.memory_space<semaphore_mem>>) {add = true}
      %dma_wait3A = arith.constant 0 : i32
      %dma_wait3A_191 = arith.constant 0 : i32
      %dma_wait3A_192 = tpu.memref_slice %arg10[%dma_wait3A, %dma_wait3A_191] : memref<16x128xi32, #tpu.memory_space<vmem>> -> memref<1x128xi32, #tpu.memory_space<vmem>>
      %dma_wait3A_193 = tpu.memref_squeeze %dma_wait3A_192 : memref<1x128xi32, #tpu.memory_space<vmem>> -> memref<128xi32, #tpu.memory_space<vmem>>
      %dma_wait3A_194 = arith.constant 0 : i32
      %dma_wait3A_195 = arith.constant 0 : i32
      %dma_wait3A_196 = tpu.memref_slice %arg13[%dma_wait3A_194, %dma_wait3A_195] : memref<10112x128xf32, #tpu.memory_space<vmem_shared>> -> memref<10112x128xf32, #tpu.memory_space<vmem_shared>>
      tpu.wait_indirect_dma semaphore(%arg14 : memref<!tpu.dma_semaphore, #tpu.memory_space<semaphore_mem>>) src(%arg12 : memref<128x128xf32, #tpu.memory_space<vmem>>) dst(%dma_wait3A_196 : memref<10112x128xf32, #tpu.memory_space<vmem_shared>>)
      %dma_wait3A_197 = arith.constant 1 : i32
      %dma_wait3A_198 = arith.constant 0 : i32
      %dma_wait3A_199 = tpu.memref_slice %arg10[%dma_wait3A_197, %dma_wait3A_198] : memref<16x128xi32, #tpu.memory_space<vmem>> -> memref<1x128xi32, #tpu.memory_space<vmem>>
      %dma_wait3A_200 = tpu.memref_squeeze %dma_wait3A_199 : memref<1x128xi32, #tpu.memory_space<vmem>> -> memref<128xi32, #tpu.memory_space<vmem>>
      %dma_wait3A_201 = arith.constant 0 : i32
      %dma_wait3A_202 = arith.constant 0 : i32
      %dma_wait3A_203 = tpu.memref_slice %arg13[%dma_wait3A_201, %dma_wait3A_202] : memref<10112x128xf32, #tpu.memory_space<vmem_shared>> -> memref<10112x128xf32, #tpu.memory_space<vmem_shared>>
      tpu.wait_indirect_dma semaphore(%arg14 : memref<!tpu.dma_semaphore, #tpu.memory_space<semaphore_mem>>) src(%arg12 : memref<128x128xf32, #tpu.memory_space<vmem>>) dst(%dma_wait3A_203 : memref<10112x128xf32, #tpu.memory_space<vmem_shared>>)
      %dma_wait3A_204 = arith.constant 2 : i32
      %dma_wait3A_205 = arith.constant 0 : i32
      %dma_wait3A_206 = tpu.memref_slice %arg10[%dma_wait3A_204, %dma_wait3A_205] : memref<16x128xi32, #tpu.memory_space<vmem>> -> memref<1x128xi32, #tpu.memory_space<vmem>>
      %dma_wait3A_207 = tpu.memref_squeeze %dma_wait3A_206 : memref<1x128xi32, #tpu.memory_space<vmem>> -> memref<128xi32, #tpu.memory_space<vmem>>
      %dma_wait3A_208 = arith.constant 0 : i32
      %dma_wait3A_209 = arith.constant 0 : i32
      %dma_wait3A_210 = tpu.memref_slice %arg13[%dma_wait3A_208, %dma_wait3A_209] : memref<10112x128xf32, #tpu.memory_space<vmem_shared>> -> memref<10112x128xf32, #tpu.memory_space<vmem_shared>>
      tpu.wait_indirect_dma semaphore(%arg14 : memref<!tpu.dma_semaphore, #tpu.memory_space<semaphore_mem>>) src(%arg12 : memref<128x128xf32, #tpu.memory_space<vmem>>) dst(%dma_wait3A_210 : memref<10112x128xf32, #tpu.memory_space<vmem_shared>>)
      %dma_wait3A_211 = arith.constant 3 : i32
      %dma_wait3A_212 = arith.constant 0 : i32
      %dma_wait3A_213 = tpu.memref_slice %arg10[%dma_wait3A_211, %dma_wait3A_212] : memref<16x128xi32, #tpu.memory_space<vmem>> -> memref<1x128xi32, #tpu.memory_space<vmem>>
      %dma_wait3A_214 = tpu.memref_squeeze %dma_wait3A_213 : memref<1x128xi32, #tpu.memory_space<vmem>> -> memref<128xi32, #tpu.memory_space<vmem>>
      %dma_wait3A_215 = arith.constant 0 : i32
      %dma_wait3A_216 = arith.constant 0 : i32
      %dma_wait3A_217 = tpu.memref_slice %arg13[%dma_wait3A_215, %dma_wait3A_216] : memref<10112x128xf32, #tpu.memory_space<vmem_shared>> -> memref<10112x128xf32, #tpu.memory_space<vmem_shared>>
      tpu.wait_indirect_dma semaphore(%arg14 : memref<!tpu.dma_semaphore, #tpu.memory_space<semaphore_mem>>) src(%arg12 : memref<128x128xf32, #tpu.memory_space<vmem>>) dst(%dma_wait3A_217 : memref<10112x128xf32, #tpu.memory_space<vmem_shared>>)
      %dma_wait3A_218 = arith.constant 4 : i32
      %dma_wait3A_219 = arith.constant 0 : i32
      %dma_wait3A_220 = tpu.memref_slice %arg10[%dma_wait3A_218, %dma_wait3A_219] : memref<16x128xi32, #tpu.memory_space<vmem>> -> memref<1x128xi32, #tpu.memory_space<vmem>>
      %dma_wait3A_221 = tpu.memref_squeeze %dma_wait3A_220 : memref<1x128xi32, #tpu.memory_space<vmem>> -> memref<128xi32, #tpu.memory_space<vmem>>
      %dma_wait3A_222 = arith.constant 0 : i32
      %dma_wait3A_223 = arith.constant 0 : i32
      %dma_wait3A_224 = tpu.memref_slice %arg13[%dma_wait3A_222, %dma_wait3A_223] : memref<10112x128xf32, #tpu.memory_space<vmem_shared>> -> memref<10112x128xf32, #tpu.memory_space<vmem_shared>>
      tpu.wait_indirect_dma semaphore(%arg14 : memref<!tpu.dma_semaphore, #tpu.memory_space<semaphore_mem>>) src(%arg12 : memref<128x128xf32, #tpu.memory_space<vmem>>) dst(%dma_wait3A_224 : memref<10112x128xf32, #tpu.memory_space<vmem_shared>>)
      %dma_wait3A_225 = arith.constant 5 : i32
      %dma_wait3A_226 = arith.constant 0 : i32
      %dma_wait3A_227 = tpu.memref_slice %arg10[%dma_wait3A_225, %dma_wait3A_226] : memref<16x128xi32, #tpu.memory_space<vmem>> -> memref<1x128xi32, #tpu.memory_space<vmem>>
      %dma_wait3A_228 = tpu.memref_squeeze %dma_wait3A_227 : memref<1x128xi32, #tpu.memory_space<vmem>> -> memref<128xi32, #tpu.memory_space<vmem>>
      %dma_wait3A_229 = arith.constant 0 : i32
      %dma_wait3A_230 = arith.constant 0 : i32
      %dma_wait3A_231 = tpu.memref_slice %arg13[%dma_wait3A_229, %dma_wait3A_230] : memref<10112x128xf32, #tpu.memory_space<vmem_shared>> -> memref<10112x128xf32, #tpu.memory_space<vmem_shared>>
      tpu.wait_indirect_dma semaphore(%arg14 : memref<!tpu.dma_semaphore, #tpu.memory_space<semaphore_mem>>) src(%arg12 : memref<128x128xf32, #tpu.memory_space<vmem>>) dst(%dma_wait3A_231 : memref<10112x128xf32, #tpu.memory_space<vmem_shared>>)
      %dma_wait3A_232 = arith.constant 6 : i32
      %dma_wait3A_233 = arith.constant 0 : i32
      %dma_wait3A_234 = tpu.memref_slice %arg10[%dma_wait3A_232, %dma_wait3A_233] : memref<16x128xi32, #tpu.memory_space<vmem>> -> memref<1x128xi32, #tpu.memory_space<vmem>>
      %dma_wait3A_235 = tpu.memref_squeeze %dma_wait3A_234 : memref<1x128xi32, #tpu.memory_space<vmem>> -> memref<128xi32, #tpu.memory_space<vmem>>
      %dma_wait3A_236 = arith.constant 0 : i32
      %dma_wait3A_237 = arith.constant 0 : i32
      %dma_wait3A_238 = tpu.memref_slice %arg13[%dma_wait3A_236, %dma_wait3A_237] : memref<10112x128xf32, #tpu.memory_space<vmem_shared>> -> memref<10112x128xf32, #tpu.memory_space<vmem_shared>>
      tpu.wait_indirect_dma semaphore(%arg14 : memref<!tpu.dma_semaphore, #tpu.memory_space<semaphore_mem>>) src(%arg12 : memref<128x128xf32, #tpu.memory_space<vmem>>) dst(%dma_wait3A_238 : memref<10112x128xf32, #tpu.memory_space<vmem_shared>>)
      %dma_wait3A_239 = arith.constant 7 : i32
      %dma_wait3A_240 = arith.constant 0 : i32
      %dma_wait3A_241 = tpu.memref_slice %arg10[%dma_wait3A_239, %dma_wait3A_240] : memref<16x128xi32, #tpu.memory_space<vmem>> -> memref<1x128xi32, #tpu.memory_space<vmem>>
      %dma_wait3A_242 = tpu.memref_squeeze %dma_wait3A_241 : memref<1x128xi32, #tpu.memory_space<vmem>> -> memref<128xi32, #tpu.memory_space<vmem>>
      %dma_wait3A_243 = arith.constant 0 : i32
      %dma_wait3A_244 = arith.constant 0 : i32
      %dma_wait3A_245 = tpu.memref_slice %arg13[%dma_wait3A_243, %dma_wait3A_244] : memref<10112x128xf32, #tpu.memory_space<vmem_shared>> -> memref<10112x128xf32, #tpu.memory_space<vmem_shared>>
      tpu.wait_indirect_dma semaphore(%arg14 : memref<!tpu.dma_semaphore, #tpu.memory_space<semaphore_mem>>) src(%arg12 : memref<128x128xf32, #tpu.memory_space<vmem>>) dst(%dma_wait3A_245 : memref<10112x128xf32, #tpu.memory_space<vmem_shared>>)
      %dma_wait3A_246 = arith.constant 8 : i32
      %dma_wait3A_247 = arith.constant 0 : i32
      %dma_wait3A_248 = tpu.memref_slice %arg10[%dma_wait3A_246, %dma_wait3A_247] : memref<16x128xi32, #tpu.memory_space<vmem>> -> memref<1x128xi32, #tpu.memory_space<vmem>>
      %dma_wait3A_249 = tpu.memref_squeeze %dma_wait3A_248 : memref<1x128xi32, #tpu.memory_space<vmem>> -> memref<128xi32, #tpu.memory_space<vmem>>
      %dma_wait3A_250 = arith.constant 0 : i32
      %dma_wait3A_251 = arith.constant 0 : i32
      %dma_wait3A_252 = tpu.memref_slice %arg13[%dma_wait3A_250, %dma_wait3A_251] : memref<10112x128xf32, #tpu.memory_space<vmem_shared>> -> memref<10112x128xf32, #tpu.memory_space<vmem_shared>>
      tpu.wait_indirect_dma semaphore(%arg14 : memref<!tpu.dma_semaphore, #tpu.memory_space<semaphore_mem>>) src(%arg12 : memref<128x128xf32, #tpu.memory_space<vmem>>) dst(%dma_wait3A_252 : memref<10112x128xf32, #tpu.memory_space<vmem_shared>>)
      %dma_wait3A_253 = arith.constant 9 : i32
      %dma_wait3A_254 = arith.constant 0 : i32
      %dma_wait3A_255 = tpu.memref_slice %arg10[%dma_wait3A_253, %dma_wait3A_254] : memref<16x128xi32, #tpu.memory_space<vmem>> -> memref<1x128xi32, #tpu.memory_space<vmem>>
      %dma_wait3A_256 = tpu.memref_squeeze %dma_wait3A_255 : memref<1x128xi32, #tpu.memory_space<vmem>> -> memref<128xi32, #tpu.memory_space<vmem>>
      %dma_wait3A_257 = arith.constant 0 : i32
      %dma_wait3A_258 = arith.constant 0 : i32
      %dma_wait3A_259 = tpu.memref_slice %arg13[%dma_wait3A_257, %dma_wait3A_258] : memref<10112x128xf32, #tpu.memory_space<vmem_shared>> -> memref<10112x128xf32, #tpu.memory_space<vmem_shared>>
      tpu.wait_indirect_dma semaphore(%arg14 : memref<!tpu.dma_semaphore, #tpu.memory_space<semaphore_mem>>) src(%arg12 : memref<128x128xf32, #tpu.memory_space<vmem>>) dst(%dma_wait3A_259 : memref<10112x128xf32, #tpu.memory_space<vmem_shared>>)
      %dma_wait3A_260 = arith.constant 10 : i32
      %dma_wait3A_261 = arith.constant 0 : i32
      %dma_wait3A_262 = tpu.memref_slice %arg10[%dma_wait3A_260, %dma_wait3A_261] : memref<16x128xi32, #tpu.memory_space<vmem>> -> memref<1x128xi32, #tpu.memory_space<vmem>>
      %dma_wait3A_263 = tpu.memref_squeeze %dma_wait3A_262 : memref<1x128xi32, #tpu.memory_space<vmem>> -> memref<128xi32, #tpu.memory_space<vmem>>
      %dma_wait3A_264 = arith.constant 0 : i32
      %dma_wait3A_265 = arith.constant 0 : i32
      %dma_wait3A_266 = tpu.memref_slice %arg13[%dma_wait3A_264, %dma_wait3A_265] : memref<10112x128xf32, #tpu.memory_space<vmem_shared>> -> memref<10112x128xf32, #tpu.memory_space<vmem_shared>>
      tpu.wait_indirect_dma semaphore(%arg14 : memref<!tpu.dma_semaphore, #tpu.memory_space<semaphore_mem>>) src(%arg12 : memref<128x128xf32, #tpu.memory_space<vmem>>) dst(%dma_wait3A_266 : memref<10112x128xf32, #tpu.memory_space<vmem_shared>>)
      %dma_wait3A_267 = arith.constant 11 : i32
      %dma_wait3A_268 = arith.constant 0 : i32
      %dma_wait3A_269 = tpu.memref_slice %arg10[%dma_wait3A_267, %dma_wait3A_268] : memref<16x128xi32, #tpu.memory_space<vmem>> -> memref<1x128xi32, #tpu.memory_space<vmem>>
      %dma_wait3A_270 = tpu.memref_squeeze %dma_wait3A_269 : memref<1x128xi32, #tpu.memory_space<vmem>> -> memref<128xi32, #tpu.memory_space<vmem>>
      %dma_wait3A_271 = arith.constant 0 : i32
      %dma_wait3A_272 = arith.constant 0 : i32
      %dma_wait3A_273 = tpu.memref_slice %arg13[%dma_wait3A_271, %dma_wait3A_272] : memref<10112x128xf32, #tpu.memory_space<vmem_shared>> -> memref<10112x128xf32, #tpu.memory_space<vmem_shared>>
      tpu.wait_indirect_dma semaphore(%arg14 : memref<!tpu.dma_semaphore, #tpu.memory_space<semaphore_mem>>) src(%arg12 : memref<128x128xf32, #tpu.memory_space<vmem>>) dst(%dma_wait3A_273 : memref<10112x128xf32, #tpu.memory_space<vmem_shared>>)
      %dma_wait3A_274 = arith.constant 12 : i32
      %dma_wait3A_275 = arith.constant 0 : i32
      %dma_wait3A_276 = tpu.memref_slice %arg10[%dma_wait3A_274, %dma_wait3A_275] : memref<16x128xi32, #tpu.memory_space<vmem>> -> memref<1x128xi32, #tpu.memory_space<vmem>>
      %dma_wait3A_277 = tpu.memref_squeeze %dma_wait3A_276 : memref<1x128xi32, #tpu.memory_space<vmem>> -> memref<128xi32, #tpu.memory_space<vmem>>
      %dma_wait3A_278 = arith.constant 0 : i32
      %dma_wait3A_279 = arith.constant 0 : i32
      %dma_wait3A_280 = tpu.memref_slice %arg13[%dma_wait3A_278, %dma_wait3A_279] : memref<10112x128xf32, #tpu.memory_space<vmem_shared>> -> memref<10112x128xf32, #tpu.memory_space<vmem_shared>>
      tpu.wait_indirect_dma semaphore(%arg14 : memref<!tpu.dma_semaphore, #tpu.memory_space<semaphore_mem>>) src(%arg12 : memref<128x128xf32, #tpu.memory_space<vmem>>) dst(%dma_wait3A_280 : memref<10112x128xf32, #tpu.memory_space<vmem_shared>>)
      %dma_wait3A_281 = arith.constant 13 : i32
      %dma_wait3A_282 = arith.constant 0 : i32
      %dma_wait3A_283 = tpu.memref_slice %arg10[%dma_wait3A_281, %dma_wait3A_282] : memref<16x128xi32, #tpu.memory_space<vmem>> -> memref<1x128xi32, #tpu.memory_space<vmem>>
      %dma_wait3A_284 = tpu.memref_squeeze %dma_wait3A_283 : memref<1x128xi32, #tpu.memory_space<vmem>> -> memref<128xi32, #tpu.memory_space<vmem>>
      %dma_wait3A_285 = arith.constant 0 : i32
      %dma_wait3A_286 = arith.constant 0 : i32
      %dma_wait3A_287 = tpu.memref_slice %arg13[%dma_wait3A_285, %dma_wait3A_286] : memref<10112x128xf32, #tpu.memory_space<vmem_shared>> -> memref<10112x128xf32, #tpu.memory_space<vmem_shared>>
      tpu.wait_indirect_dma semaphore(%arg14 : memref<!tpu.dma_semaphore, #tpu.memory_space<semaphore_mem>>) src(%arg12 : memref<128x128xf32, #tpu.memory_space<vmem>>) dst(%dma_wait3A_287 : memref<10112x128xf32, #tpu.memory_space<vmem_shared>>)
      %dma_wait3A_288 = arith.constant 14 : i32
      %dma_wait3A_289 = arith.constant 0 : i32
      %dma_wait3A_290 = tpu.memref_slice %arg10[%dma_wait3A_288, %dma_wait3A_289] : memref<16x128xi32, #tpu.memory_space<vmem>> -> memref<1x128xi32, #tpu.memory_space<vmem>>
      %dma_wait3A_291 = tpu.memref_squeeze %dma_wait3A_290 : memref<1x128xi32, #tpu.memory_space<vmem>> -> memref<128xi32, #tpu.memory_space<vmem>>
      %dma_wait3A_292 = arith.constant 0 : i32
      %dma_wait3A_293 = arith.constant 0 : i32
      %dma_wait3A_294 = tpu.memref_slice %arg13[%dma_wait3A_292, %dma_wait3A_293] : memref<10112x128xf32, #tpu.memory_space<vmem_shared>> -> memref<10112x128xf32, #tpu.memory_space<vmem_shared>>
      tpu.wait_indirect_dma semaphore(%arg14 : memref<!tpu.dma_semaphore, #tpu.memory_space<semaphore_mem>>) src(%arg12 : memref<128x128xf32, #tpu.memory_space<vmem>>) dst(%dma_wait3A_294 : memref<10112x128xf32, #tpu.memory_space<vmem_shared>>)
      %dma_wait3A_295 = arith.constant 15 : i32
      %dma_wait3A_296 = arith.constant 0 : i32
      %dma_wait3A_297 = tpu.memref_slice %arg10[%dma_wait3A_295, %dma_wait3A_296] : memref<16x128xi32, #tpu.memory_space<vmem>> -> memref<1x128xi32, #tpu.memory_space<vmem>>
      %dma_wait3A_298 = tpu.memref_squeeze %dma_wait3A_297 : memref<1x128xi32, #tpu.memory_space<vmem>> -> memref<128xi32, #tpu.memory_space<vmem>>
      %dma_wait3A_299 = arith.constant 0 : i32
      %dma_wait3A_300 = arith.constant 0 : i32
      %dma_wait3A_301 = tpu.memref_slice %arg13[%dma_wait3A_299, %dma_wait3A_300] : memref<10112x128xf32, #tpu.memory_space<vmem_shared>> -> memref<10112x128xf32, #tpu.memory_space<vmem_shared>>
      tpu.wait_indirect_dma semaphore(%arg14 : memref<!tpu.dma_semaphore, #tpu.memory_space<semaphore_mem>>) src(%arg12 : memref<128x128xf32, #tpu.memory_space<vmem>>) dst(%dma_wait3A_301 : memref<10112x128xf32, #tpu.memory_space<vmem_shared>>)
    }
    %scan3A_53 = arith.constant 5 : i32
    %barrier3A_54 = arith.constant 0 : index
    tpu.barrier barrier_id(%barrier3A_54)
    %add3A_55 = arith.constant 0 : i32
    %add3A_56 = arith.addi %mul3A_2, %add3A_55 : i32
    "tpu.region"() ({
      %run_scoped3A = tpu.sem_alloc : memref<!tpu.dma_semaphore, #tpu.memory_space<semaphore_mem>>
      %dma_start3A = arith.constant 0 : i32
      %dma_start3A_75 = arith.constant 0 : i32
      %dma_start3A_76 = tpu.memref_slice %arg11[%dma_start3A, %dma_start3A_75] : memref<128x128xf32, #tpu.memory_space<vmem>> -> memref<128x128xf32, #tpu.memory_space<vmem>>
      %dma_start3A_77 = arith.constant 0 : i32
      %dma_start3A_78 = tpu.memref_slice %arg13[%add3A_56, %dma_start3A_77] : memref<10112x128xf32, #tpu.memory_space<vmem_shared>> -> memref<128x128xf32, #tpu.memory_space<vmem_shared>>
      %dma_start3A_79 = arith.constant 0 : i32
      %dma_start3A_80 = arith.constant 0 : i32
      %dma_start3A_81 = tpu.memref_slice %arg11[%dma_start3A_79, %dma_start3A_80] : memref<128x128xf32, #tpu.memory_space<vmem>> -> memref<128x128xf32, #tpu.memory_space<vmem>>
      %dma_start3A_82 = arith.constant 0 : i32
      %dma_start3A_83 = tpu.memref_slice %arg13[%add3A_56, %dma_start3A_82] : memref<10112x128xf32, #tpu.memory_space<vmem_shared>> -> memref<128x128xf32, #tpu.memory_space<vmem_shared>>
      tpu.enqueue_dma source(%dma_start3A_83 : memref<128x128xf32, #tpu.memory_space<vmem_shared>>) target(%dma_start3A_81 : memref<128x128xf32, #tpu.memory_space<vmem>>) target_semaphore(%run_scoped3A : memref<!tpu.dma_semaphore, #tpu.memory_space<semaphore_mem>>)
      %dma_wait3A = arith.constant 0 : i32
      %dma_wait3A_84 = arith.constant 0 : i32
      %dma_wait3A_85 = tpu.memref_slice %arg11[%dma_wait3A, %dma_wait3A_84] : memref<128x128xf32, #tpu.memory_space<vmem>> -> memref<128x128xf32, #tpu.memory_space<vmem>>
      %dma_wait3A_86 = arith.constant 0 : i32
      %dma_wait3A_87 = tpu.memref_slice %arg13[%add3A_56, %dma_wait3A_86] : memref<10112x128xf32, #tpu.memory_space<vmem_shared>> -> memref<128x128xf32, #tpu.memory_space<vmem_shared>>
      %dma_wait3A_88 = arith.constant 0 : i32
      %dma_wait3A_89 = arith.constant 0 : i32
      %dma_wait3A_90 = tpu.memref_slice %arg11[%dma_wait3A_88, %dma_wait3A_89] : memref<128x128xf32, #tpu.memory_space<vmem>> -> memref<128x128xf32, #tpu.memory_space<vmem>>
      %dma_wait3A_91 = arith.constant 0 : i32
      %dma_wait3A_92 = tpu.memref_slice %arg13[%add3A_56, %dma_wait3A_91] : memref<10112x128xf32, #tpu.memory_space<vmem_shared>> -> memref<128x128xf32, #tpu.memory_space<vmem_shared>>
      tpu.wait_dma2 semaphore(%run_scoped3A : memref<!tpu.dma_semaphore, #tpu.memory_space<semaphore_mem>>) src(%dma_wait3A_92 : memref<128x128xf32, #tpu.memory_space<vmem_shared>>) dst(%dma_wait3A_90 : memref<128x128xf32, #tpu.memory_space<vmem>>)
      tpu.yield
    }) : () -> ()
    %add3A_57 = arith.constant 0 : i32
    %add3A_58 = arith.addi %mul3A_2, %add3A_57 : i32
    "tpu.region"() ({
      %run_scoped3A = tpu.sem_alloc : memref<!tpu.dma_semaphore, #tpu.memory_space<semaphore_mem>>
      %dma_start3A = arith.constant 0 : i32
      %dma_start3A_75 = arith.constant 0 : i32
      %dma_start3A_76 = tpu.memref_slice %arg11[%dma_start3A, %dma_start3A_75] : memref<128x128xf32, #tpu.memory_space<vmem>> -> memref<128x128xf32, #tpu.memory_space<vmem>>
      %dma_start3A_77 = arith.constant 0 : i32
      %dma_start3A_78 = tpu.memref_slice %arg8[%arg0, %add3A_58, %dma_start3A_77] : memref<2x10112x128xf32, #tpu.memory_space<hbm>> -> memref<1x128x128xf32, #tpu.memory_space<hbm>>
      %dma_start3A_79 = tpu.memref_squeeze %dma_start3A_78 : memref<1x128x128xf32, #tpu.memory_space<hbm>> -> memref<128x128xf32, #tpu.memory_space<hbm>>
      %dma_start3A_80 = arith.constant 0 : i32
      %dma_start3A_81 = tpu.memref_slice %arg8[%arg0, %add3A_58, %dma_start3A_80] : memref<2x10112x128xf32, #tpu.memory_space<hbm>> -> memref<1x128x128xf32, #tpu.memory_space<hbm>>
      %dma_start3A_82 = tpu.memref_squeeze %dma_start3A_81 : memref<1x128x128xf32, #tpu.memory_space<hbm>> -> memref<128x128xf32, #tpu.memory_space<hbm>>
      %dma_start3A_83 = arith.constant 0 : i32
      %dma_start3A_84 = arith.constant 0 : i32
      %dma_start3A_85 = tpu.memref_slice %arg11[%dma_start3A_83, %dma_start3A_84] : memref<128x128xf32, #tpu.memory_space<vmem>> -> memref<128x128xf32, #tpu.memory_space<vmem>>
      tpu.enqueue_dma source(%dma_start3A_85 : memref<128x128xf32, #tpu.memory_space<vmem>>) target(%dma_start3A_82 : memref<128x128xf32, #tpu.memory_space<hbm>>) target_semaphore(%run_scoped3A : memref<!tpu.dma_semaphore, #tpu.memory_space<semaphore_mem>>)
      %dma_wait3A = arith.constant 0 : i32
      %dma_wait3A_86 = arith.constant 0 : i32
      %dma_wait3A_87 = tpu.memref_slice %arg11[%dma_wait3A, %dma_wait3A_86] : memref<128x128xf32, #tpu.memory_space<vmem>> -> memref<128x128xf32, #tpu.memory_space<vmem>>
      %dma_wait3A_88 = arith.constant 0 : i32
      %dma_wait3A_89 = tpu.memref_slice %arg8[%arg0, %add3A_58, %dma_wait3A_88] : memref<2x10112x128xf32, #tpu.memory_space<hbm>> -> memref<1x128x128xf32, #tpu.memory_space<hbm>>
      %dma_wait3A_90 = tpu.memref_squeeze %dma_wait3A_89 : memref<1x128x128xf32, #tpu.memory_space<hbm>> -> memref<128x128xf32, #tpu.memory_space<hbm>>
      %dma_wait3A_91 = arith.constant 0 : i32
      %dma_wait3A_92 = tpu.memref_slice %arg8[%arg0, %add3A_58, %dma_wait3A_91] : memref<2x10112x128xf32, #tpu.memory_space<hbm>> -> memref<1x128x128xf32, #tpu.memory_space<hbm>>
      %dma_wait3A_93 = tpu.memref_squeeze %dma_wait3A_92 : memref<1x128x128xf32, #tpu.memory_space<hbm>> -> memref<128x128xf32, #tpu.memory_space<hbm>>
      %dma_wait3A_94 = arith.constant 0 : i32
      %dma_wait3A_95 = arith.constant 0 : i32
      %dma_wait3A_96 = tpu.memref_slice %arg11[%dma_wait3A_94, %dma_wait3A_95] : memref<128x128xf32, #tpu.memory_space<vmem>> -> memref<128x128xf32, #tpu.memory_space<vmem>>
      tpu.wait_dma2 semaphore(%run_scoped3A : memref<!tpu.dma_semaphore, #tpu.memory_space<semaphore_mem>>) src(%dma_wait3A_96 : memref<128x128xf32, #tpu.memory_space<vmem>>) dst(%dma_wait3A_93 : memref<128x128xf32, #tpu.memory_space<hbm>>)
      tpu.yield
    }) : () -> ()
    %add3A_59 = arith.constant 128 : i32
    %add3A_60 = arith.addi %mul3A_2, %add3A_59 : i32
    "tpu.region"() ({
      %run_scoped3A = tpu.sem_alloc : memref<!tpu.dma_semaphore, #tpu.memory_space<semaphore_mem>>
      %dma_start3A = arith.constant 0 : i32
      %dma_start3A_75 = arith.constant 0 : i32
      %dma_start3A_76 = tpu.memref_slice %arg11[%dma_start3A, %dma_start3A_75] : memref<128x128xf32, #tpu.memory_space<vmem>> -> memref<128x128xf32, #tpu.memory_space<vmem>>
      %dma_start3A_77 = arith.constant 0 : i32
      %dma_start3A_78 = tpu.memref_slice %arg13[%add3A_60, %dma_start3A_77] : memref<10112x128xf32, #tpu.memory_space<vmem_shared>> -> memref<128x128xf32, #tpu.memory_space<vmem_shared>>
      %dma_start3A_79 = arith.constant 0 : i32
      %dma_start3A_80 = arith.constant 0 : i32
      %dma_start3A_81 = tpu.memref_slice %arg11[%dma_start3A_79, %dma_start3A_80] : memref<128x128xf32, #tpu.memory_space<vmem>> -> memref<128x128xf32, #tpu.memory_space<vmem>>
      %dma_start3A_82 = arith.constant 0 : i32
      %dma_start3A_83 = tpu.memref_slice %arg13[%add3A_60, %dma_start3A_82] : memref<10112x128xf32, #tpu.memory_space<vmem_shared>> -> memref<128x128xf32, #tpu.memory_space<vmem_shared>>
      tpu.enqueue_dma source(%dma_start3A_83 : memref<128x128xf32, #tpu.memory_space<vmem_shared>>) target(%dma_start3A_81 : memref<128x128xf32, #tpu.memory_space<vmem>>) target_semaphore(%run_scoped3A : memref<!tpu.dma_semaphore, #tpu.memory_space<semaphore_mem>>)
      %dma_wait3A = arith.constant 0 : i32
      %dma_wait3A_84 = arith.constant 0 : i32
      %dma_wait3A_85 = tpu.memref_slice %arg11[%dma_wait3A, %dma_wait3A_84] : memref<128x128xf32, #tpu.memory_space<vmem>> -> memref<128x128xf32, #tpu.memory_space<vmem>>
      %dma_wait3A_86 = arith.constant 0 : i32
      %dma_wait3A_87 = tpu.memref_slice %arg13[%add3A_60, %dma_wait3A_86] : memref<10112x128xf32, #tpu.memory_space<vmem_shared>> -> memref<128x128xf32, #tpu.memory_space<vmem_shared>>
      %dma_wait3A_88 = arith.constant 0 : i32
      %dma_wait3A_89 = arith.constant 0 : i32
      %dma_wait3A_90 = tpu.memref_slice %arg11[%dma_wait3A_88, %dma_wait3A_89] : memref<128x128xf32, #tpu.memory_space<vmem>> -> memref<128x128xf32, #tpu.memory_space<vmem>>
      %dma_wait3A_91 = arith.constant 0 : i32
      %dma_wait3A_92 = tpu.memref_slice %arg13[%add3A_60, %dma_wait3A_91] : memref<10112x128xf32, #tpu.memory_space<vmem_shared>> -> memref<128x128xf32, #tpu.memory_space<vmem_shared>>
      tpu.wait_dma2 semaphore(%run_scoped3A : memref<!tpu.dma_semaphore, #tpu.memory_space<semaphore_mem>>) src(%dma_wait3A_92 : memref<128x128xf32, #tpu.memory_space<vmem_shared>>) dst(%dma_wait3A_90 : memref<128x128xf32, #tpu.memory_space<vmem>>)
      tpu.yield
    }) : () -> ()
    %add3A_61 = arith.constant 128 : i32
    %add3A_62 = arith.addi %mul3A_2, %add3A_61 : i32
    "tpu.region"() ({
      %run_scoped3A = tpu.sem_alloc : memref<!tpu.dma_semaphore, #tpu.memory_space<semaphore_mem>>
      %dma_start3A = arith.constant 0 : i32
      %dma_start3A_75 = arith.constant 0 : i32
      %dma_start3A_76 = tpu.memref_slice %arg11[%dma_start3A, %dma_start3A_75] : memref<128x128xf32, #tpu.memory_space<vmem>> -> memref<128x128xf32, #tpu.memory_space<vmem>>
      %dma_start3A_77 = arith.constant 0 : i32
      %dma_start3A_78 = tpu.memref_slice %arg8[%arg0, %add3A_62, %dma_start3A_77] : memref<2x10112x128xf32, #tpu.memory_space<hbm>> -> memref<1x128x128xf32, #tpu.memory_space<hbm>>
      %dma_start3A_79 = tpu.memref_squeeze %dma_start3A_78 : memref<1x128x128xf32, #tpu.memory_space<hbm>> -> memref<128x128xf32, #tpu.memory_space<hbm>>
      %dma_start3A_80 = arith.constant 0 : i32
      %dma_start3A_81 = tpu.memref_slice %arg8[%arg0, %add3A_62, %dma_start3A_80] : memref<2x10112x128xf32, #tpu.memory_space<hbm>> -> memref<1x128x128xf32, #tpu.memory_space<hbm>>
      %dma_start3A_82 = tpu.memref_squeeze %dma_start3A_81 : memref<1x128x128xf32, #tpu.memory_space<hbm>> -> memref<128x128xf32, #tpu.memory_space<hbm>>
      %dma_start3A_83 = arith.constant 0 : i32
      %dma_start3A_84 = arith.constant 0 : i32
      %dma_start3A_85 = tpu.memref_slice %arg11[%dma_start3A_83, %dma_start3A_84] : memref<128x128xf32, #tpu.memory_space<vmem>> -> memref<128x128xf32, #tpu.memory_space<vmem>>
      tpu.enqueue_dma source(%dma_start3A_85 : memref<128x128xf32, #tpu.memory_space<vmem>>) target(%dma_start3A_82 : memref<128x128xf32, #tpu.memory_space<hbm>>) target_semaphore(%run_scoped3A : memref<!tpu.dma_semaphore, #tpu.memory_space<semaphore_mem>>)
      %dma_wait3A = arith.constant 0 : i32
      %dma_wait3A_86 = arith.constant 0 : i32
      %dma_wait3A_87 = tpu.memref_slice %arg11[%dma_wait3A, %dma_wait3A_86] : memref<128x128xf32, #tpu.memory_space<vmem>> -> memref<128x128xf32, #tpu.memory_space<vmem>>
      %dma_wait3A_88 = arith.constant 0 : i32
      %dma_wait3A_89 = tpu.memref_slice %arg8[%arg0, %add3A_62, %dma_wait3A_88] : memref<2x10112x128xf32, #tpu.memory_space<hbm>> -> memref<1x128x128xf32, #tpu.memory_space<hbm>>
      %dma_wait3A_90 = tpu.memref_squeeze %dma_wait3A_89 : memref<1x128x128xf32, #tpu.memory_space<hbm>> -> memref<128x128xf32, #tpu.memory_space<hbm>>
      %dma_wait3A_91 = arith.constant 0 : i32
      %dma_wait3A_92 = tpu.memref_slice %arg8[%arg0, %add3A_62, %dma_wait3A_91] : memref<2x10112x128xf32, #tpu.memory_space<hbm>> -> memref<1x128x128xf32, #tpu.memory_space<hbm>>
      %dma_wait3A_93 = tpu.memref_squeeze %dma_wait3A_92 : memref<1x128x128xf32, #tpu.memory_space<hbm>> -> memref<128x128xf32, #tpu.memory_space<hbm>>
      %dma_wait3A_94 = arith.constant 0 : i32
      %dma_wait3A_95 = arith.constant 0 : i32
      %dma_wait3A_96 = tpu.memref_slice %arg11[%dma_wait3A_94, %dma_wait3A_95] : memref<128x128xf32, #tpu.memory_space<vmem>> -> memref<128x128xf32, #tpu.memory_space<vmem>>
      tpu.wait_dma2 semaphore(%run_scoped3A : memref<!tpu.dma_semaphore, #tpu.memory_space<semaphore_mem>>) src(%dma_wait3A_96 : memref<128x128xf32, #tpu.memory_space<vmem>>) dst(%dma_wait3A_93 : memref<128x128xf32, #tpu.memory_space<hbm>>)
      tpu.yield
    }) : () -> ()
    %add3A_63 = arith.constant 256 : i32
    %add3A_64 = arith.addi %mul3A_2, %add3A_63 : i32
    "tpu.region"() ({
      %run_scoped3A = tpu.sem_alloc : memref<!tpu.dma_semaphore, #tpu.memory_space<semaphore_mem>>
      %dma_start3A = arith.constant 0 : i32
      %dma_start3A_75 = arith.constant 0 : i32
      %dma_start3A_76 = tpu.memref_slice %arg11[%dma_start3A, %dma_start3A_75] : memref<128x128xf32, #tpu.memory_space<vmem>> -> memref<128x128xf32, #tpu.memory_space<vmem>>
      %dma_start3A_77 = arith.constant 0 : i32
      %dma_start3A_78 = tpu.memref_slice %arg13[%add3A_64, %dma_start3A_77] : memref<10112x128xf32, #tpu.memory_space<vmem_shared>> -> memref<128x128xf32, #tpu.memory_space<vmem_shared>>
      %dma_start3A_79 = arith.constant 0 : i32
      %dma_start3A_80 = arith.constant 0 : i32
      %dma_start3A_81 = tpu.memref_slice %arg11[%dma_start3A_79, %dma_start3A_80] : memref<128x128xf32, #tpu.memory_space<vmem>> -> memref<128x128xf32, #tpu.memory_space<vmem>>
      %dma_start3A_82 = arith.constant 0 : i32
      %dma_start3A_83 = tpu.memref_slice %arg13[%add3A_64, %dma_start3A_82] : memref<10112x128xf32, #tpu.memory_space<vmem_shared>> -> memref<128x128xf32, #tpu.memory_space<vmem_shared>>
      tpu.enqueue_dma source(%dma_start3A_83 : memref<128x128xf32, #tpu.memory_space<vmem_shared>>) target(%dma_start3A_81 : memref<128x128xf32, #tpu.memory_space<vmem>>) target_semaphore(%run_scoped3A : memref<!tpu.dma_semaphore, #tpu.memory_space<semaphore_mem>>)
      %dma_wait3A = arith.constant 0 : i32
      %dma_wait3A_84 = arith.constant 0 : i32
      %dma_wait3A_85 = tpu.memref_slice %arg11[%dma_wait3A, %dma_wait3A_84] : memref<128x128xf32, #tpu.memory_space<vmem>> -> memref<128x128xf32, #tpu.memory_space<vmem>>
      %dma_wait3A_86 = arith.constant 0 : i32
      %dma_wait3A_87 = tpu.memref_slice %arg13[%add3A_64, %dma_wait3A_86] : memref<10112x128xf32, #tpu.memory_space<vmem_shared>> -> memref<128x128xf32, #tpu.memory_space<vmem_shared>>
      %dma_wait3A_88 = arith.constant 0 : i32
      %dma_wait3A_89 = arith.constant 0 : i32
      %dma_wait3A_90 = tpu.memref_slice %arg11[%dma_wait3A_88, %dma_wait3A_89] : memref<128x128xf32, #tpu.memory_space<vmem>> -> memref<128x128xf32, #tpu.memory_space<vmem>>
      %dma_wait3A_91 = arith.constant 0 : i32
      %dma_wait3A_92 = tpu.memref_slice %arg13[%add3A_64, %dma_wait3A_91] : memref<10112x128xf32, #tpu.memory_space<vmem_shared>> -> memref<128x128xf32, #tpu.memory_space<vmem_shared>>
      tpu.wait_dma2 semaphore(%run_scoped3A : memref<!tpu.dma_semaphore, #tpu.memory_space<semaphore_mem>>) src(%dma_wait3A_92 : memref<128x128xf32, #tpu.memory_space<vmem_shared>>) dst(%dma_wait3A_90 : memref<128x128xf32, #tpu.memory_space<vmem>>)
      tpu.yield
    }) : () -> ()
    %add3A_65 = arith.constant 256 : i32
    %add3A_66 = arith.addi %mul3A_2, %add3A_65 : i32
    "tpu.region"() ({
      %run_scoped3A = tpu.sem_alloc : memref<!tpu.dma_semaphore, #tpu.memory_space<semaphore_mem>>
      %dma_start3A = arith.constant 0 : i32
      %dma_start3A_75 = arith.constant 0 : i32
      %dma_start3A_76 = tpu.memref_slice %arg11[%dma_start3A, %dma_start3A_75] : memref<128x128xf32, #tpu.memory_space<vmem>> -> memref<128x128xf32, #tpu.memory_space<vmem>>
      %dma_start3A_77 = arith.constant 0 : i32
      %dma_start3A_78 = tpu.memref_slice %arg8[%arg0, %add3A_66, %dma_start3A_77] : memref<2x10112x128xf32, #tpu.memory_space<hbm>> -> memref<1x128x128xf32, #tpu.memory_space<hbm>>
      %dma_start3A_79 = tpu.memref_squeeze %dma_start3A_78 : memref<1x128x128xf32, #tpu.memory_space<hbm>> -> memref<128x128xf32, #tpu.memory_space<hbm>>
      %dma_start3A_80 = arith.constant 0 : i32
      %dma_start3A_81 = tpu.memref_slice %arg8[%arg0, %add3A_66, %dma_start3A_80] : memref<2x10112x128xf32, #tpu.memory_space<hbm>> -> memref<1x128x128xf32, #tpu.memory_space<hbm>>
      %dma_start3A_82 = tpu.memref_squeeze %dma_start3A_81 : memref<1x128x128xf32, #tpu.memory_space<hbm>> -> memref<128x128xf32, #tpu.memory_space<hbm>>
      %dma_start3A_83 = arith.constant 0 : i32
      %dma_start3A_84 = arith.constant 0 : i32
      %dma_start3A_85 = tpu.memref_slice %arg11[%dma_start3A_83, %dma_start3A_84] : memref<128x128xf32, #tpu.memory_space<vmem>> -> memref<128x128xf32, #tpu.memory_space<vmem>>
      tpu.enqueue_dma source(%dma_start3A_85 : memref<128x128xf32, #tpu.memory_space<vmem>>) target(%dma_start3A_82 : memref<128x128xf32, #tpu.memory_space<hbm>>) target_semaphore(%run_scoped3A : memref<!tpu.dma_semaphore, #tpu.memory_space<semaphore_mem>>)
      %dma_wait3A = arith.constant 0 : i32
      %dma_wait3A_86 = arith.constant 0 : i32
      %dma_wait3A_87 = tpu.memref_slice %arg11[%dma_wait3A, %dma_wait3A_86] : memref<128x128xf32, #tpu.memory_space<vmem>> -> memref<128x128xf32, #tpu.memory_space<vmem>>
      %dma_wait3A_88 = arith.constant 0 : i32
      %dma_wait3A_89 = tpu.memref_slice %arg8[%arg0, %add3A_66, %dma_wait3A_88] : memref<2x10112x128xf32, #tpu.memory_space<hbm>> -> memref<1x128x128xf32, #tpu.memory_space<hbm>>
      %dma_wait3A_90 = tpu.memref_squeeze %dma_wait3A_89 : memref<1x128x128xf32, #tpu.memory_space<hbm>> -> memref<128x128xf32, #tpu.memory_space<hbm>>
      %dma_wait3A_91 = arith.constant 0 : i32
      %dma_wait3A_92 = tpu.memref_slice %arg8[%arg0, %add3A_66, %dma_wait3A_91] : memref<2x10112x128xf32, #tpu.memory_space<hbm>> -> memref<1x128x128xf32, #tpu.memory_space<hbm>>
      %dma_wait3A_93 = tpu.memref_squeeze %dma_wait3A_92 : memref<1x128x128xf32, #tpu.memory_space<hbm>> -> memref<128x128xf32, #tpu.memory_space<hbm>>
      %dma_wait3A_94 = arith.constant 0 : i32
      %dma_wait3A_95 = arith.constant 0 : i32
      %dma_wait3A_96 = tpu.memref_slice %arg11[%dma_wait3A_94, %dma_wait3A_95] : memref<128x128xf32, #tpu.memory_space<vmem>> -> memref<128x128xf32, #tpu.memory_space<vmem>>
      tpu.wait_dma2 semaphore(%run_scoped3A : memref<!tpu.dma_semaphore, #tpu.memory_space<semaphore_mem>>) src(%dma_wait3A_96 : memref<128x128xf32, #tpu.memory_space<vmem>>) dst(%dma_wait3A_93 : memref<128x128xf32, #tpu.memory_space<hbm>>)
      tpu.yield
    }) : () -> ()
    %add3A_67 = arith.constant 384 : i32
    %add3A_68 = arith.addi %mul3A_2, %add3A_67 : i32
    "tpu.region"() ({
      %run_scoped3A = tpu.sem_alloc : memref<!tpu.dma_semaphore, #tpu.memory_space<semaphore_mem>>
      %dma_start3A = arith.constant 0 : i32
      %dma_start3A_75 = arith.constant 0 : i32
      %dma_start3A_76 = tpu.memref_slice %arg11[%dma_start3A, %dma_start3A_75] : memref<128x128xf32, #tpu.memory_space<vmem>> -> memref<128x128xf32, #tpu.memory_space<vmem>>
      %dma_start3A_77 = arith.constant 0 : i32
      %dma_start3A_78 = tpu.memref_slice %arg13[%add3A_68, %dma_start3A_77] : memref<10112x128xf32, #tpu.memory_space<vmem_shared>> -> memref<128x128xf32, #tpu.memory_space<vmem_shared>>
      %dma_start3A_79 = arith.constant 0 : i32
      %dma_start3A_80 = arith.constant 0 : i32
      %dma_start3A_81 = tpu.memref_slice %arg11[%dma_start3A_79, %dma_start3A_80] : memref<128x128xf32, #tpu.memory_space<vmem>> -> memref<128x128xf32, #tpu.memory_space<vmem>>
      %dma_start3A_82 = arith.constant 0 : i32
      %dma_start3A_83 = tpu.memref_slice %arg13[%add3A_68, %dma_start3A_82] : memref<10112x128xf32, #tpu.memory_space<vmem_shared>> -> memref<128x128xf32, #tpu.memory_space<vmem_shared>>
      tpu.enqueue_dma source(%dma_start3A_83 : memref<128x128xf32, #tpu.memory_space<vmem_shared>>) target(%dma_start3A_81 : memref<128x128xf32, #tpu.memory_space<vmem>>) target_semaphore(%run_scoped3A : memref<!tpu.dma_semaphore, #tpu.memory_space<semaphore_mem>>)
      %dma_wait3A = arith.constant 0 : i32
      %dma_wait3A_84 = arith.constant 0 : i32
      %dma_wait3A_85 = tpu.memref_slice %arg11[%dma_wait3A, %dma_wait3A_84] : memref<128x128xf32, #tpu.memory_space<vmem>> -> memref<128x128xf32, #tpu.memory_space<vmem>>
      %dma_wait3A_86 = arith.constant 0 : i32
      %dma_wait3A_87 = tpu.memref_slice %arg13[%add3A_68, %dma_wait3A_86] : memref<10112x128xf32, #tpu.memory_space<vmem_shared>> -> memref<128x128xf32, #tpu.memory_space<vmem_shared>>
      %dma_wait3A_88 = arith.constant 0 : i32
      %dma_wait3A_89 = arith.constant 0 : i32
      %dma_wait3A_90 = tpu.memref_slice %arg11[%dma_wait3A_88, %dma_wait3A_89] : memref<128x128xf32, #tpu.memory_space<vmem>> -> memref<128x128xf32, #tpu.memory_space<vmem>>
      %dma_wait3A_91 = arith.constant 0 : i32
      %dma_wait3A_92 = tpu.memref_slice %arg13[%add3A_68, %dma_wait3A_91] : memref<10112x128xf32, #tpu.memory_space<vmem_shared>> -> memref<128x128xf32, #tpu.memory_space<vmem_shared>>
      tpu.wait_dma2 semaphore(%run_scoped3A : memref<!tpu.dma_semaphore, #tpu.memory_space<semaphore_mem>>) src(%dma_wait3A_92 : memref<128x128xf32, #tpu.memory_space<vmem_shared>>) dst(%dma_wait3A_90 : memref<128x128xf32, #tpu.memory_space<vmem>>)
      tpu.yield
    }) : () -> ()
    %add3A_69 = arith.constant 384 : i32
    %add3A_70 = arith.addi %mul3A_2, %add3A_69 : i32
    "tpu.region"() ({
      %run_scoped3A = tpu.sem_alloc : memref<!tpu.dma_semaphore, #tpu.memory_space<semaphore_mem>>
      %dma_start3A = arith.constant 0 : i32
      %dma_start3A_75 = arith.constant 0 : i32
      %dma_start3A_76 = tpu.memref_slice %arg11[%dma_start3A, %dma_start3A_75] : memref<128x128xf32, #tpu.memory_space<vmem>> -> memref<128x128xf32, #tpu.memory_space<vmem>>
      %dma_start3A_77 = arith.constant 0 : i32
      %dma_start3A_78 = tpu.memref_slice %arg8[%arg0, %add3A_70, %dma_start3A_77] : memref<2x10112x128xf32, #tpu.memory_space<hbm>> -> memref<1x128x128xf32, #tpu.memory_space<hbm>>
      %dma_start3A_79 = tpu.memref_squeeze %dma_start3A_78 : memref<1x128x128xf32, #tpu.memory_space<hbm>> -> memref<128x128xf32, #tpu.memory_space<hbm>>
      %dma_start3A_80 = arith.constant 0 : i32
      %dma_start3A_81 = tpu.memref_slice %arg8[%arg0, %add3A_70, %dma_start3A_80] : memref<2x10112x128xf32, #tpu.memory_space<hbm>> -> memref<1x128x128xf32, #tpu.memory_space<hbm>>
      %dma_start3A_82 = tpu.memref_squeeze %dma_start3A_81 : memref<1x128x128xf32, #tpu.memory_space<hbm>> -> memref<128x128xf32, #tpu.memory_space<hbm>>
      %dma_start3A_83 = arith.constant 0 : i32
      %dma_start3A_84 = arith.constant 0 : i32
      %dma_start3A_85 = tpu.memref_slice %arg11[%dma_start3A_83, %dma_start3A_84] : memref<128x128xf32, #tpu.memory_space<vmem>> -> memref<128x128xf32, #tpu.memory_space<vmem>>
      tpu.enqueue_dma source(%dma_start3A_85 : memref<128x128xf32, #tpu.memory_space<vmem>>) target(%dma_start3A_82 : memref<128x128xf32, #tpu.memory_space<hbm>>) target_semaphore(%run_scoped3A : memref<!tpu.dma_semaphore, #tpu.memory_space<semaphore_mem>>)
      %dma_wait3A = arith.constant 0 : i32
      %dma_wait3A_86 = arith.constant 0 : i32
      %dma_wait3A_87 = tpu.memref_slice %arg11[%dma_wait3A, %dma_wait3A_86] : memref<128x128xf32, #tpu.memory_space<vmem>> -> memref<128x128xf32, #tpu.memory_space<vmem>>
      %dma_wait3A_88 = arith.constant 0 : i32
      %dma_wait3A_89 = tpu.memref_slice %arg8[%arg0, %add3A_70, %dma_wait3A_88] : memref<2x10112x128xf32, #tpu.memory_space<hbm>> -> memref<1x128x128xf32, #tpu.memory_space<hbm>>
      %dma_wait3A_90 = tpu.memref_squeeze %dma_wait3A_89 : memref<1x128x128xf32, #tpu.memory_space<hbm>> -> memref<128x128xf32, #tpu.memory_space<hbm>>
      %dma_wait3A_91 = arith.constant 0 : i32
      %dma_wait3A_92 = tpu.memref_slice %arg8[%arg0, %add3A_70, %dma_wait3A_91] : memref<2x10112x128xf32, #tpu.memory_space<hbm>> -> memref<1x128x128xf32, #tpu.memory_space<hbm>>
      %dma_wait3A_93 = tpu.memref_squeeze %dma_wait3A_92 : memref<1x128x128xf32, #tpu.memory_space<hbm>> -> memref<128x128xf32, #tpu.memory_space<hbm>>
      %dma_wait3A_94 = arith.constant 0 : i32
      %dma_wait3A_95 = arith.constant 0 : i32
      %dma_wait3A_96 = tpu.memref_slice %arg11[%dma_wait3A_94, %dma_wait3A_95] : memref<128x128xf32, #tpu.memory_space<vmem>> -> memref<128x128xf32, #tpu.memory_space<vmem>>
      tpu.wait_dma2 semaphore(%run_scoped3A : memref<!tpu.dma_semaphore, #tpu.memory_space<semaphore_mem>>) src(%dma_wait3A_96 : memref<128x128xf32, #tpu.memory_space<vmem>>) dst(%dma_wait3A_93 : memref<128x128xf32, #tpu.memory_space<hbm>>)
      tpu.yield
    }) : () -> ()
    %add3A_71 = arith.constant 512 : i32
    %add3A_72 = arith.addi %mul3A_2, %add3A_71 : i32
    "tpu.region"() ({
      %run_scoped3A = tpu.sem_alloc : memref<!tpu.dma_semaphore, #tpu.memory_space<semaphore_mem>>
      %dma_start3A = arith.constant 0 : i32
      %dma_start3A_75 = arith.constant 0 : i32
      %dma_start3A_76 = tpu.memref_slice %arg11[%dma_start3A, %dma_start3A_75] : memref<128x128xf32, #tpu.memory_space<vmem>> -> memref<120x128xf32, #tpu.memory_space<vmem>>
      %dma_start3A_77 = arith.constant 0 : i32
      %dma_start3A_78 = tpu.memref_slice %arg13[%add3A_72, %dma_start3A_77] : memref<10112x128xf32, #tpu.memory_space<vmem_shared>> -> memref<120x128xf32, #tpu.memory_space<vmem_shared>>
      %dma_start3A_79 = arith.constant 0 : i32
      %dma_start3A_80 = arith.constant 0 : i32
      %dma_start3A_81 = tpu.memref_slice %arg11[%dma_start3A_79, %dma_start3A_80] : memref<128x128xf32, #tpu.memory_space<vmem>> -> memref<120x128xf32, #tpu.memory_space<vmem>>
      %dma_start3A_82 = arith.constant 0 : i32
      %dma_start3A_83 = tpu.memref_slice %arg13[%add3A_72, %dma_start3A_82] : memref<10112x128xf32, #tpu.memory_space<vmem_shared>> -> memref<120x128xf32, #tpu.memory_space<vmem_shared>>
      tpu.enqueue_dma source(%dma_start3A_83 : memref<120x128xf32, #tpu.memory_space<vmem_shared>>) target(%dma_start3A_81 : memref<120x128xf32, #tpu.memory_space<vmem>>) target_semaphore(%run_scoped3A : memref<!tpu.dma_semaphore, #tpu.memory_space<semaphore_mem>>)
      %dma_wait3A = arith.constant 0 : i32
      %dma_wait3A_84 = arith.constant 0 : i32
      %dma_wait3A_85 = tpu.memref_slice %arg11[%dma_wait3A, %dma_wait3A_84] : memref<128x128xf32, #tpu.memory_space<vmem>> -> memref<120x128xf32, #tpu.memory_space<vmem>>
      %dma_wait3A_86 = arith.constant 0 : i32
      %dma_wait3A_87 = tpu.memref_slice %arg13[%add3A_72, %dma_wait3A_86] : memref<10112x128xf32, #tpu.memory_space<vmem_shared>> -> memref<120x128xf32, #tpu.memory_space<vmem_shared>>
      %dma_wait3A_88 = arith.constant 0 : i32
      %dma_wait3A_89 = arith.constant 0 : i32
      %dma_wait3A_90 = tpu.memref_slice %arg11[%dma_wait3A_88, %dma_wait3A_89] : memref<128x128xf32, #tpu.memory_space<vmem>> -> memref<120x128xf32, #tpu.memory_space<vmem>>
      %dma_wait3A_91 = arith.constant 0 : i32
      %dma_wait3A_92 = tpu.memref_slice %arg13[%add3A_72, %dma_wait3A_91] : memref<10112x128xf32, #tpu.memory_space<vmem_shared>> -> memref<120x128xf32, #tpu.memory_space<vmem_shared>>
      tpu.wait_dma2 semaphore(%run_scoped3A : memref<!tpu.dma_semaphore, #tpu.memory_space<semaphore_mem>>) src(%dma_wait3A_92 : memref<120x128xf32, #tpu.memory_space<vmem_shared>>) dst(%dma_wait3A_90 : memref<120x128xf32, #tpu.memory_space<vmem>>)
      tpu.yield
    }) : () -> ()
    %add3A_73 = arith.constant 512 : i32
    %add3A_74 = arith.addi %mul3A_2, %add3A_73 : i32
    "tpu.region"() ({
      %run_scoped3A = tpu.sem_alloc : memref<!tpu.dma_semaphore, #tpu.memory_space<semaphore_mem>>
      %dma_start3A = arith.constant 0 : i32
      %dma_start3A_75 = arith.constant 0 : i32
      %dma_start3A_76 = tpu.memref_slice %arg11[%dma_start3A, %dma_start3A_75] : memref<128x128xf32, #tpu.memory_space<vmem>> -> memref<120x128xf32, #tpu.memory_space<vmem>>
      %dma_start3A_77 = arith.constant 0 : i32
      %dma_start3A_78 = tpu.memref_slice %arg8[%arg0, %add3A_74, %dma_start3A_77] : memref<2x10112x128xf32, #tpu.memory_space<hbm>> -> memref<1x120x128xf32, #tpu.memory_space<hbm>>
      %dma_start3A_79 = tpu.memref_squeeze %dma_start3A_78 : memref<1x120x128xf32, #tpu.memory_space<hbm>> -> memref<120x128xf32, #tpu.memory_space<hbm>>
      %dma_start3A_80 = arith.constant 0 : i32
      %dma_start3A_81 = tpu.memref_slice %arg8[%arg0, %add3A_74, %dma_start3A_80] : memref<2x10112x128xf32, #tpu.memory_space<hbm>> -> memref<1x120x128xf32, #tpu.memory_space<hbm>>
      %dma_start3A_82 = tpu.memref_squeeze %dma_start3A_81 : memref<1x120x128xf32, #tpu.memory_space<hbm>> -> memref<120x128xf32, #tpu.memory_space<hbm>>
      %dma_start3A_83 = arith.constant 0 : i32
      %dma_start3A_84 = arith.constant 0 : i32
      %dma_start3A_85 = tpu.memref_slice %arg11[%dma_start3A_83, %dma_start3A_84] : memref<128x128xf32, #tpu.memory_space<vmem>> -> memref<120x128xf32, #tpu.memory_space<vmem>>
      tpu.enqueue_dma source(%dma_start3A_85 : memref<120x128xf32, #tpu.memory_space<vmem>>) target(%dma_start3A_82 : memref<120x128xf32, #tpu.memory_space<hbm>>) target_semaphore(%run_scoped3A : memref<!tpu.dma_semaphore, #tpu.memory_space<semaphore_mem>>)
      %dma_wait3A = arith.constant 0 : i32
      %dma_wait3A_86 = arith.constant 0 : i32
      %dma_wait3A_87 = tpu.memref_slice %arg11[%dma_wait3A, %dma_wait3A_86] : memref<128x128xf32, #tpu.memory_space<vmem>> -> memref<120x128xf32, #tpu.memory_space<vmem>>
      %dma_wait3A_88 = arith.constant 0 : i32
      %dma_wait3A_89 = tpu.memref_slice %arg8[%arg0, %add3A_74, %dma_wait3A_88] : memref<2x10112x128xf32, #tpu.memory_space<hbm>> -> memref<1x120x128xf32, #tpu.memory_space<hbm>>
      %dma_wait3A_90 = tpu.memref_squeeze %dma_wait3A_89 : memref<1x120x128xf32, #tpu.memory_space<hbm>> -> memref<120x128xf32, #tpu.memory_space<hbm>>
      %dma_wait3A_91 = arith.constant 0 : i32
      %dma_wait3A_92 = tpu.memref_slice %arg8[%arg0, %add3A_74, %dma_wait3A_91] : memref<2x10112x128xf32, #tpu.memory_space<hbm>> -> memref<1x120x128xf32, #tpu.memory_space<hbm>>
      %dma_wait3A_93 = tpu.memref_squeeze %dma_wait3A_92 : memref<1x120x128xf32, #tpu.memory_space<hbm>> -> memref<120x128xf32, #tpu.memory_space<hbm>>
      %dma_wait3A_94 = arith.constant 0 : i32
      %dma_wait3A_95 = arith.constant 0 : i32
      %dma_wait3A_96 = tpu.memref_slice %arg11[%dma_wait3A_94, %dma_wait3A_95] : memref<128x128xf32, #tpu.memory_space<vmem>> -> memref<120x128xf32, #tpu.memory_space<vmem>>
      tpu.wait_dma2 semaphore(%run_scoped3A : memref<!tpu.dma_semaphore, #tpu.memory_space<semaphore_mem>>) src(%dma_wait3A_96 : memref<120x128xf32, #tpu.memory_space<vmem>>) dst(%dma_wait3A_93 : memref<120x128xf32, #tpu.memory_space<hbm>>)
      tpu.yield
    }) : () -> ()
    return
  }
}

module attributes {stable_mosaic.version = 14 : i64} {
  func.func @_tc_finish_body(%arg0: i32, %arg1: memref<2x2000x128xf32, #tpu.memory_space<vmem>>, %arg2: memref<2x2000x128xf32, #tpu.memory_space<vmem>>, %arg3: memref<2000x128xf32, #tpu.memory_space<vmem>>, %arg4: memref<128x128xf32, #tpu.memory_space<vmem>>, %arg5: memref<128x128xf32, #tpu.memory_space<vmem>>, %arg6: memref<1x128xf32, #tpu.memory_space<vmem>>, %arg7: memref<1x128xf32, #tpu.memory_space<vmem>>, %arg8: memref<1x128xf32, #tpu.memory_space<vmem>>, %arg9: memref<2000x128xf32, #tpu.memory_space<vmem>>) attributes {dimension_semantics = [#tpu.dimension_semantics<arbitrary>], iteration_bounds = array<i64: 5>, scalar_prefetch = 0 : i64, scratch_operands = 0 : i64, tpu.core_type = #tpu.core_type<tc>, window_params = [{transform_indices = @transform_0, window_bounds = array<i64: 2, 2000, 128>}, {transform_indices = @transform_1, window_bounds = array<i64: 2, 2000, 128>}, {transform_indices = @transform_2, window_bounds = array<i64: 2000, 128>}, {pipeline_mode = #tpu.pipeline_mode<synchronous>, transform_indices = @transform_3, window_bounds = array<i64: 128, 128>}, {pipeline_mode = #tpu.pipeline_mode<synchronous>, transform_indices = @transform_4, window_bounds = array<i64: 128, 128>}, {pipeline_mode = #tpu.pipeline_mode<synchronous>, transform_indices = @transform_5, window_bounds = array<i64: 1, 128>}, {pipeline_mode = #tpu.pipeline_mode<synchronous>, transform_indices = @transform_6, window_bounds = array<i64: 1, 128>}, {pipeline_mode = #tpu.pipeline_mode<synchronous>, transform_indices = @transform_7, window_bounds = array<i64: 1, 128>}, {transform_indices = @transform_8, window_bounds = array<i64: 2000, 128>}]} {
    %get3A = arith.constant 0 : index
    %get3A_0 = arith.constant 0 : index
    %get3A_1 = arith.constant 0 : index
    %get3A_2 = vector.load %arg1[%get3A, %get3A_0, %get3A_1] : memref<2x2000x128xf32, #tpu.memory_space<vmem>>, vector<1x2000x128xf32>
    %get3A_3 = vector.shape_cast %get3A_2 : vector<1x2000x128xf32> to vector<2000x128xf32>
    %get3A_4 = arith.constant 1 : index
    %get3A_5 = arith.constant 0 : index
    %get3A_6 = arith.constant 0 : index
    %get3A_7 = vector.load %arg1[%get3A_4, %get3A_5, %get3A_6] : memref<2x2000x128xf32, #tpu.memory_space<vmem>>, vector<1x2000x128xf32>
    %get3A_8 = vector.shape_cast %get3A_7 : vector<1x2000x128xf32> to vector<2000x128xf32>
    %add3A = arith.addf %get3A_3, %get3A_8 : vector<2000x128xf32>
    %get3A_9 = arith.constant 0 : index
    %get3A_10 = arith.constant 0 : index
    %get3A_11 = arith.constant 0 : index
    %get3A_12 = vector.load %arg2[%get3A_9, %get3A_10, %get3A_11] : memref<2x2000x128xf32, #tpu.memory_space<vmem>>, vector<1x2000x128xf32>
    %get3A_13 = vector.shape_cast %get3A_12 : vector<1x2000x128xf32> to vector<2000x128xf32>
    %slice3A = vector.extract_strided_slice %get3A_13 {offsets = [0, 0], sizes = [2000, 1], strides = [1, 1]} : vector<2000x128xf32> to vector<2000x1xf32>
    %get3A_14 = arith.constant 1 : index
    %get3A_15 = arith.constant 0 : index
    %get3A_16 = arith.constant 0 : index
    %get3A_17 = vector.load %arg2[%get3A_14, %get3A_15, %get3A_16] : memref<2x2000x128xf32, #tpu.memory_space<vmem>>, vector<1x2000x128xf32>
    %get3A_18 = vector.shape_cast %get3A_17 : vector<1x2000x128xf32> to vector<2000x128xf32>
    %slice3A_19 = vector.extract_strided_slice %get3A_18 {offsets = [0, 0], sizes = [2000, 1], strides = [1, 1]} : vector<2000x128xf32> to vector<2000x1xf32>
    %add3A_20 = arith.addf %slice3A, %slice3A_19 : vector<2000x1xf32>
    %jit3A = arith.constant 1.000000e+00 : f32
    %max3A = vector.broadcast %jit3A : f32 to vector<2000x1xf32>
    %max3A_21 = arith.maximumf %max3A, %add3A_20 : vector<2000x1xf32>
    %div3A = vector.broadcast %max3A_21 : vector<2000x1xf32> to vector<2000x128xf32>
    %div3A_22 = arith.divf %add3A, %div3A : vector<2000x128xf32>
    %get3A_23 = arith.constant 0 : index
    %get3A_24 = arith.constant 0 : index
    %get3A_25 = vector.load %arg4[%get3A_23, %get3A_24] : memref<128x128xf32, #tpu.memory_space<vmem>>, vector<128x128xf32>
    %dot_general3A = arith.constant dense<0.000000e+00> : vector<2000x128xf32>
    %dot_general3A_26 = tpu.matmul %div3A_22, %get3A_25, %dot_general3A {dimension_numbers = #tpu.dot_dimension_numbers<[1], [0], [0], [1], [0, 0, 1, 1], [], []>, transpose_lhs_hint = false} : vector<2000x128xf32>, vector<128x128xf32>, vector<2000x128xf32> -> vector<2000x128xf32>
    %get3A_27 = arith.constant 0 : index
    %get3A_28 = arith.constant 0 : index
    %get3A_29 = vector.load %arg3[%get3A_27, %get3A_28] : memref<2000x128xf32, #tpu.memory_space<vmem>>, vector<2000x128xf32>
    %get3A_30 = arith.constant 0 : index
    %get3A_31 = arith.constant 0 : index
    %get3A_32 = vector.load %arg5[%get3A_30, %get3A_31] : memref<128x128xf32, #tpu.memory_space<vmem>>, vector<128x128xf32>
    %dot_general3A_33 = arith.constant dense<0.000000e+00> : vector<2000x128xf32>
    %dot_general3A_34 = tpu.matmul %get3A_29, %get3A_32, %dot_general3A_33 {dimension_numbers = #tpu.dot_dimension_numbers<[1], [0], [0], [1], [0, 0, 1, 1], [], []>, transpose_lhs_hint = false} : vector<2000x128xf32>, vector<128x128xf32>, vector<2000x128xf32> -> vector<2000x128xf32>
    %add3A_35 = arith.addf %dot_general3A_26, %dot_general3A_34 : vector<2000x128xf32>
    %get3A_36 = arith.constant 0 : index
    %get3A_37 = arith.constant 0 : index
    %get3A_38 = vector.load %arg6[%get3A_36, %get3A_37] : memref<1x128xf32, #tpu.memory_space<vmem>>, vector<1x128xf32>
    %add3A_39 = vector.broadcast %get3A_38 : vector<1x128xf32> to vector<2000x128xf32>
    %add3A_40 = arith.addf %add3A_35, %add3A_39 : vector<2000x128xf32>
    %reduce_sum3A = arith.constant dense<0.000000e+00> : vector<2000xf32>
    %reduce_sum3A_41 = vector.multi_reduction <add>, %add3A_40, %reduce_sum3A [1] : vector<2000x128xf32> to vector<2000xf32>
    %broadcast_in_dim3A = vector.shape_cast %reduce_sum3A_41 : vector<2000xf32> to vector<2000x1xf32>
    %div3A_42 = arith.constant 1.280000e+02 : f32
    %div3A_43 = vector.broadcast %div3A_42 : f32 to vector<2000x1xf32>
    %div3A_44 = arith.divf %broadcast_in_dim3A, %div3A_43 : vector<2000x1xf32>
    %sub3A = vector.broadcast %div3A_44 : vector<2000x1xf32> to vector<2000x128xf32>
    %sub3A_45 = arith.subf %add3A_40, %sub3A : vector<2000x128xf32>
    %integer_pow3A = arith.mulf %sub3A_45, %sub3A_45 : vector<2000x128xf32>
    %reduce_sum3A_46 = arith.constant dense<0.000000e+00> : vector<2000xf32>
    %reduce_sum3A_47 = vector.multi_reduction <add>, %integer_pow3A, %reduce_sum3A_46 [1] : vector<2000x128xf32> to vector<2000xf32>
    %broadcast_in_dim3A_48 = vector.shape_cast %reduce_sum3A_47 : vector<2000xf32> to vector<2000x1xf32>
    %div3A_49 = arith.constant 1.280000e+02 : f32
    %div3A_50 = vector.broadcast %div3A_49 : f32 to vector<2000x1xf32>
    %div3A_51 = arith.divf %broadcast_in_dim3A_48, %div3A_50 : vector<2000x1xf32>
    %sub3A_52 = vector.broadcast %div3A_44 : vector<2000x1xf32> to vector<2000x128xf32>
    %sub3A_53 = arith.subf %add3A_40, %sub3A_52 : vector<2000x128xf32>
    %add3A_54 = arith.constant 9.99999974E-6 : f32
    %add3A_55 = vector.broadcast %add3A_54 : f32 to vector<2000x1xf32>
    %add3A_56 = arith.addf %div3A_51, %add3A_55 : vector<2000x1xf32>
    %sqrt3A = math.sqrt %add3A_56 : vector<2000x1xf32>
    %div3A_57 = vector.broadcast %sqrt3A : vector<2000x1xf32> to vector<2000x128xf32>
    %div3A_58 = arith.divf %sub3A_53, %div3A_57 : vector<2000x128xf32>
    %get3A_59 = arith.constant 0 : index
    %get3A_60 = arith.constant 0 : index
    %get3A_61 = vector.load %arg7[%get3A_59, %get3A_60] : memref<1x128xf32, #tpu.memory_space<vmem>>, vector<1x128xf32>
    %mul3A = vector.broadcast %get3A_61 : vector<1x128xf32> to vector<2000x128xf32>
    %mul3A_62 = arith.mulf %div3A_58, %mul3A : vector<2000x128xf32>
    %get3A_63 = arith.constant 0 : index
    %get3A_64 = arith.constant 0 : index
    %get3A_65 = vector.load %arg8[%get3A_63, %get3A_64] : memref<1x128xf32, #tpu.memory_space<vmem>>, vector<1x128xf32>
    %add3A_66 = vector.broadcast %get3A_65 : vector<1x128xf32> to vector<2000x128xf32>
    %add3A_67 = arith.addf %mul3A_62, %add3A_66 : vector<2000x128xf32>
    %max3A_68 = arith.constant 0.000000e+00 : f32
    %max3A_69 = vector.broadcast %max3A_68 : f32 to vector<2000x128xf32>
    %max3A_70 = arith.maximumf %add3A_67, %max3A_69 : vector<2000x128xf32>
    %swap3A = arith.constant 0 : index
    %swap3A_71 = arith.constant 0 : index
    %swap3A_72 = vector.load %arg9[%swap3A, %swap3A_71] : memref<2000x128xf32, #tpu.memory_space<vmem>>, vector<2000x128xf32>
    tpu.vector_store %arg9[%swap3A, %swap3A_71], %max3A_70 {strides = array<i32>} : memref<2000x128xf32, #tpu.memory_space<vmem>>, vector<2000x128xf32>,
    return
  }
  func.func @transform_0(%arg0: i32) -> (i32, i32, i32) {
    %c0_i32 = arith.constant 0 : i32
    %c0_i32_0 = arith.constant 0 : i32
    %c0_i32_1 = arith.constant 0 : i32
    return %c0_i32, %arg0, %c0_i32_0 : i32, i32, i32
  }
  func.func @transform_1(%arg0: i32) -> (i32, i32, i32) {
    %c0_i32 = arith.constant 0 : i32
    %c0_i32_0 = arith.constant 0 : i32
    %c0_i32_1 = arith.constant 0 : i32
    return %c0_i32, %arg0, %c0_i32_0 : i32, i32, i32
  }
  func.func @transform_2(%arg0: i32) -> (i32, i32) {
    %c0_i32 = arith.constant 0 : i32
    %c0_i32_0 = arith.constant 0 : i32
    return %arg0, %c0_i32 : i32, i32
  }
  func.func @transform_3(%arg0: i32) -> (i32, i32) {
    %c0_i32 = arith.constant 0 : i32
    %c0_i32_0 = arith.constant 0 : i32
    %c0_i32_1 = arith.constant 0 : i32
    return %c0_i32, %c0_i32_0 : i32, i32
  }
  func.func @transform_4(%arg0: i32) -> (i32, i32) {
    %c0_i32 = arith.constant 0 : i32
    %c0_i32_0 = arith.constant 0 : i32
    %c0_i32_1 = arith.constant 0 : i32
    return %c0_i32, %c0_i32_0 : i32, i32
  }
  func.func @transform_5(%arg0: i32) -> (i32, i32) {
    %c0_i32 = arith.constant 0 : i32
    %c0_i32_0 = arith.constant 0 : i32
    %c0_i32_1 = arith.constant 0 : i32
    return %c0_i32, %c0_i32_0 : i32, i32
  }
  func.func @transform_6(%arg0: i32) -> (i32, i32) {
    %c0_i32 = arith.constant 0 : i32
    %c0_i32_0 = arith.constant 0 : i32
    %c0_i32_1 = arith.constant 0 : i32
    return %c0_i32, %c0_i32_0 : i32, i32
  }
  func.func @transform_7(%arg0: i32) -> (i32, i32) {
    %c0_i32 = arith.constant 0 : i32
    %c0_i32_0 = arith.constant 0 : i32
    %c0_i32_1 = arith.constant 0 : i32
    return %c0_i32, %c0_i32_0 : i32, i32
  }
  func.func @transform_8(%arg0: i32) -> (i32, i32) {
    %c0_i32 = arith.constant 0 : i32
    %c0_i32_0 = arith.constant 0 : i32
    return %arg0, %c0_i32 : i32, i32
  }
}

</mosaic_0001>

<sc_bundles>
// kernel: kernel.4.cloned.1.call-start
scs
__scs_entry_jumppad:
0x0: {  	(pc) =	sbr.rel $0x88, $3  }
0x1: {  	(tag) =	ssettag $0x0;
	lr =	simm.s32 $0x1  }
0x2: {  	[smem:$0x3F9A] =	sst lr;
	_ =	strace $0xD0000000  }
0x3: {  	_ = 	snop  }
0x4: {  	_ = 	snop  }
0x5: {  	_ = 	snop  }
0x6: {  	_ = 	snop  }
0x7: {  	_ = 	snop  }
__scs_overlays_trampoline_lowered:
0x8: {  	[smem:$0x3FA9] =	sst s0  }
0x9: {  	[smem:$0x3FAA] =	sst s1  }
0xa: {  	[smem:$0x3FAB] =	sst s2  }
0xb: {  	[smem:$0x3FAC] =	sst s3  }
0xc: {  	[smem:$0x3FAD] =	sst s4  }
0xd: {  	[smem:$0x3FAE] =	sst s5  }
0xe: {  	[smem:$0x3FAF] =	sst s6  }
0xf: {  	[smem:$0x3FB0] =	sst s7  }
0x10: {  	[smem:$0x3FB1] =	sst s8  }
0x11: {  	[smem:$0x3FB2] =	sst s9;
	s0 =	simm.s32 @!p0 $0x0  }
0x12: {  	s1 =	sld [smem:$0x3F98];
	s0 =	simm.s32 @p0 $0x1  }
0x13: {  	[smem:$0x3FB3] =	sst s0;
	s0 =	simm.s32 @!p1 $0x0  }
0x14: {  	s2 =	sld [smem:$0x3F97];
	s0 =	simm.s32 @p1 $0x1  }
0x15: {  	[smem:$0x3FB4] =	sst s0;
	s0 =	simm.s32 @!p2 $0x0  }
0x16: {  	s3 =	sld [smem:$0x3FDB];
	s0 =	simm.s32 @p2 $0x1  }
0x17: {  	s4 =	simm.s32 $0x1BF5;
	[smem:$0x3FB6] =	sst s0  }
0x18: {  	s0 =	sld [smem:$0x3F99];
	_ =	swait.ge [sflag:s4], $0x0  }
0x19: {  	s7 =	sld [smem:$0x3F9A]  }
0x1a: {  	s8 =	sadd.s32 $0xFFFFE003, lr  }
0x1b: {  	s9 =	sadd.s32 $0xFFFFFEF7, lr;
	s5 =	simm.s32 $0xFFFFFFFF;
	p2 =	slt.u32 s8, $0xFFFFF086  }
0x1c: {  	p1 =	slt.u32 s9, $0xF7A;
	s5 =	simm.s32 @!p2 $0x0  }
0x1d: {  	s5 =	simm.s32 @p1 $0x1;
	p0 =	seq.s32 s7, s2  }
0x1e: {  	s7 =	smul.u32 @!p0 $0xF7A, s2;
	p2 =	seq.s32 @!p0 s5, $0x0  }
0x1f: {  	s9 =	smul.u32 $0xF7A, s1;
	s8 =	simm.s32 @!p0 $0x1BF5;
	p2 =	por !p2, p0  }
0x20: {  	[sflag:s8] =	ssyncset.s32 @!p0 $0xFFFFF086;
	s6 =	sadd.s32 @!p0 s3, s7;
	s7 =	simm.s32 @!p0 $0x108  }
0x21: {  	s3 =	sadd.s32 s3, s9;
	s6 =	sadd.s32 @!p0 $0x88, s6;
	s7 =	simm.s32 @p2 $0x1082  }
0x22: {  	[simem:s7], [sflag:s8] =	dma.local @!p0 [hbm:s6], $0xF7A  }
0x23: {  	s9 =	sor.u32 $0xD0000000, s2;
	s6 =	simm.s32 $0x108;
	_ =	swait.ge @!p0 [sflag:s8], $0x0  }
0x24: {  	s3 =	sadd.s32 $0x88, s3;
	s6 =	simm.s32 @!p1 $0x1082;
	[sflag:s4] =	ssyncset.s32 $0xFFFFF086  }
0x25: {  	[simem:s6], [sflag:s4] =	dma.local [hbm:s3], $0xF7A  }
0x26: {  	[smem:$0x3F9A] =	sst s1;
	(tag) =	ssettag s2;
	_ =	strace s9  }
0x27: {  	s1 =	sld [smem:$0x3FAA]  }
0x28: {  	s2 =	sld [smem:$0x3FAB]  }
0x29: {  	s4 =	sld [smem:$0x3FAD]  }
0x2a: {  	p0 =	seq.s32 s5, $0x0;
	s5 =	sld [smem:$0x3FAE]  }
0x2b: {  	s6 =	sld [smem:$0x3FAF]  }
0x2c: {  	s7 =	sld [smem:$0x3FB0]  }
0x2d: {  	s3 =	simm.s32 $0x108;
	s8 =	sld [smem:$0x3FB1]  }
0x2e: {  	s3 =	simm.s32 @!p0 $0x1082;
	s9 =	sld [smem:$0x3FB2]  }
0x2f: {  	lr =	sadd.s32 s0, s3;
	s0 =	sld [smem:$0x3FA9]  }
0x30: {  	s3 =	sld [smem:$0x3FAC]  }
0x31: {  	[smem:$0x3FB5] =	sst s10  }
0x32: {  	s10 =	sld [smem:$0x3FB3];
	_ =	sdelay $0x3  }
0x33: {  	p0 =	seq.s32 s10, $0x1;
	s10 =	sld [smem:$0x3FB5];
	_ =	sdelay $0x3  }
0x34: {  	[smem:$0x3FB5] =	sst s10  }
0x35: {  	s10 =	sld [smem:$0x3FB4];
	_ =	sdelay $0x3  }
0x36: {  	p1 =	seq.s32 s10, $0x1;
	s10 =	sld [smem:$0x3FB5];
	_ =	sdelay $0x3  }
0x37: {  	[smem:$0x3FB5] =	sst s10  }
0x38: {  	s10 =	sld [smem:$0x3FB6]  }
0x39: {  	_ = 	snop;
	(pc) =	sbr.ind lr, $3  }
0x3a: {  	_ = 	snop  }
0x3b: {  	_ = 	snop  }
0x3c: {  	p2 =	seq.s32 s10, $0x1;
	s10 =	sld [smem:$0x3FB5]  }
0x3d: {  	_ =	shalt  }
0x3e: {  	_ =	shalt  }
0x3f: {  	_ =	shalt  }
0x40: {  	_ =	shalt  }
0x41: {  	_ =	shalt  }
0x42: {  	_ =	shalt  }
0x43: {  	_ =	shalt  }
0x44: {  	_ =	shalt  }
0x45: {  	_ =	shalt  }
0x46: {  	_ =	shalt  }
0x47: {  	_ =	shalt  }
0x48: {  	_ =	shalt  }
0x49: {  	_ =	shalt  }
0x4a: {  	_ =	shalt  }
0x4b: {  	_ =	shalt  }
0x4c: {  	_ =	shalt  }
0x4d: {  	_ =	shalt  }
0x4e: {  	_ =	shalt  }
0x4f: {  	_ =	shalt  }
0x50: {  	_ =	shalt  }
0x51: {  	_ =	shalt  }
0x52: {  	_ =	shalt  }
0x53: {  	_ =	shalt  }
0x54: {  	_ =	shalt  }
0x55: {  	_ =	shalt  }
0x56: {  	_ =	shalt  }
0x57: {  	_ =	shalt  }
0x58: {  	_ =	shalt  }
0x59: {  	_ =	shalt  }
0x5a: {  	_ =	shalt  }
0x5b: {  	_ =	shalt  }
0x5c: {  	_ =	shalt  }
0x5d: {  	_ =	shalt  }
0x5e: {  	_ =	shalt  }
0x5f: {  	_ =	shalt  }
0x60: {  	_ =	shalt  }
0x61: {  	_ =	shalt  }
0x62: {  	_ =	shalt  }
0x63: {  	_ =	shalt  }
0x64: {  	_ =	shalt  }
0x65: {  	_ =	shalt  }
0x66: {  	_ =	shalt  }
0x67: {  	_ =	shalt  }
0x68: {  	_ =	shalt  }
0x69: {  	_ =	shalt  }
0x6a: {  	_ =	shalt  }
0x6b: {  	_ =	shalt  }
0x6c: {  	_ =	shalt  }
0x6d: {  	_ =	shalt  }
0x6e: {  	_ =	shalt  }
0x6f: {  	_ =	shalt  }
0x70: {  	_ =	shalt  }
0x71: {  	_ =	shalt  }
0x72: {  	_ =	shalt  }
0x73: {  	_ =	shalt  }
0x74: {  	_ =	shalt  }
0x75: {  	_ =	shalt  }
0x76: {  	_ =	shalt  }
0x77: {  	_ =	shalt  }
0x78: {  	_ =	shalt  }
0x79: {  	_ =	shalt  }
0x7a: {  	_ =	shalt  }
0x7b: {  	_ =	shalt  }
0x7c: {  	_ =	shalt  }
0x7d: {  	_ =	shalt  }
0x7e: {  	_ =	shalt  }
0x7f: {  	_ =	shalt  }
0x80: {  	_ =	shalt  }
0x81: {  	_ =	shalt  }
0x82: {  	_ =	shalt  }
0x83: {  	_ =	shalt  }
0x84: {  	_ =	shalt  }
0x85: {  	_ =	shalt  }
0x86: {  	_ =	shalt  }
0x87: {  	_ =	shalt  }
.Lfunc_end0:
.L_simem_size_0:
called_computation_lowered:
.L_overlay_start_0:
0x88: {  	s2 =	sld [smem:$0x3FD9]  }
0x89: {  	s3 =	sld [smem:$0x3FFE];
	_ =	sdelay $0x1  }
0x8a: {  	s1 =	srdreg.scid  }
0x8b: {  	s0 =	sand.u32 $0x1, s1  }
0x8c: {  	s17 =	sshll.u32 s0, $0xA;
	s2 =	sadd.s32 s3, s2  }
0x8d: {  	s2 =	sadd.s32 s2, s17  }
0x8e: {  	[smem:$0x3FC1] =	sst s2  }
0x8f: {  	_ = 	snop  }
0x90: {  	s2 =	sld [smem:$0x3FC9]  }
0x91: {  	s18 =	sld [smem:$0x3FD0];
	(tm) =	ssettm $0x1  }
0x92: {  	s4 =	sld [smem:$0x3FFB];
	_ =	sdelay $0x3  }
0x93: {  	_ =	strace s4  }
0x94: {  	s4 =	sld [smem:$0x3FFC];
	_ =	sdelay $0x3  }
0x95: {  	_ =	strace s4  }
0x96: {  	s4 =	sld [smem:$0x3FFD];
	_ =	sdelay $0x3  }
0x97: {  	_ =	strace s4  }
0x98: {  	_ =	strace $0x8FFFFFFF  }
0x99: {  	s19 =	sld [smem:$0x3FDB];
	_ =	sdelay $0x1  }
0x9a: {  	s5 =	simm.s32 $_scs_section_size  }
0x9b: {  	s6 =	simm.s32 $_size__tile_overlayer_lowered;
	s7 =	simm.s32 $_tile_overlayer_lowered  }
0x9c: {  	s22 =	simm.s32 $0x1BFF;
	s21 =	sshll.u32 s7, $0x1;
	s4 =	sadd.s32 s5, s19  }
0x9d: {  	s8 =	simm.s32 $0x0;
	s20 =	sshll.u32 s6, $0x1;
	s6 =	sadd.s32 s21, s4  }
0x9e: {  	[timem:s8], [sflag:s22] =	dma.local [hbm:s6], s20  }
0x9f: {  	_ =	swait.ge [sflag:s22], s20  }
0xa0: {  	s5 =	ssub.s32 $0x0, s20;
	[sflag:s22] =	ssyncset.done $0x0  }
0xa1: {  	[sflag:s22] =	ssyncadd.s32 s5;
	_ =	sdelay $0x1  }
0xa2: {  	s23 =	simm.s32 $0x1B8B  }
0xa3: {  	_ =	swait.ge [sflag:s23], $0x1  }
0xa4: {  	[sflag:s23] =	ssyncset.done $0x0  }
0xa5: {  	s25 =	simm.s32 $0x1B8E;
	s24 =	sld [smem:$0x3FFE];
	[sflag:s23] =	ssyncadd.s32 $0xFFFFFFFF  }
0xa6: {  	s26 =	simm.s32 $execute0_lowered;
	[smem:$0x3FD2] =	sst s25  }
0xa7: {  	s6 =	sshll.u32 s26, $0x1;
	_ =	strace $0x80000046;
	[dreg:$0x1] =	wrdreg $0xFFFFFFFF  }
0xa8: {  	s28 =	simm.s32 $_size_execute0_lowered;
	s4 =	sadd.s32 s4, s6;
	[dreg:$0x0] =	wrdreg $0x0  }
0xa9: {  	s6 =	sshll.u32 s28, $0x1;
	[dreg:$0x2] =	wrdreg s4  }
0xaa: {  	[dreg:$0x3] =	wrdreg s6  }
0xab: {  	[dreg:$0x4] =	wrdreg $0xC0  }
0xac: {  	_ =	task [dreg:s8], $0x5FFFF  }
0xad: {  	[dreg:$0x1] =	wrdreg $0xFFFFFFFF  }
0xae: {  	[dreg:$0x0] =	wrdreg $0x60  }
0xaf: {  	[dreg:$0x2] =	wrdreg s2  }
0xb0: {  	[dreg:$0x3] =	wrdreg s18  }
0xb1: {  	[dreg:$0x4] =	wrdreg s24  }
0xb2: {  	[dreg:$0x5] =	wrdreg $0x90000  }
0xb3: {  	[dreg:$0x6] =	wrdreg $0x9  }
0xb4: {  	_ =	task.clear_ibuf [dreg:s8], $0x7FFFF;
	_ =	strace $0x90000046  }
0xb5: {  	s29 =	simm.s32 $0x9;
	_ =	strace $0x80000048  }
0xb6: {  	_ =	swait.ge [sflag:s29], $0x1  }
0xb7: {  	[sflag:s29] =	ssyncadd.s32 $0xFFFFFFFF  }
0xb8: {  	_ =	strace $0x90000048  }
0xb9: {  	_ =	sfence  }
0xba: {  	s30 =	sld [smem:$0x0];
	_ =	sdelay $0x2  }
0xbb: {  	s31 =	sshll.u32 s1, $0xD;
	s1 =	sshrl.u32 s1, $0x2  }
0xbc: {  	s3 =	sand.u32 $0x4000, s31;
	s1 =	sadd.s32 s1, s30  }
0xbd: {  	s0 =	sor.u32 s3, s0;
	s1 =	sshll.u32 s1, $0x11  }
0xbe: {  	s0 =	sor.u32 s1, s0  }
0xbf: {  	s0 =	sadd.s32 $0x8F2B, s0  }
0xc0: {  	[sflag:s0] =	ssyncadd.remote.s32 $0x1  }
0xc1: {  	_ =	sfence.sel $0xFFFF  }
0xc2: {  	[dreg:$0x0] =	wrdreg $0xFFFFFFFF;
	(pc) =	sbr.abs _section_cstart, $3  }
0xc3: {  	[dreg:$0x1] =	wrdreg $0xFFFFFFFF  }
0xc4: {  	_ =	task.clear_ibuf [dreg:s8], $0x2FFFF;
	_ =	strace $0x9FFFFFFF  }
0xc5: {  	(tm) =	ssettm $0x7FFFFFFF  }
tec
execute0_lowered:
.L_overlay_start_1:
0x0: {  	(tag) =	ssettag $0x1  }
0x1: {  	s1 =	rddreg [dreg:$0x0]  }
0x2: {  	s0 =	srdreg.scid;
	s2 =	rddreg [dreg:$0x1]  }
0x3: {  	s9 =	stileid.u32;
	s6 =	rddreg [dreg:$0x2]  }
0x4: {  	s3 =	rddreg [dreg:$0x3];
	s4 =	simm.s32 $0x0;
	s28 =	simm.s32 $0x80  }
0x5: {  	s29 =	simm.s32 $0x5000;
	s30 =	simm.s32 $0x1;
	s31 =	simm.s32 $0x2  }
0x6: {  	s5 =	sand.u32 $0x1, s0;
	s22 =	smul.u32 $0x5000, s9;
	[smem:$0x7FF] =	sst s4  }
0x7: {  	s8 =	smul.u32 $0x4F000, s9;
	s10 =	sadd.s32 $0xBE00, s6;
	s23 =	sadd.s32 $0xB600, s6  }
0x8: {  	s9 =	smul.u32 $0x13C00, s9;
	_ =	strace $0x80000047;
	[dreg:$0x13] =	wrdreg s10  }
0x9: {  	s7 =	smul.u32 $0x2800, s5;
	[dreg:$0x14] =	wrdreg s23;
	s10 =	sadd.s32 $0xC600, s6  }
0xa: {  	s11 =	ssub.s32 $0x2, s5;
	s5 =	smul.u32 $0x13C000, s5;
	s23 =	simm.s32 $0x100  }
0xb: {  	s12 =	sshrl.u32 s11, $0x1;
	s8 =	sshrl.u32 s8, $0x2;
	s13 =	sadd.s32 $0x4000, s9  }
0xc: {  	s24 =	sadd.s32 $0x8000, s9;
	s25 =	sadd.s32 $0xC000, s9;
	s26 =	sadd.s32 $0x10000, s9  }
0xd: {  	[dreg:$0x6] =	wrdreg s23;
	s0 =	sadd.s32 s7, s22;
	s11 =	ssub.s32 s11, s12  }
0xe: {  	s15 =	sadd.s32 s8, s3;
	s16 =	sadd.s32 s13, s3;
	s17 =	sadd.s32 s24, s3  }
0xf: {  	s14 =	sadd.s32 s25, s3;
	s18 =	sadd.s32 s26, s3;
	s9 =	sadd.s32 s9, s5  }
0x10: {  	s13 =	sadd.s32 s5, s13;
	s8 =	sadd.s32 s5, s24;
	[dreg:$0x18] =	wrdreg s14  }
0x11: {  	s22 =	sadd.s32 s5, s25;
	s24 =	simm.s32 $0x180;
	[dreg:$0x19] =	wrdreg s18  }
0x12: {  	s5 =	sadd.s32 s5, s26;
	s26 =	simm.s32 $0x200;
	[dreg:$0x7] =	wrdreg s24  }
0x13: {  	s12 =	simm.s32 $0x280;
	s7 =	sshrl.u32 s0, $0x3;
	[dreg:$0x8] =	wrdreg s26  }
0x14: {  	s9 =	sshrl.u32 s9, $0x3;
	[dreg:$0x9] =	wrdreg s12;
	s14 =	simm.s32 $0x300  }
0x15: {  	s13 =	sshrl.u32 s13, $0x3;
	s23 =	smax.u32 s11, $0x1;
	[dreg:$0xa] =	wrdreg s14  }
0x16: {  	s8 =	sshrl.u32 s8, $0x3;
	s24 =	simm.s32 $0x600;
	[smem:$0x7FC] =	sst s23  }
0x17: {  	s5 =	sshrl.u32 s5, $0x3;
	s26 =	simm.s32 $0x700;
	[dreg:$0x10] =	wrdreg s24  }
0x18: {  	s11 =	smov.u32 s17;
	s12 =	simm.s32 $0xA00;
	[dreg:$0x12] =	wrdreg s26  }
0x19: {  	s17 =	simm.s32 $0xC80;
	s19 =	sadd.s32 s10, s9;
	[dreg:$0x17] =	wrdreg s11  }
0x1a: {  	s0 =	sadd.s32 s7, s6;
	s20 =	sadd.s32 s10, s13;
	[dreg:$0x1a] =	wrdreg s19  }
0x1b: {  	s6 =	sadd.s32 $0x5B600, s6;
	s21 =	sadd.s32 s10, s8;
	[dreg:$0x1b] =	wrdreg s20  }
0x1c: {  	s2 =	sadd.s32 s7, s2;
	s7 =	sshrl.u32 s22, $0x3;
	[dreg:$0x1c] =	wrdreg s21  }
0x1d: {  	s22 =	simm.s32 $0x580;
	s24 =	simm.s32 $0x1000;
	[dreg:$0x5] =	wrdreg s2  }
0x1e: {  	s26 =	simm.s32 $0x800;
	s25 =	sadd.s32 s10, s7;
	[dreg:$0xf] =	wrdreg s22  }
0x1f: {  	s14 =	simm.s32 $0xB00;
	s10 =	sadd.s32 s10, s5;
	[dreg:$0x1d] =	wrdreg s25  }
0x20: {  	s9 =	sadd.s32 s6, s9;
	s18 =	sadd.s32 s6, s13;
	[dreg:$0x1e] =	wrdreg s10  }
0x21: {  	s19 =	simm.s32 $0x400;
	s8 =	sadd.s32 s6, s8;
	[dreg:$0x1f] =	wrdreg s9  }
0x22: {  	s20 =	simm.s32 $0x480;
	s7 =	sadd.s32 s6, s7;
	[smem:$0x7F8] =	sst s18  }
0x23: {  	s21 =	simm.s32 $0x500;
	s5 =	sadd.s32 s6, s5;
	[smem:$0x7F9] =	sst s8  }
0x24: {  	s23 =	sadd.s32 $0x1600, s0;
	s2 =	simm.s32 $0x880;
	[dreg:$0xc] =	wrdreg s19  }
0x25: {  	s0 =	simm.s32 $0x900;
	s6 =	simm.s32 $0x980;
	[smem:$0x7FA] =	sst s7  }
0x26: {  	s13 =	simm.s32 $0xA80;
	s22 =	simm.s32 $0x780;
	[dreg:$0xd] =	wrdreg s20  }
0x27: {  	s9 =	smov.u32 s15;
	s15 =	simm.s32 $0x380;
	[smem:$0x7FB] =	sst s5  }
0x28: {  	[dreg:$0xe] =	wrdreg s21;
	s10 =	smov.u32 s16;
	s25 =	simm.s32 $0x680  }
0x29: {  	s16 =	simm.s32 $0xC00;
	s18 =	simm.s32 $0xD00;
	[dreg:$0xb] =	wrdreg s15  }
0x2a: {  	s19 =	simm.s32 $0xD80;
	s8 =	simm.s32 $0x0;
	[dreg:$0x11] =	wrdreg s25  }
0x2b: {  	s20 =	simm.s32 $0xE00;
	s21 =	simm.s32 $0xE80;
	[smem:$0x7FD] =	sst s8  }
0x2c: {  	s5 =	simm.s32 $0xF00;
	s7 =	simm.s32 $0xF80;
	[dreg:$0x15] =	wrdreg s9  }
0x2d: {  	s25 =	simm.s32 $0x3;
	s15 =	simm.s32 $0xB80;
	[dreg:$0x16] =	wrdreg s10  }
.LBB2_1:
0x2e: {  	s8 =	rddreg [dreg:$0x13]  }
0x2f: {  	[tilespmem:s24], [sflag:$0x3] =	stream.linear.gather [hbm4b:s8+s4], $0x4000, $0x38;
	[tilespmem:$0x1CC00] =	vst v63  }
0x30: {  	_ =	swait.ge [sflag:s25], $0x4000  }
0x31: {  	[sflag:s25] =	ssyncset.done $0x0  }
0x32: {  	[sflag:s25] =	ssyncadd.s32 $0xFFFFC000  }
0x33: {  	[spmem:s9] =	stream.linear.scatter [tilespmem:s24], [sflag:$0x3], $0x4000, $0x38;
	[tilespmem:$0x1CC00] =	vst v63  }
0x34: {  	_ =	swait.ge [sflag:s25], $0x4000  }
0x35: {  	[sflag:s25] =	ssyncset.done $0x0  }
0x36: {  	[sflag:s25] =	ssyncadd.s32 $0xFFFFC000  }
0x37: {  	[spmem:s10] =	stream.linear.scatter [tilespmem:s24], [sflag:$0x3], $0x4000, $0x38;
	[tilespmem:$0x1CC00] =	vst v63  }
0x38: {  	_ =	swait.ge [sflag:s25], $0x4000  }
0x39: {  	[sflag:s25] =	ssyncset.done $0x0  }
0x3a: {  	[sflag:s25] =	ssyncadd.s32 $0xFFFFC000  }
0x3b: {  	[spmem:s11] =	stream.linear.scatter [tilespmem:s24], [sflag:$0x3], $0x4000, $0x38;
	[tilespmem:$0x1CC00] =	vst v63  }
0x3c: {  	_ =	swait.ge [sflag:s25], $0x4000  }
0x3d: {  	[sflag:s25] =	ssyncset.done $0x0  }
0x3e: {  	s10 =	rddreg [dreg:$0x18];
	[sflag:s25] =	ssyncadd.s32 $0xFFFFC000  }
0x3f: {  	[spmem:s10] =	stream.linear.scatter [tilespmem:s24], [sflag:$0x3], $0x4000, $0x38;
	[tilespmem:$0x1CC00] =	vst v63  }
0x40: {  	_ =	swait.ge [sflag:s25], $0x4000  }
0x41: {  	[sflag:s25] =	ssyncset.done $0x0  }
0x42: {  	s11 =	rddreg [dreg:$0x19];
	[sflag:s25] =	ssyncadd.s32 $0xFFFFC000  }
0x43: {  	[spmem:s11] =	stream.linear.scatter [tilespmem:s24], [sflag:$0x3], $0x3C00, $0x38;
	[tilespmem:$0x1CC00] =	vst v63  }
0x44: {  	_ =	swait.ge [sflag:s25], $0x3C00  }
0x45: {  	[sflag:s25] =	ssyncset.done $0x0  }
0x46: {  	[sflag:s25] =	ssyncadd.s32 $0xFFFFC400  }
0x47: {  	[bflag:$0x0] =	sbarrier.arrive $0xFFFF  }
0x48: {  	s8 =	rddreg [dreg:$0x5]  }
0x49: {  	s9 =	sadd.s32 $0x0, s8  }
0x4a: {  	[tilespmem:s4], [sflag:$0x3] =	stream.linear.gather [hbm4b:s9+s4], $0x800, $0x38;
	[tilespmem:$0x1CC00] =	vst v63  }
0x4b: {  	_ =	swait.ge [sflag:s25], $0x800  }
0x4c: {  	[sflag:s25] =	ssyncset.done $0x0  }
0x4d: {  	s10 =	sadd.s32 $0x0, s23;
	[sflag:s25] =	ssyncadd.s32 $0xFFFFF800  }
0x4e: {  	[tilespmem:s26], [sflag:$0x3] =	stream.linear.gather [hbm4b:s10+s4], $0x800, $0x38;
	[tilespmem:$0x1CC00] =	vst v63  }
0x4f: {  	_ =	swait.ge [sflag:s25], $0x800  }
0x50: {  	[sflag:s25] =	ssyncset.done $0x0  }
0x51: {  	[sflag:s25] =	ssyncadd.s32 $0xFFFFF800  }
0x52: {  	[tilespmem:s24], [sflag:$0x1] =	stream.indirect.gather [hbm4b:s1+s28], $0x80, s4, s28, $0xb8;
	[tilespmem:$0x1CC00] =	vst v63  }
0x53: {  	_ = 	snop  }
0x54: {  	[tilespmem:s29], [sflag:$0x2] =	stream.indirect.gather [hbm4b:s1+s28], $0x80, s28, s28, $0xb8;
	[tilespmem:$0x1CC00] =	vst v63  }
0x55: {  	_ =	swait.ge [sflag:s30], $0x4000  }
0x56: {  	[sflag:s30] =	ssyncset.done $0x0  }
0x57: {  	[sflag:s30] =	ssyncadd.s32 $0xFFFFC000  }
0x58: {  	[spmem:s3] =	stream.indirect.scatter.add.f32 [tilespmem:s24], [sflag:$0x3], $0x80, s26, s28, $0xb8;
	[tilespmem:$0x1CC00] =	vst v63  }
0x59: {  	_ =	swait.ge [sflag:s25], $0x4000  }
0x5a: {  	[sflag:s25] =	ssyncset.done $0x0  }
0x5b: {  	s11 =	rddreg [dreg:$0x6];
	[sflag:s25] =	ssyncadd.s32 $0xFFFFC000  }
0x5c: {  	[tilespmem:s24], [sflag:$0x1] =	stream.indirect.gather [hbm4b:s1+s28], $0x80, s11, s28, $0xb8;
	[tilespmem:$0x1CC00] =	vst v63  }
0x5d: {  	_ =	swait.ge [sflag:s31], $0x4000  }
0x5e: {  	[sflag:s31] =	ssyncset.done $0x0  }
0x5f: {  	[sflag:s31] =	ssyncadd.s32 $0xFFFFC000  }
0x60: {  	[spmem:s3] =	stream.indirect.scatter.add.f32 [tilespmem:s29], [sflag:$0x3], $0x80, s2, s28, $0xb8;
	[tilespmem:$0x1CC00] =	vst v63  }
0x61: {  	_ =	swait.ge [sflag:s25], $0x4000  }
0x62: {  	[sflag:s25] =	ssyncset.done $0x0  }
0x63: {  	s8 =	rddreg [dreg:$0x7];
	[sflag:s25] =	ssyncadd.s32 $0xFFFFC000  }
0x64: {  	[tilespmem:s29], [sflag:$0x2] =	stream.indirect.gather [hbm4b:s1+s28], $0x80, s8, s28, $0xb8;
	[tilespmem:$0x1CC00] =	vst v63  }
0x65: {  	_ =	swait.ge [sflag:s30], $0x4000  }
0x66: {  	[sflag:s30] =	ssyncset.done $0x0  }
0x67: {  	[sflag:s30] =	ssyncadd.s32 $0xFFFFC000  }
0x68: {  	[spmem:s3] =	stream.indirect.scatter.add.f32 [tilespmem:s24], [sflag:$0x3], $0x80, s0, s28, $0xb8;
	[tilespmem:$0x1CC00] =	vst v63  }
0x69: {  	_ =	swait.ge [sflag:s25], $0x4000  }
0x6a: {  	[sflag:s25] =	ssyncset.done $0x0  }
0x6b: {  	s10 =	rddreg [dreg:$0x8];
	[sflag:s25] =	ssyncadd.s32 $0xFFFFC000  }
0x6c: {  	[tilespmem:s24], [sflag:$0x1] =	stream.indirect.gather [hbm4b:s1+s28], $0x80, s10, s28, $0xb8;
	[tilespmem:$0x1CC00] =	vst v63  }
0x6d: {  	_ =	swait.ge [sflag:s31], $0x4000  }
0x6e: {  	[sflag:s31] =	ssyncset.done $0x0  }
0x6f: {  	[sflag:s31] =	ssyncadd.s32 $0xFFFFC000  }
0x70: {  	[spmem:s3] =	stream.indirect.scatter.add.f32 [tilespmem:s29], [sflag:$0x3], $0x80, s6, s28, $0xb8;
	[tilespmem:$0x1CC00] =	vst v63  }
0x71: {  	_ =	swait.ge [sflag:s25], $0x4000  }
0x72: {  	[sflag:s25] =	ssyncset.done $0x0  }
0x73: {  	s11 =	rddreg [dreg:$0x9];
	[sflag:s25] =	ssyncadd.s32 $0xFFFFC000  }
0x74: {  	[tilespmem:s29], [sflag:$0x2] =	stream.indirect.gather [hbm4b:s1+s28], $0x80, s11, s28, $0xb8;
	[tilespmem:$0x1CC00] =	vst v63  }
0x75: {  	_ =	swait.ge [sflag:s30], $0x4000  }
0x76: {  	[sflag:s30] =	ssyncset.done $0x0  }
0x77: {  	[sflag:s30] =	ssyncadd.s32 $0xFFFFC000  }
0x78: {  	[spmem:s3] =	stream.indirect.scatter.add.f32 [tilespmem:s24], [sflag:$0x3], $0x80, s12, s28, $0xb8;
	[tilespmem:$0x1CC00] =	vst v63  }
0x79: {  	_ =	swait.ge [sflag:s25], $0x4000  }
0x7a: {  	[sflag:s25] =	ssyncset.done $0x0  }
0x7b: {  	s8 =	rddreg [dreg:$0xa];
	[sflag:s25] =	ssyncadd.s32 $0xFFFFC000  }
0x7c: {  	[tilespmem:s24], [sflag:$0x1] =	stream.indirect.gather [hbm4b:s1+s28], $0x80, s8, s28, $0xb8;
	[tilespmem:$0x1CC00] =	vst v63  }
0x7d: {  	_ =	swait.ge [sflag:s31], $0x4000  }
0x7e: {  	[sflag:s31] =	ssyncset.done $0x0  }
0x7f: {  	[sflag:s31] =	ssyncadd.s32 $0xFFFFC000  }
0x80: {  	[spmem:s3] =	stream.indirect.scatter.add.f32 [tilespmem:s29], [sflag:$0x3], $0x80, s13, s28, $0xb8;
	[tilespmem:$0x1CC00] =	vst v63  }
0x81: {  	_ =	swait.ge [sflag:s25], $0x4000  }
0x82: {  	[sflag:s25] =	ssyncset.done $0x0  }
0x83: {  	s10 =	rddreg [dreg:$0xb];
	[sflag:s25] =	ssyncadd.s32 $0xFFFFC000  }
0x84: {  	[tilespmem:s29], [sflag:$0x2] =	stream.indirect.gather [hbm4b:s1+s28], $0x80, s10, s28, $0xb8;
	[tilespmem:$0x1CC00] =	vst v63  }
0x85: {  	_ =	swait.ge [sflag:s30], $0x4000  }
0x86: {  	[sflag:s30] =	ssyncset.done $0x0  }
0x87: {  	[sflag:s30] =	ssyncadd.s32 $0xFFFFC000  }
0x88: {  	[spmem:s3] =	stream.indirect.scatter.add.f32 [tilespmem:s24], [sflag:$0x3], $0x80, s14, s28, $0xb8;
	[tilespmem:$0x1CC00] =	vst v63  }
0x89: {  	_ =	swait.ge [sflag:s25], $0x4000  }
0x8a: {  	[sflag:s25] =	ssyncset.done $0x0  }
0x8b: {  	s11 =	rddreg [dreg:$0xc];
	[sflag:s25] =	ssyncadd.s32 $0xFFFFC000  }
0x8c: {  	[tilespmem:s24], [sflag:$0x1] =	stream.indirect.gather [hbm4b:s1+s28], $0x80, s11, s28, $0xb8;
	[tilespmem:$0x1CC00] =	vst v63  }
0x8d: {  	_ =	swait.ge [sflag:s31], $0x4000  }
0x8e: {  	[sflag:s31] =	ssyncset.done $0x0  }
0x8f: {  	[sflag:s31] =	ssyncadd.s32 $0xFFFFC000  }
0x90: {  	[spmem:s3] =	stream.indirect.scatter.add.f32 [tilespmem:s29], [sflag:$0x3], $0x80, s15, s28, $0xb8;
	[tilespmem:$0x1CC00] =	vst v63  }
0x91: {  	_ =	swait.ge [sflag:s25], $0x4000  }
0x92: {  	[sflag:s25] =	ssyncset.done $0x0  }
0x93: {  	s8 =	rddreg [dreg:$0xd];
	[sflag:s25] =	ssyncadd.s32 $0xFFFFC000  }
0x94: {  	[tilespmem:s29], [sflag:$0x2] =	stream.indirect.gather [hbm4b:s1+s28], $0x80, s8, s28, $0xb8;
	[tilespmem:$0x1CC00] =	vst v63  }
0x95: {  	_ =	swait.ge [sflag:s30], $0x4000  }
0x96: {  	[sflag:s30] =	ssyncset.done $0x0  }
0x97: {  	[sflag:s30] =	ssyncadd.s32 $0xFFFFC000  }
0x98: {  	[spmem:s3] =	stream.indirect.scatter.add.f32 [tilespmem:s24], [sflag:$0x3], $0x80, s16, s28, $0xb8;
	[tilespmem:$0x1CC00] =	vst v63  }
0x99: {  	_ =	swait.ge [sflag:s25], $0x4000  }
0x9a: {  	[sflag:s25] =	ssyncset.done $0x0  }
0x9b: {  	s10 =	rddreg [dreg:$0xe];
	[sflag:s25] =	ssyncadd.s32 $0xFFFFC000  }
0x9c: {  	[tilespmem:s24], [sflag:$0x1] =	stream.indirect.gather [hbm4b:s1+s28], $0x80, s10, s28, $0xb8;
	[tilespmem:$0x1CC00] =	vst v63  }
0x9d: {  	_ =	swait.ge [sflag:s31], $0x4000  }
0x9e: {  	[sflag:s31] =	ssyncset.done $0x0  }
0x9f: {  	[sflag:s31] =	ssyncadd.s32 $0xFFFFC000  }
0xa0: {  	[spmem:s3] =	stream.indirect.scatter.add.f32 [tilespmem:s29], [sflag:$0x3], $0x80, s17, s28, $0xb8;
	[tilespmem:$0x1CC00] =	vst v63  }
0xa1: {  	_ =	swait.ge [sflag:s25], $0x4000  }
0xa2: {  	[sflag:s25] =	ssyncset.done $0x0  }
0xa3: {  	s11 =	rddreg [dreg:$0xf];
	[sflag:s25] =	ssyncadd.s32 $0xFFFFC000  }
0xa4: {  	[tilespmem:s29], [sflag:$0x2] =	stream.indirect.gather [hbm4b:s1+s28], $0x80, s11, s28, $0xb8;
	[tilespmem:$0x1CC00] =	vst v63  }
0xa5: {  	_ =	swait.ge [sflag:s30], $0x4000  }
0xa6: {  	[sflag:s30] =	ssyncset.done $0x0  }
0xa7: {  	[sflag:s30] =	ssyncadd.s32 $0xFFFFC000  }
0xa8: {  	[spmem:s3] =	stream.indirect.scatter.add.f32 [tilespmem:s24], [sflag:$0x3], $0x80, s18, s28, $0xb8;
	[tilespmem:$0x1CC00] =	vst v63  }
0xa9: {  	_ =	swait.ge [sflag:s25], $0x4000  }
0xaa: {  	[sflag:s25] =	ssyncset.done $0x0  }
0xab: {  	s8 =	rddreg [dreg:$0x10];
	[sflag:s25] =	ssyncadd.s32 $0xFFFFC000  }
0xac: {  	[tilespmem:s24], [sflag:$0x1] =	stream.indirect.gather [hbm4b:s1+s28], $0x80, s8, s28, $0xb8;
	[tilespmem:$0x1CC00] =	vst v63  }
0xad: {  	_ =	swait.ge [sflag:s31], $0x4000  }
0xae: {  	[sflag:s31] =	ssyncset.done $0x0  }
0xaf: {  	[sflag:s31] =	ssyncadd.s32 $0xFFFFC000  }
0xb0: {  	[spmem:s3] =	stream.indirect.scatter.add.f32 [tilespmem:s29], [sflag:$0x3], $0x80, s19, s28, $0xb8;
	[tilespmem:$0x1CC00] =	vst v63  }
0xb1: {  	_ =	swait.ge [sflag:s25], $0x4000  }
0xb2: {  	[sflag:s25] =	ssyncset.done $0x0  }
0xb3: {  	s10 =	rddreg [dreg:$0x11];
	[sflag:s25] =	ssyncadd.s32 $0xFFFFC000  }
0xb4: {  	[tilespmem:s29], [sflag:$0x2] =	stream.indirect.gather [hbm4b:s1+s28], $0x80, s10, s28, $0xb8;
	[tilespmem:$0x1CC00] =	vst v63  }
0xb5: {  	_ =	swait.ge [sflag:s30], $0x4000  }
0xb6: {  	[sflag:s30] =	ssyncset.done $0x0  }
0xb7: {  	[sflag:s30] =	ssyncadd.s32 $0xFFFFC000  }
0xb8: {  	[spmem:s3] =	stream.indirect.scatter.add.f32 [tilespmem:s24], [sflag:$0x3], $0x80, s20, s28, $0xb8;
	[tilespmem:$0x1CC00] =	vst v63  }
0xb9: {  	_ =	swait.ge [sflag:s25], $0x4000  }
0xba: {  	[sflag:s25] =	ssyncset.done $0x0  }
0xbb: {  	s11 =	rddreg [dreg:$0x12];
	[sflag:s25] =	ssyncadd.s32 $0xFFFFC000  }
0xbc: {  	[tilespmem:s24], [sflag:$0x1] =	stream.indirect.gather [hbm4b:s1+s28], $0x80, s11, s28, $0xb8;
	[tilespmem:$0x1CC00] =	vst v63  }
0xbd: {  	_ =	swait.ge [sflag:s31], $0x4000  }
0xbe: {  	[sflag:s31] =	ssyncset.done $0x0  }
0xbf: {  	[sflag:s31] =	ssyncadd.s32 $0xFFFFC000  }
0xc0: {  	[spmem:s3] =	stream.indirect.scatter.add.f32 [tilespmem:s29], [sflag:$0x3], $0x80, s21, s28, $0xb8;
	[tilespmem:$0x1CC00] =	vst v63  }
0xc1: {  	_ =	swait.ge [sflag:s25], $0x4000  }
0xc2: {  	[sflag:s25] =	ssyncset.done $0x0  }
0xc3: {  	[sflag:s25] =	ssyncadd.s32 $0xFFFFC000  }
0xc4: {  	[tilespmem:s29], [sflag:$0x2] =	stream.indirect.gather [hbm4b:s1+s28], $0x80, s22, s28, $0xb8;
	[tilespmem:$0x1CC00] =	vst v63  }
0xc5: {  	_ =	swait.ge [sflag:s30], $0x4000  }
0xc6: {  	[sflag:s30] =	ssyncset.done $0x0  }
0xc7: {  	[sflag:s30] =	ssyncadd.s32 $0xFFFFC000  }
0xc8: {  	[spmem:s3] =	stream.indirect.scatter.add.f32 [tilespmem:s24], [sflag:$0x3], $0x80, s5, s28, $0xb8;
	[tilespmem:$0x1CC00] =	vst v63  }
0xc9: {  	_ =	swait.ge [sflag:s25], $0x4000  }
0xca: {  	[sflag:s25] =	ssyncset.done $0x0  }
0xcb: {  	[sflag:s25] =	ssyncadd.s32 $0xFFFFC000  }
0xcc: {  	_ =	swait.ge [sflag:s31], $0x4000  }
0xcd: {  	[sflag:s31] =	ssyncset.done $0x0  }
0xce: {  	[sflag:s31] =	ssyncadd.s32 $0xFFFFC000  }
0xcf: {  	[spmem:s3] =	stream.indirect.scatter.add.f32 [tilespmem:s29], [sflag:$0x3], $0x80, s7, s28, $0xb8;
	[tilespmem:$0x1CC00] =	vst v63  }
0xd0: {  	s9 =	simm.s32 $0x100;
	_ =	swait.ge [sflag:s25], $0x4000  }
0xd1: {  	s10 =	simm.s32 $0x200;
	s11 =	rddreg [dreg:$0x5];
	[sflag:s25] =	ssyncset.done $0x0  }
.LBB2_2:
0xd2: {  	[sflag:s25] =	ssyncadd.s32 $0xFFFFC000;
	s11 =	sadd.s32 s9, s11  }
0xd3: {  	[tilespmem:s4], [sflag:$0x3] =	stream.linear.gather [hbm4b:s11+s4], $0x800, $0x38;
	[tilespmem:$0x1CC00] =	vst v63  }
0xd4: {  	_ =	swait.ge [sflag:s25], $0x800  }
0xd5: {  	[sflag:s25] =	ssyncset.done $0x0  }
0xd6: {  	s11 =	sadd.s32 s9, s23;
	[sflag:s25] =	ssyncadd.s32 $0xFFFFF800  }
0xd7: {  	[tilespmem:s26], [sflag:$0x3] =	stream.linear.gather [hbm4b:s11+s4], $0x800, $0x38;
	[tilespmem:$0x1CC00] =	vst v63  }
0xd8: {  	_ =	swait.ge [sflag:s25], $0x800  }
0xd9: {  	[sflag:s25] =	ssyncset.done $0x0  }
0xda: {  	[sflag:s25] =	ssyncadd.s32 $0xFFFFF800  }
0xdb: {  	[tilespmem:s24], [sflag:$0x1] =	stream.indirect.gather [hbm4b:s1+s28], $0x80, s4, s28, $0xb8;
	[tilespmem:$0x1CC00] =	vst v63  }
0xdc: {  	_ = 	snop  }
0xdd: {  	[tilespmem:s29], [sflag:$0x2] =	stream.indirect.gather [hbm4b:s1+s28], $0x80, s28, s28, $0xb8;
	[tilespmem:$0x1CC00] =	vst v63  }
0xde: {  	_ =	swait.ge [sflag:s30], $0x4000  }
0xdf: {  	[sflag:s30] =	ssyncset.done $0x0  }
0xe0: {  	[sflag:s30] =	ssyncadd.s32 $0xFFFFC000  }
0xe1: {  	[spmem:s3] =	stream.indirect.scatter.add.f32 [tilespmem:s24], [sflag:$0x3], $0x80, s26, s28, $0xb8;
	[tilespmem:$0x1CC00] =	vst v63  }
0xe2: {  	_ =	swait.ge [sflag:s25], $0x4000  }
0xe3: {  	[sflag:s25] =	ssyncset.done $0x0  }
0xe4: {  	s11 =	rddreg [dreg:$0x6];
	[sflag:s25] =	ssyncadd.s32 $0xFFFFC000  }
0xe5: {  	[tilespmem:s24], [sflag:$0x1] =	stream.indirect.gather [hbm4b:s1+s28], $0x80, s11, s28, $0xb8;
	[tilespmem:$0x1CC00] =	vst v63  }
0xe6: {  	_ =	swait.ge [sflag:s31], $0x4000  }
0xe7: {  	[sflag:s31] =	ssyncset.done $0x0  }
0xe8: {  	[sflag:s31] =	ssyncadd.s32 $0xFFFFC000  }
0xe9: {  	[spmem:s3] =	stream.indirect.scatter.add.f32 [tilespmem:s29], [sflag:$0x3], $0x80, s2, s28, $0xb8;
	[tilespmem:$0x1CC00] =	vst v63  }
0xea: {  	_ =	swait.ge [sflag:s25], $0x4000  }
0xeb: {  	[sflag:s25] =	ssyncset.done $0x0  }
0xec: {  	s11 =	rddreg [dreg:$0x7];
	[sflag:s25] =	ssyncadd.s32 $0xFFFFC000  }
0xed: {  	[tilespmem:s29], [sflag:$0x2] =	stream.indirect.gather [hbm4b:s1+s28], $0x80, s11, s28, $0xb8;
	[tilespmem:$0x1CC00] =	vst v63  }
0xee: {  	_ =	swait.ge [sflag:s30], $0x4000  }
0xef: {  	[sflag:s30] =	ssyncset.done $0x0  }
0xf0: {  	[sflag:s30] =	ssyncadd.s32 $0xFFFFC000  }
0xf1: {  	[spmem:s3] =	stream.indirect.scatter.add.f32 [tilespmem:s24], [sflag:$0x3], $0x80, s0, s28, $0xb8;
	[tilespmem:$0x1CC00] =	vst v63  }
0xf2: {  	_ =	swait.ge [sflag:s25], $0x4000  }
0xf3: {  	[sflag:s25] =	ssyncset.done $0x0  }
0xf4: {  	s11 =	rddreg [dreg:$0x8];
	[sflag:s25] =	ssyncadd.s32 $0xFFFFC000  }
0xf5: {  	[tilespmem:s24], [sflag:$0x1] =	stream.indirect.gather [hbm4b:s1+s28], $0x80, s11, s28, $0xb8;
	[tilespmem:$0x1CC00] =	vst v63  }
0xf6: {  	_ =	swait.ge [sflag:s31], $0x4000  }
0xf7: {  	[sflag:s31] =	ssyncset.done $0x0  }
0xf8: {  	[sflag:s31] =	ssyncadd.s32 $0xFFFFC000  }
0xf9: {  	[spmem:s3] =	stream.indirect.scatter.add.f32 [tilespmem:s29], [sflag:$0x3], $0x80, s6, s28, $0xb8;
	[tilespmem:$0x1CC00] =	vst v63  }
0xfa: {  	_ =	swait.ge [sflag:s25], $0x4000  }
0xfb: {  	[sflag:s25] =	ssyncset.done $0x0  }
0xfc: {  	s11 =	rddreg [dreg:$0x9];
	[sflag:s25] =	ssyncadd.s32 $0xFFFFC000  }
0xfd: {  	[tilespmem:s29], [sflag:$0x2] =	stream.indirect.gather [hbm4b:s1+s28], $0x80, s11, s28, $0xb8;
	[tilespmem:$0x1CC00] =	vst v63  }
0xfe: {  	_ =	swait.ge [sflag:s30], $0x4000  }
0xff: {  	[sflag:s30] =	ssyncset.done $0x0  }
0x100: {  	[sflag:s30] =	ssyncadd.s32 $0xFFFFC000  }
0x101: {  	[spmem:s3] =	stream.indirect.scatter.add.f32 [tilespmem:s24], [sflag:$0x3], $0x80, s12, s28, $0xb8;
	[tilespmem:$0x1CC00] =	vst v63  }
0x102: {  	_ =	swait.ge [sflag:s25], $0x4000  }
0x103: {  	[sflag:s25] =	ssyncset.done $0x0  }
0x104: {  	s11 =	rddreg [dreg:$0xa];
	[sflag:s25] =	ssyncadd.s32 $0xFFFFC000  }
0x105: {  	[tilespmem:s24], [sflag:$0x1] =	stream.indirect.gather [hbm4b:s1+s28], $0x80, s11, s28, $0xb8;
	[tilespmem:$0x1CC00] =	vst v63  }
0x106: {  	_ =	swait.ge [sflag:s31], $0x4000  }
0x107: {  	[sflag:s31] =	ssyncset.done $0x0  }
0x108: {  	[sflag:s31] =	ssyncadd.s32 $0xFFFFC000  }
0x109: {  	[spmem:s3] =	stream.indirect.scatter.add.f32 [tilespmem:s29], [sflag:$0x3], $0x80, s13, s28, $0xb8;
	[tilespmem:$0x1CC00] =	vst v63  }
0x10a: {  	_ =	swait.ge [sflag:s25], $0x4000  }
0x10b: {  	[sflag:s25] =	ssyncset.done $0x0  }
0x10c: {  	s11 =	rddreg [dreg:$0xb];
	[sflag:s25] =	ssyncadd.s32 $0xFFFFC000  }
0x10d: {  	[tilespmem:s29], [sflag:$0x2] =	stream.indirect.gather [hbm4b:s1+s28], $0x80, s11, s28, $0xb8;
	[tilespmem:$0x1CC00] =	vst v63  }
0x10e: {  	_ =	swait.ge [sflag:s30], $0x4000  }
0x10f: {  	[sflag:s30] =	ssyncset.done $0x0  }
0x110: {  	[sflag:s30] =	ssyncadd.s32 $0xFFFFC000  }
0x111: {  	[spmem:s3] =	stream.indirect.scatter.add.f32 [tilespmem:s24], [sflag:$0x3], $0x80, s14, s28, $0xb8;
	[tilespmem:$0x1CC00] =	vst v63  }
0x112: {  	_ =	swait.ge [sflag:s25], $0x4000  }
0x113: {  	[sflag:s25] =	ssyncset.done $0x0  }
0x114: {  	s11 =	rddreg [dreg:$0xc];
	[sflag:s25] =	ssyncadd.s32 $0xFFFFC000  }
0x115: {  	[tilespmem:s24], [sflag:$0x1] =	stream.indirect.gather [hbm4b:s1+s28], $0x80, s11, s28, $0xb8;
	[tilespmem:$0x1CC00] =	vst v63  }
0x116: {  	_ =	swait.ge [sflag:s31], $0x4000  }
0x117: {  	[sflag:s31] =	ssyncset.done $0x0  }
0x118: {  	[sflag:s31] =	ssyncadd.s32 $0xFFFFC000  }
0x119: {  	[spmem:s3] =	stream.indirect.scatter.add.f32 [tilespmem:s29], [sflag:$0x3], $0x80, s15, s28, $0xb8;
	[tilespmem:$0x1CC00] =	vst v63  }
0x11a: {  	_ =	swait.ge [sflag:s25], $0x4000  }
0x11b: {  	[sflag:s25] =	ssyncset.done $0x0  }
0x11c: {  	s11 =	rddreg [dreg:$0xd];
	[sflag:s25] =	ssyncadd.s32 $0xFFFFC000  }
0x11d: {  	[tilespmem:s29], [sflag:$0x2] =	stream.indirect.gather [hbm4b:s1+s28], $0x80, s11, s28, $0xb8;
	[tilespmem:$0x1CC00] =	vst v63  }
0x11e: {  	_ =	swait.ge [sflag:s30], $0x4000  }
0x11f: {  	[sflag:s30] =	ssyncset.done $0x0  }
0x120: {  	[sflag:s30] =	ssyncadd.s32 $0xFFFFC000  }
0x121: {  	[spmem:s3] =	stream.indirect.scatter.add.f32 [tilespmem:s24], [sflag:$0x3], $0x80, s16, s28, $0xb8;
	[tilespmem:$0x1CC00] =	vst v63  }
0x122: {  	_ =	swait.ge [sflag:s25], $0x4000  }
0x123: {  	[sflag:s25] =	ssyncset.done $0x0  }
0x124: {  	s11 =	rddreg [dreg:$0xe];
	[sflag:s25] =	ssyncadd.s32 $0xFFFFC000  }
0x125: {  	[tilespmem:s24], [sflag:$0x1] =	stream.indirect.gather [hbm4b:s1+s28], $0x80, s11, s28, $0xb8;
	[tilespmem:$0x1CC00] =	vst v63  }
0x126: {  	_ =	swait.ge [sflag:s31], $0x4000  }
0x127: {  	[sflag:s31] =	ssyncset.done $0x0  }
0x128: {  	[sflag:s31] =	ssyncadd.s32 $0xFFFFC000  }
0x129: {  	[spmem:s3] =	stream.indirect.scatter.add.f32 [tilespmem:s29], [sflag:$0x3], $0x80, s17, s28, $0xb8;
	[tilespmem:$0x1CC00] =	vst v63  }
0x12a: {  	_ =	swait.ge [sflag:s25], $0x4000  }
0x12b: {  	[sflag:s25] =	ssyncset.done $0x0  }
0x12c: {  	s11 =	rddreg [dreg:$0xf];
	[sflag:s25] =	ssyncadd.s32 $0xFFFFC000  }
0x12d: {  	[tilespmem:s29], [sflag:$0x2] =	stream.indirect.gather [hbm4b:s1+s28], $0x80, s11, s28, $0xb8;
	[tilespmem:$0x1CC00] =	vst v63  }
0x12e: {  	_ =	swait.ge [sflag:s30], $0x4000  }
0x12f: {  	[sflag:s30] =	ssyncset.done $0x0  }
0x130: {  	[sflag:s30] =	ssyncadd.s32 $0xFFFFC000  }
0x131: {  	[spmem:s3] =	stream.indirect.scatter.add.f32 [tilespmem:s24], [sflag:$0x3], $0x80, s18, s28, $0xb8;
	[tilespmem:$0x1CC00] =	vst v63  }
0x132: {  	_ =	swait.ge [sflag:s25], $0x4000  }
0x133: {  	[sflag:s25] =	ssyncset.done $0x0  }
0x134: {  	s11 =	rddreg [dreg:$0x10];
	[sflag:s25] =	ssyncadd.s32 $0xFFFFC000  }
0x135: {  	[tilespmem:s24], [sflag:$0x1] =	stream.indirect.gather [hbm4b:s1+s28], $0x80, s11, s28, $0xb8;
	[tilespmem:$0x1CC00] =	vst v63  }
0x136: {  	_ =	swait.ge [sflag:s31], $0x4000  }
0x137: {  	[sflag:s31] =	ssyncset.done $0x0  }
0x138: {  	[sflag:s31] =	ssyncadd.s32 $0xFFFFC000  }
0x139: {  	[spmem:s3] =	stream.indirect.scatter.add.f32 [tilespmem:s29], [sflag:$0x3], $0x80, s19, s28, $0xb8;
	[tilespmem:$0x1CC00] =	vst v63  }
0x13a: {  	_ =	swait.ge [sflag:s25], $0x4000  }
0x13b: {  	[sflag:s25] =	ssyncset.done $0x0  }
0x13c: {  	s11 =	rddreg [dreg:$0x11];
	[sflag:s25] =	ssyncadd.s32 $0xFFFFC000  }
0x13d: {  	[tilespmem:s29], [sflag:$0x2] =	stream.indirect.gather [hbm4b:s1+s28], $0x80, s11, s28, $0xb8;
	[tilespmem:$0x1CC00] =	vst v63  }
0x13e: {  	_ =	swait.ge [sflag:s30], $0x4000  }
0x13f: {  	[sflag:s30] =	ssyncset.done $0x0  }
0x140: {  	[sflag:s30] =	ssyncadd.s32 $0xFFFFC000  }
0x141: {  	[spmem:s3] =	stream.indirect.scatter.add.f32 [tilespmem:s24], [sflag:$0x3], $0x80, s20, s28, $0xb8;
	[tilespmem:$0x1CC00] =	vst v63  }
0x142: {  	_ =	swait.ge [sflag:s25], $0x4000  }
0x143: {  	[sflag:s25] =	ssyncset.done $0x0  }
0x144: {  	s11 =	rddreg [dreg:$0x12];
	[sflag:s25] =	ssyncadd.s32 $0xFFFFC000  }
0x145: {  	[tilespmem:s24], [sflag:$0x1] =	stream.indirect.gather [hbm4b:s1+s28], $0x80, s11, s28, $0xb8;
	[tilespmem:$0x1CC00] =	vst v63  }
0x146: {  	_ =	swait.ge [sflag:s31], $0x4000  }
0x147: {  	[sflag:s31] =	ssyncset.done $0x0  }
0x148: {  	[sflag:s31] =	ssyncadd.s32 $0xFFFFC000  }
0x149: {  	[spmem:s3] =	stream.indirect.scatter.add.f32 [tilespmem:s29], [sflag:$0x3], $0x80, s21, s28, $0xb8;
	[tilespmem:$0x1CC00] =	vst v63  }
0x14a: {  	_ =	swait.ge [sflag:s25], $0x4000  }
0x14b: {  	[sflag:s25] =	ssyncset.done $0x0  }
0x14c: {  	[sflag:s25] =	ssyncadd.s32 $0xFFFFC000  }
0x14d: {  	[tilespmem:s29], [sflag:$0x2] =	stream.indirect.gather [hbm4b:s1+s28], $0x80, s22, s28, $0xb8;
	[tilespmem:$0x1CC00] =	vst v63  }
0x14e: {  	_ =	swait.ge [sflag:s30], $0x4000  }
0x14f: {  	[sflag:s30] =	ssyncset.done $0x0  }
0x150: {  	[sflag:s30] =	ssyncadd.s32 $0xFFFFC000  }
0x151: {  	[spmem:s3] =	stream.indirect.scatter.add.f32 [tilespmem:s24], [sflag:$0x3], $0x80, s5, s28, $0xb8;
	[tilespmem:$0x1CC00] =	vst v63  }
0x152: {  	_ =	swait.ge [sflag:s25], $0x4000  }
0x153: {  	[sflag:s25] =	ssyncset.done $0x0  }
0x154: {  	[sflag:s25] =	ssyncadd.s32 $0xFFFFC000  }
0x155: {  	p0 =	sne.s32 s10, $0x400;
	_ =	swait.ge [sflag:s31], $0x4000  }
.Ltmp0:
0x156: {  	[sflag:s31] =	ssyncset.done $0x0;
	(pc) =	sbr.rel @p0 .LBB2_2-.Ltmp0, $4  }
0x157: {  	[sflag:s31] =	ssyncadd.s32 $0xFFFFC000  }
0x158: {  	[spmem:s3] =	stream.indirect.scatter.add.f32 [tilespmem:s29], [sflag:$0x3], $0x80, s7, s28, $0xb8;
	[tilespmem:$0x1CC00] =	vst v63  }
0x159: {  	s8 =	smov.u32 s10;
	s10 =	sadd.s32 $0x100, s10;
	_ =	swait.ge [sflag:s25], $0x4000  }
0x15a: {  	s9 =	smov.u32 s8;
	s11 =	rddreg [dreg:$0x5];
	[sflag:s25] =	ssyncset.done $0x0  }
0x15b: {  	[sflag:s25] =	ssyncadd.s32 $0xFFFFC000;
	s8 =	sadd.s32 s9, s11  }
0x15c: {  	[tilespmem:s4], [sflag:$0x3] =	stream.linear.gather [hbm4b:s8+s4], $0x800, $0x38;
	[tilespmem:$0x1CC00] =	vst v63  }
0x15d: {  	_ =	swait.ge [sflag:s25], $0x800  }
0x15e: {  	[sflag:s25] =	ssyncset.done $0x0  }
0x15f: {  	s10 =	sadd.s32 s9, s23;
	[sflag:s25] =	ssyncadd.s32 $0xFFFFF800  }
0x160: {  	[tilespmem:s26], [sflag:$0x3] =	stream.linear.gather [hbm4b:s10+s4], $0x800, $0x38;
	[tilespmem:$0x1CC00] =	vst v63  }
0x161: {  	_ =	swait.ge [sflag:s25], $0x800  }
0x162: {  	[sflag:s25] =	ssyncset.done $0x0  }
0x163: {  	[sflag:s25] =	ssyncadd.s32 $0xFFFFF800  }
0x164: {  	[tilespmem:s24], [sflag:$0x1] =	stream.indirect.gather [hbm4b:s1+s28], $0x80, s4, s28, $0xb8;
	[tilespmem:$0x1CC00] =	vst v63  }
0x165: {  	_ = 	snop  }
0x166: {  	[tilespmem:s29], [sflag:$0x2] =	stream.indirect.gather [hbm4b:s1+s28], $0x80, s28, s28, $0xb8;
	[tilespmem:$0x1CC00] =	vst v63  }
0x167: {  	_ =	swait.ge [sflag:s30], $0x4000  }
0x168: {  	[sflag:s30] =	ssyncset.done $0x0  }
0x169: {  	[sflag:s30] =	ssyncadd.s32 $0xFFFFC000  }
0x16a: {  	[spmem:s3] =	stream.indirect.scatter.add.f32 [tilespmem:s24], [sflag:$0x3], $0x80, s26, s28, $0xb8;
	[tilespmem:$0x1CC00] =	vst v63  }
0x16b: {  	_ =	swait.ge [sflag:s25], $0x4000  }
0x16c: {  	[sflag:s25] =	ssyncset.done $0x0  }
0x16d: {  	s11 =	rddreg [dreg:$0x6];
	[sflag:s25] =	ssyncadd.s32 $0xFFFFC000  }
0x16e: {  	[tilespmem:s24], [sflag:$0x1] =	stream.indirect.gather [hbm4b:s1+s28], $0x80, s11, s28, $0xb8;
	[tilespmem:$0x1CC00] =	vst v63  }
0x16f: {  	_ =	swait.ge [sflag:s31], $0x4000  }
0x170: {  	[sflag:s31] =	ssyncset.done $0x0  }
0x171: {  	[sflag:s31] =	ssyncadd.s32 $0xFFFFC000  }
0x172: {  	[spmem:s3] =	stream.indirect.scatter.add.f32 [tilespmem:s29], [sflag:$0x3], $0x80, s2, s28, $0xb8;
	[tilespmem:$0x1CC00] =	vst v63  }
0x173: {  	_ =	swait.ge [sflag:s25], $0x4000  }
0x174: {  	[sflag:s25] =	ssyncset.done $0x0  }
0x175: {  	s9 =	rddreg [dreg:$0x7];
	[sflag:s25] =	ssyncadd.s32 $0xFFFFC000  }
0x176: {  	[tilespmem:s29], [sflag:$0x2] =	stream.indirect.gather [hbm4b:s1+s28], $0x80, s9, s28, $0xb8;
	[tilespmem:$0x1CC00] =	vst v63  }
0x177: {  	_ =	swait.ge [sflag:s30], $0x4000  }
0x178: {  	[sflag:s30] =	ssyncset.done $0x0  }
0x179: {  	[sflag:s30] =	ssyncadd.s32 $0xFFFFC000  }
0x17a: {  	[spmem:s3] =	stream.indirect.scatter.add.f32 [tilespmem:s24], [sflag:$0x3], $0x80, s0, s28, $0xb8;
	[tilespmem:$0x1CC00] =	vst v63  }
0x17b: {  	_ =	swait.ge [sflag:s25], $0x4000  }
0x17c: {  	[sflag:s25] =	ssyncset.done $0x0  }
0x17d: {  	s10 =	rddreg [dreg:$0x8];
	[sflag:s25] =	ssyncadd.s32 $0xFFFFC000  }
0x17e: {  	[tilespmem:s24], [sflag:$0x1] =	stream.indirect.gather [hbm4b:s1+s28], $0x80, s10, s28, $0xb8;
	[tilespmem:$0x1CC00] =	vst v63  }
0x17f: {  	_ =	swait.ge [sflag:s31], $0x4000  }
0x180: {  	[sflag:s31] =	ssyncset.done $0x0  }
0x181: {  	[sflag:s31] =	ssyncadd.s32 $0xFFFFC000  }
0x182: {  	[spmem:s3] =	stream.indirect.scatter.add.f32 [tilespmem:s29], [sflag:$0x3], $0x80, s6, s28, $0xb8;
	[tilespmem:$0x1CC00] =	vst v63  }
0x183: {  	_ =	swait.ge [sflag:s25], $0x4000  }
0x184: {  	[sflag:s25] =	ssyncset.done $0x0  }
0x185: {  	s11 =	rddreg [dreg:$0x9];
	[sflag:s25] =	ssyncadd.s32 $0xFFFFC000  }
0x186: {  	[tilespmem:s29], [sflag:$0x2] =	stream.indirect.gather [hbm4b:s1+s28], $0x80, s11, s28, $0xb8;
	[tilespmem:$0x1CC00] =	vst v63  }
0x187: {  	_ =	swait.ge [sflag:s30], $0x4000  }
0x188: {  	[sflag:s30] =	ssyncset.done $0x0  }
0x189: {  	[sflag:s30] =	ssyncadd.s32 $0xFFFFC000  }
0x18a: {  	[spmem:s3] =	stream.indirect.scatter.add.f32 [tilespmem:s24], [sflag:$0x3], $0x80, s12, s28, $0xb8;
	[tilespmem:$0x1CC00] =	vst v63  }
0x18b: {  	_ =	swait.ge [sflag:s25], $0x4000  }
0x18c: {  	[sflag:s25] =	ssyncset.done $0x0  }
0x18d: {  	s9 =	rddreg [dreg:$0xa];
	[sflag:s25] =	ssyncadd.s32 $0xFFFFC000  }
0x18e: {  	[tilespmem:s24], [sflag:$0x1] =	stream.indirect.gather [hbm4b:s1+s28], $0x80, s9, s28, $0xb8;
	[tilespmem:$0x1CC00] =	vst v63  }
0x18f: {  	_ =	swait.ge [sflag:s31], $0x4000  }
0x190: {  	[sflag:s31] =	ssyncset.done $0x0  }
0x191: {  	[sflag:s31] =	ssyncadd.s32 $0xFFFFC000  }
0x192: {  	[spmem:s3] =	stream.indirect.scatter.add.f32 [tilespmem:s29], [sflag:$0x3], $0x80, s13, s28, $0xb8;
	[tilespmem:$0x1CC00] =	vst v63  }
0x193: {  	_ =	swait.ge [sflag:s25], $0x4000  }
0x194: {  	[sflag:s25] =	ssyncset.done $0x0  }
0x195: {  	s10 =	rddreg [dreg:$0xb];
	[sflag:s25] =	ssyncadd.s32 $0xFFFFC000  }
0x196: {  	[tilespmem:s29], [sflag:$0x2] =	stream.indirect.gather [hbm4b:s1+s28], $0x80, s10, s28, $0xb8;
	[tilespmem:$0x1CC00] =	vst v63  }
0x197: {  	_ =	swait.ge [sflag:s30], $0x4000  }
0x198: {  	[sflag:s30] =	ssyncset.done $0x0  }
0x199: {  	[sflag:s30] =	ssyncadd.s32 $0xFFFFC000  }
0x19a: {  	[spmem:s3] =	stream.indirect.scatter.add.f32 [tilespmem:s24], [sflag:$0x3], $0x80, s14, s28, $0xb8;
	[tilespmem:$0x1CC00] =	vst v63  }
0x19b: {  	_ =	swait.ge [sflag:s25], $0x4000  }
0x19c: {  	[sflag:s25] =	ssyncset.done $0x0  }
0x19d: {  	s11 =	rddreg [dreg:$0xc];
	[sflag:s25] =	ssyncadd.s32 $0xFFFFC000  }
0x19e: {  	[tilespmem:s24], [sflag:$0x1] =	stream.indirect.gather [hbm4b:s1+s28], $0x80, s11, s28, $0xb8;
	[tilespmem:$0x1CC00] =	vst v63  }
0x19f: {  	_ =	swait.ge [sflag:s31], $0x4000  }
0x1a0: {  	[sflag:s31] =	ssyncset.done $0x0  }
0x1a1: {  	[sflag:s31] =	ssyncadd.s32 $0xFFFFC000  }
0x1a2: {  	[spmem:s3] =	stream.indirect.scatter.add.f32 [tilespmem:s29], [sflag:$0x3], $0x80, s15, s28, $0xb8;
	[tilespmem:$0x1CC00] =	vst v63  }
0x1a3: {  	_ =	swait.ge [sflag:s25], $0x4000  }
0x1a4: {  	[sflag:s25] =	ssyncset.done $0x0  }
0x1a5: {  	s9 =	rddreg [dreg:$0xd];
	[sflag:s25] =	ssyncadd.s32 $0xFFFFC000  }
0x1a6: {  	[tilespmem:s29], [sflag:$0x2] =	stream.indirect.gather [hbm4b:s1+s28], $0x80, s9, s28, $0xb8;
	[tilespmem:$0x1CC00] =	vst v63  }
0x1a7: {  	_ =	swait.ge [sflag:s30], $0x4000  }
0x1a8: {  	[sflag:s30] =	ssyncset.done $0x0  }
0x1a9: {  	[sflag:s30] =	ssyncadd.s32 $0xFFFFC000  }
0x1aa: {  	[spmem:s3] =	stream.indirect.scatter.add.f32 [tilespmem:s24], [sflag:$0x3], $0x80, s16, s28, $0xb8;
	[tilespmem:$0x1CC00] =	vst v63  }
0x1ab: {  	_ =	swait.ge [sflag:s25], $0x4000  }
0x1ac: {  	[sflag:s25] =	ssyncset.done $0x0  }
0x1ad: {  	s10 =	rddreg [dreg:$0xe];
	[sflag:s25] =	ssyncadd.s32 $0xFFFFC000  }
0x1ae: {  	[tilespmem:s24], [sflag:$0x1] =	stream.indirect.gather [hbm4b:s1+s28], $0x80, s10, s28, $0xb8;
	[tilespmem:$0x1CC00] =	vst v63  }
0x1af: {  	_ =	swait.ge [sflag:s31], $0x4000  }
0x1b0: {  	[sflag:s31] =	ssyncset.done $0x0  }
0x1b1: {  	[sflag:s31] =	ssyncadd.s32 $0xFFFFC000  }
0x1b2: {  	[spmem:s3] =	stream.indirect.scatter.add.f32 [tilespmem:s29], [sflag:$0x3], $0x80, s17, s28, $0xb8;
	[tilespmem:$0x1CC00] =	vst v63  }
0x1b3: {  	_ =	swait.ge [sflag:s25], $0x4000  }
0x1b4: {  	[sflag:s25] =	ssyncset.done $0x0  }
0x1b5: {  	s11 =	rddreg [dreg:$0xf];
	[sflag:s25] =	ssyncadd.s32 $0xFFFFC000  }
0x1b6: {  	[tilespmem:s29], [sflag:$0x2] =	stream.indirect.gather [hbm4b:s1+s28], $0x80, s11, s28, $0xb8;
	[tilespmem:$0x1CC00] =	vst v63  }
0x1b7: {  	_ =	swait.ge [sflag:s30], $0x4000  }
0x1b8: {  	[sflag:s30] =	ssyncset.done $0x0  }
0x1b9: {  	[sflag:s30] =	ssyncadd.s32 $0xFFFFC000  }
0x1ba: {  	[spmem:s3] =	stream.indirect.scatter.add.f32 [tilespmem:s24], [sflag:$0x3], $0x80, s18, s28, $0xb8;
	[tilespmem:$0x1CC00] =	vst v63  }
0x1bb: {  	_ =	swait.ge [sflag:s25], $0x4000  }
0x1bc: {  	[sflag:s25] =	ssyncset.done $0x0  }
0x1bd: {  	s9 =	rddreg [dreg:$0x10];
	[sflag:s25] =	ssyncadd.s32 $0xFFFFC000  }
0x1be: {  	[tilespmem:s24], [sflag:$0x1] =	stream.indirect.gather [hbm4b:s1+s28], $0x80, s9, s28, $0xb8;
	[tilespmem:$0x1CC00] =	vst v63  }
0x1bf: {  	_ =	swait.ge [sflag:s31], $0x4000  }
0x1c0: {  	[sflag:s31] =	ssyncset.done $0x0  }
0x1c1: {  	[sflag:s31] =	ssyncadd.s32 $0xFFFFC000  }
0x1c2: {  	[spmem:s3] =	stream.indirect.scatter.add.f32 [tilespmem:s29], [sflag:$0x3], $0x80, s19, s28, $0xb8;
	[tilespmem:$0x1CC00] =	vst v63  }
0x1c3: {  	_ =	swait.ge [sflag:s25], $0x4000  }
0x1c4: {  	[sflag:s25] =	ssyncset.done $0x0  }
0x1c5: {  	s10 =	rddreg [dreg:$0x11];
	[sflag:s25] =	ssyncadd.s32 $0xFFFFC000  }
0x1c6: {  	[tilespmem:s29], [sflag:$0x2] =	stream.indirect.gather [hbm4b:s1+s28], $0x80, s10, s28, $0xb8;
	[tilespmem:$0x1CC00] =	vst v63  }
0x1c7: {  	_ =	swait.ge [sflag:s30], $0x4000  }
0x1c8: {  	[sflag:s30] =	ssyncset.done $0x0  }
0x1c9: {  	[sflag:s30] =	ssyncadd.s32 $0xFFFFC000  }
0x1ca: {  	[spmem:s3] =	stream.indirect.scatter.add.f32 [tilespmem:s24], [sflag:$0x3], $0x80, s20, s28, $0xb8;
	[tilespmem:$0x1CC00] =	vst v63  }
0x1cb: {  	_ =	swait.ge [sflag:s25], $0x4000  }
0x1cc: {  	[sflag:s25] =	ssyncset.done $0x0  }
0x1cd: {  	s11 =	rddreg [dreg:$0x12];
	[sflag:s25] =	ssyncadd.s32 $0xFFFFC000  }
0x1ce: {  	[tilespmem:s24], [sflag:$0x1] =	stream.indirect.gather [hbm4b:s1+s28], $0x80, s11, s28, $0xb8;
	[tilespmem:$0x1CC00] =	vst v63  }
0x1cf: {  	_ =	swait.ge [sflag:s31], $0x4000  }
0x1d0: {  	[sflag:s31] =	ssyncset.done $0x0  }
0x1d1: {  	[sflag:s31] =	ssyncadd.s32 $0xFFFFC000  }
0x1d2: {  	[spmem:s3] =	stream.indirect.scatter.add.f32 [tilespmem:s29], [sflag:$0x3], $0x80, s21, s28, $0xb8;
	[tilespmem:$0x1CC00] =	vst v63  }
0x1d3: {  	_ =	swait.ge [sflag:s25], $0x4000  }
0x1d4: {  	[sflag:s25] =	ssyncset.done $0x0  }
0x1d5: {  	[sflag:s25] =	ssyncadd.s32 $0xFFFFC000  }
0x1d6: {  	[tilespmem:s29], [sflag:$0x2] =	stream.indirect.gather [hbm4b:s1+s28], $0x80, s22, s28, $0xb8;
	[tilespmem:$0x1CC00] =	vst v63  }
0x1d7: {  	_ =	swait.ge [sflag:s30], $0x4000  }
0x1d8: {  	[sflag:s30] =	ssyncset.done $0x0  }
0x1d9: {  	[sflag:s30] =	ssyncadd.s32 $0xFFFFC000  }
0x1da: {  	[spmem:s3] =	stream.indirect.scatter.add.f32 [tilespmem:s24], [sflag:$0x3], $0x80, s5, s28, $0xb8;
	[tilespmem:$0x1CC00] =	vst v63  }
0x1db: {  	_ =	swait.ge [sflag:s25], $0x4000  }
0x1dc: {  	[sflag:s25] =	ssyncset.done $0x0  }
0x1dd: {  	[sflag:s25] =	ssyncadd.s32 $0xFFFFC000  }
0x1de: {  	_ =	swait.ge [sflag:s31], $0x4000  }
0x1df: {  	[sflag:s31] =	ssyncset.done $0x0  }
0x1e0: {  	[sflag:s31] =	ssyncadd.s32 $0xFFFFC000  }
0x1e1: {  	[spmem:s3] =	stream.indirect.scatter.add.f32 [tilespmem:s29], [sflag:$0x3], $0x80, s7, s28, $0xb8;
	[tilespmem:$0x1CC00] =	vst v63  }
0x1e2: {  	_ =	swait.ge [sflag:s25], $0x4000  }
0x1e3: {  	[sflag:s25] =	ssyncset.done $0x0  }
0x1e4: {  	[sflag:s25] =	ssyncadd.s32 $0xFFFFC000  }
0x1e5: {  	[bflag:$0x0] =	sbarrier.arrive $0xFFFF  }
0x1e6: {  	s9 =	rddreg [dreg:$0x15]  }
0x1e7: {  	[tilespmem:s24], [sflag:$0x3] =	stream.linear.gather [spmem:s9], $0x4000, $0x38;
	[tilespmem:$0x1CC00] =	vst v63  }
0x1e8: {  	_ =	swait.ge [sflag:s25], $0x4000  }
0x1e9: {  	[sflag:s25] =	ssyncset.done $0x0  }
0x1ea: {  	s9 =	simm.s32 $0x0;
	s10 =	rddreg [dreg:$0x1a];
	[sflag:s25] =	ssyncadd.s32 $0xFFFFC000  }
0x1eb: {  	[hbm4b:s10+s9] =	stream.linear.scatter [tilespmem:s24], [sflag:$0x3], $0x4000, $0x38;
	[tilespmem:$0x1CC00] =	vst v63  }
0x1ec: {  	_ =	swait.ge [sflag:s25], $0x4000  }
0x1ed: {  	[sflag:s25] =	ssyncset.done $0x0  }
0x1ee: {  	s11 =	rddreg [dreg:$0x16];
	[sflag:s25] =	ssyncadd.s32 $0xFFFFC000  }
0x1ef: {  	[tilespmem:s24], [sflag:$0x3] =	stream.linear.gather [spmem:s11], $0x4000, $0x38;
	[tilespmem:$0x1CC00] =	vst v63  }
0x1f0: {  	_ =	swait.ge [sflag:s25], $0x4000  }
0x1f1: {  	[sflag:s25] =	ssyncset.done $0x0  }
0x1f2: {  	s10 =	rddreg [dreg:$0x1b];
	[sflag:s25] =	ssyncadd.s32 $0xFFFFC000  }
0x1f3: {  	[hbm4b:s10+s9] =	stream.linear.scatter [tilespmem:s24], [sflag:$0x3], $0x4000, $0x38;
	[tilespmem:$0x1CC00] =	vst v63  }
0x1f4: {  	_ =	swait.ge [sflag:s25], $0x4000  }
0x1f5: {  	[sflag:s25] =	ssyncset.done $0x0  }
0x1f6: {  	s11 =	rddreg [dreg:$0x17];
	[sflag:s25] =	ssyncadd.s32 $0xFFFFC000  }
0x1f7: {  	[tilespmem:s24], [sflag:$0x3] =	stream.linear.gather [spmem:s11], $0x4000, $0x38;
	[tilespmem:$0x1CC00] =	vst v63  }
0x1f8: {  	_ =	swait.ge [sflag:s25], $0x4000  }
0x1f9: {  	[sflag:s25] =	ssyncset.done $0x0  }
0x1fa: {  	s9 =	simm.s32 $0x0;
	s10 =	rddreg [dreg:$0x1c];
	[sflag:s25] =	ssyncadd.s32 $0xFFFFC000  }
0x1fb: {  	[hbm4b:s10+s9] =	stream.linear.scatter [tilespmem:s24], [sflag:$0x3], $0x4000, $0x38;
	[tilespmem:$0x1CC00] =	vst v63  }
0x1fc: {  	_ =	swait.ge [sflag:s25], $0x4000  }
0x1fd: {  	[sflag:s25] =	ssyncset.done $0x0  }
0x1fe: {  	s10 =	rddreg [dreg:$0x18];
	[sflag:s25] =	ssyncadd.s32 $0xFFFFC000  }
0x1ff: {  	[tilespmem:s24], [sflag:$0x3] =	stream.linear.gather [spmem:s10], $0x4000, $0x38;
	[tilespmem:$0x1CC00] =	vst v63  }
0x200: {  	_ =	swait.ge [sflag:s25], $0x4000  }
0x201: {  	[sflag:s25] =	ssyncset.done $0x0  }
0x202: {  	s11 =	rddreg [dreg:$0x1d];
	[sflag:s25] =	ssyncadd.s32 $0xFFFFC000  }
0x203: {  	[hbm4b:s11+s9] =	stream.linear.scatter [tilespmem:s24], [sflag:$0x3], $0x4000, $0x38;
	[tilespmem:$0x1CC00] =	vst v63  }
0x204: {  	_ =	swait.ge [sflag:s25], $0x4000  }
0x205: {  	[sflag:s25] =	ssyncset.done $0x0  }
0x206: {  	s8 =	rddreg [dreg:$0x19];
	[sflag:s25] =	ssyncadd.s32 $0xFFFFC000  }
0x207: {  	[tilespmem:s24], [sflag:$0x3] =	stream.linear.gather [spmem:s8], $0x3C00, $0x38;
	[tilespmem:$0x1CC00] =	vst v63  }
0x208: {  	_ =	swait.ge [sflag:s25], $0x3C00  }
0x209: {  	[sflag:s25] =	ssyncset.done $0x0  }
0x20a: {  	s11 =	simm.s32 $0x0;
	s9 =	rddreg [dreg:$0x1e];
	[sflag:s25] =	ssyncadd.s32 $0xFFFFC400  }
0x20b: {  	[hbm4b:s9+s11] =	stream.linear.scatter [tilespmem:s24], [sflag:$0x3], $0x3C00, $0x38;
	[tilespmem:$0x1CC00] =	vst v63  }
0x20c: {  	_ =	swait.ge [sflag:s25], $0x3C00  }
0x20d: {  	[sflag:s25] =	ssyncset.done $0x0  }
0x20e: {  	s11 =	simm.s32 $0x0;
	s9 =	rddreg [dreg:$0x13];
	[sflag:s25] =	ssyncadd.s32 $0xFFFFC400  }
0x20f: {  	[tilespmem:s24], [sflag:$0x3] =	stream.linear.gather [hbm4b:s9+s11], $0x4000, $0x38;
	[tilespmem:$0x1CC00] =	vst v63  }
0x210: {  	_ =	swait.ge [sflag:s25], $0x4000  }
0x211: {  	[sflag:s25] =	ssyncset.done $0x0  }
0x212: {  	s9 =	rddreg [dreg:$0x15];
	[sflag:s25] =	ssyncadd.s32 $0xFFFFC000  }
0x213: {  	[spmem:s9] =	stream.linear.scatter [tilespmem:s24], [sflag:$0x3], $0x4000, $0x38;
	[tilespmem:$0x1CC00] =	vst v63  }
0x214: {  	_ =	swait.ge [sflag:s25], $0x4000  }
0x215: {  	[sflag:s25] =	ssyncset.done $0x0  }
0x216: {  	s9 =	rddreg [dreg:$0x16];
	[sflag:s25] =	ssyncadd.s32 $0xFFFFC000  }
0x217: {  	[spmem:s9] =	stream.linear.scatter [tilespmem:s24], [sflag:$0x3], $0x4000, $0x38;
	[tilespmem:$0x1CC00] =	vst v63  }
0x218: {  	_ =	swait.ge [sflag:s25], $0x4000  }
0x219: {  	[sflag:s25] =	ssyncset.done $0x0  }
0x21a: {  	s9 =	rddreg [dreg:$0x17];
	[sflag:s25] =	ssyncadd.s32 $0xFFFFC000  }
0x21b: {  	[spmem:s9] =	stream.linear.scatter [tilespmem:s24], [sflag:$0x3], $0x4000, $0x38;
	[tilespmem:$0x1CC00] =	vst v63  }
0x21c: {  	_ =	swait.ge [sflag:s25], $0x4000  }
0x21d: {  	[sflag:s25] =	ssyncset.done $0x0  }
0x21e: {  	[sflag:s25] =	ssyncadd.s32 $0xFFFFC000  }
0x21f: {  	[spmem:s10] =	stream.linear.scatter [tilespmem:s24], [sflag:$0x3], $0x4000, $0x38;
	[tilespmem:$0x1CC00] =	vst v63  }
0x220: {  	_ =	swait.ge [sflag:s25], $0x4000  }
0x221: {  	[sflag:s25] =	ssyncset.done $0x0  }
0x222: {  	[sflag:s25] =	ssyncadd.s32 $0xFFFFC000  }
0x223: {  	[spmem:s8] =	stream.linear.scatter [tilespmem:s24], [sflag:$0x3], $0x3C00, $0x38;
	[tilespmem:$0x1CC00] =	vst v63  }
0x224: {  	_ =	swait.ge [sflag:s25], $0x3C00  }
0x225: {  	[sflag:s25] =	ssyncset.done $0x0  }
0x226: {  	s11 =	simm.s32 $0x0;
	s10 =	rddreg [dreg:$0x14];
	[sflag:s25] =	ssyncadd.s32 $0xFFFFC400  }
0x227: {  	[tilespmem:s29], [sflag:$0x3] =	stream.linear.gather [hbm4b:s10+s11], $0x4000, $0x38;
	[tilespmem:$0x1CC00] =	vst v63  }
0x228: {  	_ =	swait.ge [sflag:s25], $0x4000  }
0x229: {  	[sflag:s25] =	ssyncset.done $0x0  }
0x22a: {  	[sflag:s25] =	ssyncadd.s32 $0xFFFFC000  }
0x22b: {  	s11 =	sadd.s32 $0x0, s23;
	[bflag:$0x0] =	sbarrier.arrive $0xFFFF  }
0x22c: {  	[tilespmem:s26], [sflag:$0x3] =	stream.linear.gather [hbm4b:s11+s4], $0x800, $0x38;
	[tilespmem:$0x1CC00] =	vst v63  }
0x22d: {  	_ =	swait.ge [sflag:s25], $0x800  }
0x22e: {  	[sflag:s25] =	ssyncset.done $0x0  }
0x22f: {  	[sflag:s25] =	ssyncadd.s32 $0xFFFFF800  }
0x230: {  	[spmem:s3] =	stream.indirect.scatter.add.f32 [tilespmem:s29], [sflag:$0x1], $0x80, s26, s28, $0xb8;
	[tilespmem:$0x1CC00] =	vst v63  }
0x231: {  	_ = 	snop  }
0x232: {  	[spmem:s3] =	stream.indirect.scatter.add.f32 [tilespmem:s29], [sflag:$0x1], $0x80, s2, s28, $0xb8;
	[tilespmem:$0x1CC00] =	vst v63  }
0x233: {  	_ = 	snop  }
0x234: {  	[spmem:s3] =	stream.indirect.scatter.add.f32 [tilespmem:s29], [sflag:$0x1], $0x80, s0, s28, $0xb8;
	[tilespmem:$0x1CC00] =	vst v63  }
0x235: {  	_ = 	snop  }
0x236: {  	[spmem:s3] =	stream.indirect.scatter.add.f32 [tilespmem:s29], [sflag:$0x1], $0x80, s6, s28, $0xb8;
	[tilespmem:$0x1CC00] =	vst v63  }
0x237: {  	_ = 	snop  }
0x238: {  	[spmem:s3] =	stream.indirect.scatter.add.f32 [tilespmem:s29], [sflag:$0x1], $0x80, s12, s28, $0xb8;
	[tilespmem:$0x1CC00] =	vst v63  }
0x239: {  	_ = 	snop  }
0x23a: {  	[spmem:s3] =	stream.indirect.scatter.add.f32 [tilespmem:s29], [sflag:$0x1], $0x80, s13, s28, $0xb8;
	[tilespmem:$0x1CC00] =	vst v63  }
0x23b: {  	_ = 	snop  }
0x23c: {  	[spmem:s3] =	stream.indirect.scatter.add.f32 [tilespmem:s29], [sflag:$0x1], $0x80, s14, s28, $0xb8;
	[tilespmem:$0x1CC00] =	vst v63  }
0x23d: {  	_ = 	snop  }
0x23e: {  	[spmem:s3] =	stream.indirect.scatter.add.f32 [tilespmem:s29], [sflag:$0x1], $0x80, s15, s28, $0xb8;
	[tilespmem:$0x1CC00] =	vst v63  }
0x23f: {  	_ = 	snop  }
0x240: {  	[spmem:s3] =	stream.indirect.scatter.add.f32 [tilespmem:s29], [sflag:$0x1], $0x80, s16, s28, $0xb8;
	[tilespmem:$0x1CC00] =	vst v63  }
0x241: {  	_ = 	snop  }
0x242: {  	[spmem:s3] =	stream.indirect.scatter.add.f32 [tilespmem:s29], [sflag:$0x1], $0x80, s17, s28, $0xb8;
	[tilespmem:$0x1CC00] =	vst v63  }
0x243: {  	_ = 	snop  }
0x244: {  	[spmem:s3] =	stream.indirect.scatter.add.f32 [tilespmem:s29], [sflag:$0x1], $0x80, s18, s28, $0xb8;
	[tilespmem:$0x1CC00] =	vst v63  }
0x245: {  	_ = 	snop  }
0x246: {  	[spmem:s3] =	stream.indirect.scatter.add.f32 [tilespmem:s29], [sflag:$0x1], $0x80, s19, s28, $0xb8;
	[tilespmem:$0x1CC00] =	vst v63  }
0x247: {  	_ = 	snop  }
0x248: {  	[spmem:s3] =	stream.indirect.scatter.add.f32 [tilespmem:s29], [sflag:$0x1], $0x80, s20, s28, $0xb8;
	[tilespmem:$0x1CC00] =	vst v63  }
0x249: {  	_ = 	snop  }
0x24a: {  	[spmem:s3] =	stream.indirect.scatter.add.f32 [tilespmem:s29], [sflag:$0x1], $0x80, s21, s28, $0xb8;
	[tilespmem:$0x1CC00] =	vst v63  }
0x24b: {  	_ = 	snop  }
0x24c: {  	[spmem:s3] =	stream.indirect.scatter.add.f32 [tilespmem:s29], [sflag:$0x1], $0x80, s5, s28, $0xb8;
	[tilespmem:$0x1CC00] =	vst v63  }
0x24d: {  	_ = 	snop  }
0x24e: {  	[spmem:s3] =	stream.indirect.scatter.add.f32 [tilespmem:s29], [sflag:$0x1], $0x80, s7, s28, $0xb8;
	[tilespmem:$0x1CC00] =	vst v63  }
0x24f: {  	_ =	swait.ge [sflag:s30], $0x4000  }
0x250: {  	[sflag:s30] =	ssyncset.done $0x0  }
0x251: {  	[sflag:s30] =	ssyncadd.s32 $0xFFFFC000  }
0x252: {  	_ =	swait.ge [sflag:s30], $0x4000  }
0x253: {  	[sflag:s30] =	ssyncset.done $0x0  }
0x254: {  	[sflag:s30] =	ssyncadd.s32 $0xFFFFC000  }
0x255: {  	_ =	swait.ge [sflag:s30], $0x4000  }
0x256: {  	[sflag:s30] =	ssyncset.done $0x0  }
0x257: {  	[sflag:s30] =	ssyncadd.s32 $0xFFFFC000  }
0x258: {  	_ =	swait.ge [sflag:s30], $0x4000  }
0x259: {  	[sflag:s30] =	ssyncset.done $0x0  }
0x25a: {  	[sflag:s30] =	ssyncadd.s32 $0xFFFFC000  }
0x25b: {  	_ =	swait.ge [sflag:s30], $0x4000  }
0x25c: {  	[sflag:s30] =	ssyncset.done $0x0  }
0x25d: {  	[sflag:s30] =	ssyncadd.s32 $0xFFFFC000  }
0x25e: {  	_ =	swait.ge [sflag:s30], $0x4000  }
0x25f: {  	[sflag:s30] =	ssyncset.done $0x0  }
0x260: {  	[sflag:s30] =	ssyncadd.s32 $0xFFFFC000  }
0x261: {  	_ =	swait.ge [sflag:s30], $0x4000  }
0x262: {  	[sflag:s30] =	ssyncset.done $0x0  }
0x263: {  	[sflag:s30] =	ssyncadd.s32 $0xFFFFC000  }
0x264: {  	_ =	swait.ge [sflag:s30], $0x4000  }
0x265: {  	[sflag:s30] =	ssyncset.done $0x0  }
0x266: {  	[sflag:s30] =	ssyncadd.s32 $0xFFFFC000  }
0x267: {  	_ =	swait.ge [sflag:s30], $0x4000  }
0x268: {  	[sflag:s30] =	ssyncset.done $0x0  }
0x269: {  	[sflag:s30] =	ssyncadd.s32 $0xFFFFC000  }
0x26a: {  	_ =	swait.ge [sflag:s30], $0x4000  }
0x26b: {  	[sflag:s30] =	ssyncset.done $0x0  }
0x26c: {  	[sflag:s30] =	ssyncadd.s32 $0xFFFFC000  }
0x26d: {  	_ =	swait.ge [sflag:s30], $0x4000  }
0x26e: {  	[sflag:s30] =	ssyncset.done $0x0  }
0x26f: {  	[sflag:s30] =	ssyncadd.s32 $0xFFFFC000  }
0x270: {  	_ =	swait.ge [sflag:s30], $0x4000  }
0x271: {  	[sflag:s30] =	ssyncset.done $0x0  }
0x272: {  	[sflag:s30] =	ssyncadd.s32 $0xFFFFC000  }
0x273: {  	_ =	swait.ge [sflag:s30], $0x4000  }
0x274: {  	[sflag:s30] =	ssyncset.done $0x0  }
0x275: {  	[sflag:s30] =	ssyncadd.s32 $0xFFFFC000  }
0x276: {  	_ =	swait.ge [sflag:s30], $0x4000  }
0x277: {  	[sflag:s30] =	ssyncset.done $0x0  }
0x278: {  	[sflag:s30] =	ssyncadd.s32 $0xFFFFC000  }
0x279: {  	_ =	swait.ge [sflag:s30], $0x4000  }
0x27a: {  	[sflag:s30] =	ssyncset.done $0x0  }
0x27b: {  	[sflag:s30] =	ssyncadd.s32 $0xFFFFC000  }
0x27c: {  	_ =	swait.ge [sflag:s30], $0x4000  }
0x27d: {  	s9 =	simm.s32 $0x100;
	s11 =	simm.s32 $0x200;
	[sflag:s30] =	ssyncset.done $0x0  }
.LBB2_4:
0x27e: {  	s8 =	sadd.s32 s9, s23  }
0x27f: {  	[sflag:s30] =	ssyncadd.s32 $0xFFFFC000;
	s9 =	smov.u32 s11;
	s10 =	sadd.s32 $0x100, s11  }
0x280: {  	[tilespmem:s26], [sflag:$0x3] =	stream.linear.gather [hbm4b:s8+s4], $0x800, $0x38;
	[tilespmem:$0x1CC00] =	vst v63  }
0x281: {  	p0 =	sne.s32 s11, $0x400;
	_ =	swait.ge [sflag:s25], $0x800  }
0x282: {  	[sflag:s25] =	ssyncset.done $0x0  }
0x283: {  	[sflag:s25] =	ssyncadd.s32 $0xFFFFF800  }
0x284: {  	[spmem:s3] =	stream.indirect.scatter.add.f32 [tilespmem:s29], [sflag:$0x1], $0x80, s26, s28, $0xb8;
	[tilespmem:$0x1CC00] =	vst v63  }
0x285: {  	_ = 	snop  }
0x286: {  	[spmem:s3] =	stream.indirect.scatter.add.f32 [tilespmem:s29], [sflag:$0x1], $0x80, s2, s28, $0xb8;
	[tilespmem:$0x1CC00] =	vst v63  }
0x287: {  	_ = 	snop  }
0x288: {  	[spmem:s3] =	stream.indirect.scatter.add.f32 [tilespmem:s29], [sflag:$0x1], $0x80, s0, s28, $0xb8;
	[tilespmem:$0x1CC00] =	vst v63  }
0x289: {  	_ = 	snop  }
0x28a: {  	[spmem:s3] =	stream.indirect.scatter.add.f32 [tilespmem:s29], [sflag:$0x1], $0x80, s6, s28, $0xb8;
	[tilespmem:$0x1CC00] =	vst v63  }
0x28b: {  	_ = 	snop  }
0x28c: {  	[spmem:s3] =	stream.indirect.scatter.add.f32 [tilespmem:s29], [sflag:$0x1], $0x80, s12, s28, $0xb8;
	[tilespmem:$0x1CC00] =	vst v63  }
0x28d: {  	_ = 	snop  }
0x28e: {  	[spmem:s3] =	stream.indirect.scatter.add.f32 [tilespmem:s29], [sflag:$0x1], $0x80, s13, s28, $0xb8;
	[tilespmem:$0x1CC00] =	vst v63  }
0x28f: {  	_ = 	snop  }
0x290: {  	[spmem:s3] =	stream.indirect.scatter.add.f32 [tilespmem:s29], [sflag:$0x1], $0x80, s14, s28, $0xb8;
	[tilespmem:$0x1CC00] =	vst v63  }
0x291: {  	_ = 	snop  }
0x292: {  	[spmem:s3] =	stream.indirect.scatter.add.f32 [tilespmem:s29], [sflag:$0x1], $0x80, s15, s28, $0xb8;
	[tilespmem:$0x1CC00] =	vst v63  }
0x293: {  	_ = 	snop  }
0x294: {  	[spmem:s3] =	stream.indirect.scatter.add.f32 [tilespmem:s29], [sflag:$0x1], $0x80, s16, s28, $0xb8;
	[tilespmem:$0x1CC00] =	vst v63  }
0x295: {  	_ = 	snop  }
0x296: {  	[spmem:s3] =	stream.indirect.scatter.add.f32 [tilespmem:s29], [sflag:$0x1], $0x80, s17, s28, $0xb8;
	[tilespmem:$0x1CC00] =	vst v63  }
0x297: {  	_ = 	snop  }
0x298: {  	[spmem:s3] =	stream.indirect.scatter.add.f32 [tilespmem:s29], [sflag:$0x1], $0x80, s18, s28, $0xb8;
	[tilespmem:$0x1CC00] =	vst v63  }
0x299: {  	_ = 	snop  }
0x29a: {  	[spmem:s3] =	stream.indirect.scatter.add.f32 [tilespmem:s29], [sflag:$0x1], $0x80, s19, s28, $0xb8;
	[tilespmem:$0x1CC00] =	vst v63  }
0x29b: {  	_ = 	snop  }
0x29c: {  	[spmem:s3] =	stream.indirect.scatter.add.f32 [tilespmem:s29], [sflag:$0x1], $0x80, s20, s28, $0xb8;
	[tilespmem:$0x1CC00] =	vst v63  }
0x29d: {  	_ = 	snop  }
0x29e: {  	[spmem:s3] =	stream.indirect.scatter.add.f32 [tilespmem:s29], [sflag:$0x1], $0x80, s21, s28, $0xb8;
	[tilespmem:$0x1CC00] =	vst v63  }
0x29f: {  	_ = 	snop  }
0x2a0: {  	[spmem:s3] =	stream.indirect.scatter.add.f32 [tilespmem:s29], [sflag:$0x1], $0x80, s5, s28, $0xb8;
	[tilespmem:$0x1CC00] =	vst v63  }
0x2a1: {  	_ = 	snop  }
0x2a2: {  	[spmem:s3] =	stream.indirect.scatter.add.f32 [tilespmem:s29], [sflag:$0x1], $0x80, s7, s28, $0xb8;
	[tilespmem:$0x1CC00] =	vst v63  }
0x2a3: {  	_ =	swait.ge [sflag:s30], $0x4000  }
0x2a4: {  	[sflag:s30] =	ssyncset.done $0x0  }
0x2a5: {  	[sflag:s30] =	ssyncadd.s32 $0xFFFFC000  }
0x2a6: {  	_ =	swait.ge [sflag:s30], $0x4000  }
0x2a7: {  	[sflag:s30] =	ssyncset.done $0x0  }
0x2a8: {  	[sflag:s30] =	ssyncadd.s32 $0xFFFFC000  }
0x2a9: {  	_ =	swait.ge [sflag:s30], $0x4000  }
0x2aa: {  	[sflag:s30] =	ssyncset.done $0x0  }
0x2ab: {  	[sflag:s30] =	ssyncadd.s32 $0xFFFFC000  }
0x2ac: {  	_ =	swait.ge [sflag:s30], $0x4000  }
0x2ad: {  	[sflag:s30] =	ssyncset.done $0x0  }
0x2ae: {  	[sflag:s30] =	ssyncadd.s32 $0xFFFFC000  }
0x2af: {  	_ =	swait.ge [sflag:s30], $0x4000  }
0x2b0: {  	[sflag:s30] =	ssyncset.done $0x0  }
0x2b1: {  	[sflag:s30] =	ssyncadd.s32 $0xFFFFC000  }
0x2b2: {  	_ =	swait.ge [sflag:s30], $0x4000  }
0x2b3: {  	[sflag:s30] =	ssyncset.done $0x0  }
0x2b4: {  	[sflag:s30] =	ssyncadd.s32 $0xFFFFC000  }
0x2b5: {  	_ =	swait.ge [sflag:s30], $0x4000  }
0x2b6: {  	[sflag:s30] =	ssyncset.done $0x0  }
0x2b7: {  	[sflag:s30] =	ssyncadd.s32 $0xFFFFC000  }
0x2b8: {  	_ =	swait.ge [sflag:s30], $0x4000  }
0x2b9: {  	[sflag:s30] =	ssyncset.done $0x0  }
0x2ba: {  	[sflag:s30] =	ssyncadd.s32 $0xFFFFC000  }
0x2bb: {  	_ =	swait.ge [sflag:s30], $0x4000  }
0x2bc: {  	[sflag:s30] =	ssyncset.done $0x0  }
0x2bd: {  	[sflag:s30] =	ssyncadd.s32 $0xFFFFC000  }
0x2be: {  	_ =	swait.ge [sflag:s30], $0x4000  }
0x2bf: {  	[sflag:s30] =	ssyncset.done $0x0  }
0x2c0: {  	[sflag:s30] =	ssyncadd.s32 $0xFFFFC000  }
0x2c1: {  	_ =	swait.ge [sflag:s30], $0x4000  }
0x2c2: {  	[sflag:s30] =	ssyncset.done $0x0  }
0x2c3: {  	[sflag:s30] =	ssyncadd.s32 $0xFFFFC000  }
0x2c4: {  	_ =	swait.ge [sflag:s30], $0x4000  }
0x2c5: {  	[sflag:s30] =	ssyncset.done $0x0  }
0x2c6: {  	[sflag:s30] =	ssyncadd.s32 $0xFFFFC000  }
0x2c7: {  	_ =	swait.ge [sflag:s30], $0x4000  }
0x2c8: {  	[sflag:s30] =	ssyncset.done $0x0  }
0x2c9: {  	[sflag:s30] =	ssyncadd.s32 $0xFFFFC000  }
0x2ca: {  	_ =	swait.ge [sflag:s30], $0x4000  }
0x2cb: {  	[sflag:s30] =	ssyncset.done $0x0  }
0x2cc: {  	[sflag:s30] =	ssyncadd.s32 $0xFFFFC000  }
.Ltmp1:
0x2cd: {  	_ =	swait.ge [sflag:s30], $0x4000;
	(pc) =	sbr.rel @p0 .LBB2_4-.Ltmp1, $4  }
0x2ce: {  	[sflag:s30] =	ssyncset.done $0x0  }
0x2cf: {  	[sflag:s30] =	ssyncadd.s32 $0xFFFFC000  }
0x2d0: {  	_ =	swait.ge [sflag:s30], $0x4000  }
0x2d1: {  	s11 =	smov.u32 s10;
	[sflag:s30] =	ssyncset.done $0x0  }
0x2d2: {  	s8 =	sadd.s32 s9, s23;
	[sflag:s30] =	ssyncadd.s32 $0xFFFFC000  }
0x2d3: {  	[tilespmem:s26], [sflag:$0x3] =	stream.linear.gather [hbm4b:s8+s4], $0x800, $0x38;
	[tilespmem:$0x1CC00] =	vst v63  }
0x2d4: {  	_ =	swait.ge [sflag:s25], $0x800  }
0x2d5: {  	[sflag:s25] =	ssyncset.done $0x0  }
0x2d6: {  	[sflag:s25] =	ssyncadd.s32 $0xFFFFF800  }
0x2d7: {  	[spmem:s3] =	stream.indirect.scatter.add.f32 [tilespmem:s29], [sflag:$0x1], $0x80, s26, s28, $0xb8;
	[tilespmem:$0x1CC00] =	vst v63  }
0x2d8: {  	_ = 	snop  }
0x2d9: {  	[spmem:s3] =	stream.indirect.scatter.add.f32 [tilespmem:s29], [sflag:$0x1], $0x80, s2, s28, $0xb8;
	[tilespmem:$0x1CC00] =	vst v63  }
0x2da: {  	_ = 	snop  }
0x2db: {  	[spmem:s3] =	stream.indirect.scatter.add.f32 [tilespmem:s29], [sflag:$0x1], $0x80, s0, s28, $0xb8;
	[tilespmem:$0x1CC00] =	vst v63  }
0x2dc: {  	_ = 	snop  }
0x2dd: {  	[spmem:s3] =	stream.indirect.scatter.add.f32 [tilespmem:s29], [sflag:$0x1], $0x80, s6, s28, $0xb8;
	[tilespmem:$0x1CC00] =	vst v63  }
0x2de: {  	_ = 	snop  }
0x2df: {  	[spmem:s3] =	stream.indirect.scatter.add.f32 [tilespmem:s29], [sflag:$0x1], $0x80, s12, s28, $0xb8;
	[tilespmem:$0x1CC00] =	vst v63  }
0x2e0: {  	_ = 	snop  }
0x2e1: {  	[spmem:s3] =	stream.indirect.scatter.add.f32 [tilespmem:s29], [sflag:$0x1], $0x80, s13, s28, $0xb8;
	[tilespmem:$0x1CC00] =	vst v63  }
0x2e2: {  	_ = 	snop  }
0x2e3: {  	[spmem:s3] =	stream.indirect.scatter.add.f32 [tilespmem:s29], [sflag:$0x1], $0x80, s14, s28, $0xb8;
	[tilespmem:$0x1CC00] =	vst v63  }
0x2e4: {  	_ = 	snop  }
0x2e5: {  	[spmem:s3] =	stream.indirect.scatter.add.f32 [tilespmem:s29], [sflag:$0x1], $0x80, s15, s28, $0xb8;
	[tilespmem:$0x1CC00] =	vst v63  }
0x2e6: {  	_ = 	snop  }
0x2e7: {  	[spmem:s3] =	stream.indirect.scatter.add.f32 [tilespmem:s29], [sflag:$0x1], $0x80, s16, s28, $0xb8;
	[tilespmem:$0x1CC00] =	vst v63  }
0x2e8: {  	_ = 	snop  }
0x2e9: {  	[spmem:s3] =	stream.indirect.scatter.add.f32 [tilespmem:s29], [sflag:$0x1], $0x80, s17, s28, $0xb8;
	[tilespmem:$0x1CC00] =	vst v63  }
0x2ea: {  	_ = 	snop  }
0x2eb: {  	[spmem:s3] =	stream.indirect.scatter.add.f32 [tilespmem:s29], [sflag:$0x1], $0x80, s18, s28, $0xb8;
	[tilespmem:$0x1CC00] =	vst v63  }
0x2ec: {  	_ = 	snop  }
0x2ed: {  	[spmem:s3] =	stream.indirect.scatter.add.f32 [tilespmem:s29], [sflag:$0x1], $0x80, s19, s28, $0xb8;
	[tilespmem:$0x1CC00] =	vst v63  }
0x2ee: {  	_ = 	snop  }
0x2ef: {  	[spmem:s3] =	stream.indirect.scatter.add.f32 [tilespmem:s29], [sflag:$0x1], $0x80, s20, s28, $0xb8;
	[tilespmem:$0x1CC00] =	vst v63  }
0x2f0: {  	_ = 	snop  }
0x2f1: {  	[spmem:s3] =	stream.indirect.scatter.add.f32 [tilespmem:s29], [sflag:$0x1], $0x80, s21, s28, $0xb8;
	[tilespmem:$0x1CC00] =	vst v63  }
0x2f2: {  	_ = 	snop  }
0x2f3: {  	[spmem:s3] =	stream.indirect.scatter.add.f32 [tilespmem:s29], [sflag:$0x1], $0x80, s5, s28, $0xb8;
	[tilespmem:$0x1CC00] =	vst v63  }
0x2f4: {  	_ = 	snop  }
0x2f5: {  	[spmem:s3] =	stream.indirect.scatter.add.f32 [tilespmem:s29], [sflag:$0x1], $0x80, s7, s28, $0xb8;
	[tilespmem:$0x1CC00] =	vst v63  }
0x2f6: {  	_ =	swait.ge [sflag:s30], $0x4000  }
0x2f7: {  	[sflag:s30] =	ssyncset.done $0x0  }
0x2f8: {  	[sflag:s30] =	ssyncadd.s32 $0xFFFFC000  }
0x2f9: {  	_ =	swait.ge [sflag:s30], $0x4000  }
0x2fa: {  	[sflag:s30] =	ssyncset.done $0x0  }
0x2fb: {  	[sflag:s30] =	ssyncadd.s32 $0xFFFFC000  }
0x2fc: {  	_ =	swait.ge [sflag:s30], $0x4000  }
0x2fd: {  	[sflag:s30] =	ssyncset.done $0x0  }
0x2fe: {  	[sflag:s30] =	ssyncadd.s32 $0xFFFFC000  }
0x2ff: {  	_ =	swait.ge [sflag:s30], $0x4000  }
0x300: {  	[sflag:s30] =	ssyncset.done $0x0  }
0x301: {  	[sflag:s30] =	ssyncadd.s32 $0xFFFFC000  }
0x302: {  	_ =	swait.ge [sflag:s30], $0x4000  }
0x303: {  	[sflag:s30] =	ssyncset.done $0x0  }
0x304: {  	[sflag:s30] =	ssyncadd.s32 $0xFFFFC000  }
0x305: {  	_ =	swait.ge [sflag:s30], $0x4000  }
0x306: {  	[sflag:s30] =	ssyncset.done $0x0  }
0x307: {  	[sflag:s30] =	ssyncadd.s32 $0xFFFFC000  }
0x308: {  	_ =	swait.ge [sflag:s30], $0x4000  }
0x309: {  	[sflag:s30] =	ssyncset.done $0x0  }
0x30a: {  	[sflag:s30] =	ssyncadd.s32 $0xFFFFC000  }
0x30b: {  	_ =	swait.ge [sflag:s30], $0x4000  }
0x30c: {  	[sflag:s30] =	ssyncset.done $0x0  }
0x30d: {  	[sflag:s30] =	ssyncadd.s32 $0xFFFFC000  }
0x30e: {  	_ =	swait.ge [sflag:s30], $0x4000  }
0x30f: {  	[sflag:s30] =	ssyncset.done $0x0  }
0x310: {  	[sflag:s30] =	ssyncadd.s32 $0xFFFFC000  }
0x311: {  	_ =	swait.ge [sflag:s30], $0x4000  }
0x312: {  	[sflag:s30] =	ssyncset.done $0x0  }
0x313: {  	[sflag:s30] =	ssyncadd.s32 $0xFFFFC000  }
0x314: {  	_ =	swait.ge [sflag:s30], $0x4000  }
0x315: {  	[sflag:s30] =	ssyncset.done $0x0  }
0x316: {  	[sflag:s30] =	ssyncadd.s32 $0xFFFFC000  }
0x317: {  	_ =	swait.ge [sflag:s30], $0x4000  }
0x318: {  	[sflag:s30] =	ssyncset.done $0x0  }
0x319: {  	[sflag:s30] =	ssyncadd.s32 $0xFFFFC000  }
0x31a: {  	_ =	swait.ge [sflag:s30], $0x4000  }
0x31b: {  	[sflag:s30] =	ssyncset.done $0x0  }
0x31c: {  	[sflag:s30] =	ssyncadd.s32 $0xFFFFC000  }
0x31d: {  	_ =	swait.ge [sflag:s30], $0x4000  }
0x31e: {  	[sflag:s30] =	ssyncset.done $0x0  }
0x31f: {  	[sflag:s30] =	ssyncadd.s32 $0xFFFFC000  }
0x320: {  	_ =	swait.ge [sflag:s30], $0x4000  }
0x321: {  	[sflag:s30] =	ssyncset.done $0x0  }
0x322: {  	[sflag:s30] =	ssyncadd.s32 $0xFFFFC000  }
0x323: {  	_ =	swait.ge [sflag:s30], $0x4000  }
0x324: {  	[sflag:s30] =	ssyncset.done $0x0  }
0x325: {  	[sflag:s30] =	ssyncadd.s32 $0xFFFFC000  }
0x326: {  	[bflag:$0x0] =	sbarrier.arrive $0xFFFF  }
0x327: {  	s9 =	rddreg [dreg:$0x15]  }
0x328: {  	[tilespmem:s24], [sflag:$0x3] =	stream.linear.gather [spmem:s9], $0x4000, $0x38;
	[tilespmem:$0x1CC00] =	vst v63  }
0x329: {  	_ =	swait.ge [sflag:s25], $0x4000  }
0x32a: {  	[sflag:s25] =	ssyncset.done $0x0  }
0x32b: {  	s10 =	rddreg [dreg:$0x1f];
	[sflag:s25] =	ssyncadd.s32 $0xFFFFC000  }
0x32c: {  	[hbm4b:s10+s4] =	stream.linear.scatter [tilespmem:s24], [sflag:$0x3], $0x4000, $0x38;
	[tilespmem:$0x1CC00] =	vst v63  }
0x32d: {  	_ =	swait.ge [sflag:s25], $0x4000  }
0x32e: {  	[sflag:s25] =	ssyncset.done $0x0  }
0x32f: {  	s10 =	rddreg [dreg:$0x16];
	[sflag:s25] =	ssyncadd.s32 $0xFFFFC000  }
0x330: {  	[tilespmem:s24], [sflag:$0x3] =	stream.linear.gather [spmem:s10], $0x4000, $0x38;
	[tilespmem:$0x1CC00] =	vst v63  }
0x331: {  	_ =	swait.ge [sflag:s25], $0x4000  }
0x332: {  	s11 =	sld [smem:$0x7F8]  }
0x333: {  	[sflag:s25] =	ssyncset.done $0x0  }
0x334: {  	[sflag:s25] =	ssyncadd.s32 $0xFFFFC000  }
0x335: {  	[hbm4b:s11+s4] =	stream.linear.scatter [tilespmem:s24], [sflag:$0x3], $0x4000, $0x38;
	[tilespmem:$0x1CC00] =	vst v63  }
0x336: {  	_ =	swait.ge [sflag:s25], $0x4000  }
0x337: {  	[sflag:s25] =	ssyncset.done $0x0  }
0x338: {  	s11 =	rddreg [dreg:$0x17];
	[sflag:s25] =	ssyncadd.s32 $0xFFFFC000  }
0x339: {  	[tilespmem:s24], [sflag:$0x3] =	stream.linear.gather [spmem:s11], $0x4000, $0x38;
	[tilespmem:$0x1CC00] =	vst v63  }
0x33a: {  	_ =	swait.ge [sflag:s25], $0x4000  }
0x33b: {  	s9 =	sld [smem:$0x7F9]  }
0x33c: {  	[sflag:s25] =	ssyncset.done $0x0  }
0x33d: {  	[sflag:s25] =	ssyncadd.s32 $0xFFFFC000  }
0x33e: {  	[hbm4b:s9+s4] =	stream.linear.scatter [tilespmem:s24], [sflag:$0x3], $0x4000, $0x38;
	[tilespmem:$0x1CC00] =	vst v63  }
0x33f: {  	_ =	swait.ge [sflag:s25], $0x4000  }
0x340: {  	[sflag:s25] =	ssyncset.done $0x0  }
0x341: {  	s9 =	rddreg [dreg:$0x18];
	[sflag:s25] =	ssyncadd.s32 $0xFFFFC000  }
0x342: {  	[tilespmem:s24], [sflag:$0x3] =	stream.linear.gather [spmem:s9], $0x4000, $0x38;
	[tilespmem:$0x1CC00] =	vst v63  }
0x343: {  	_ =	swait.ge [sflag:s25], $0x4000  }
0x344: {  	s9 =	sld [smem:$0x7FA]  }
0x345: {  	[sflag:s25] =	ssyncset.done $0x0  }
0x346: {  	[sflag:s25] =	ssyncadd.s32 $0xFFFFC000  }
0x347: {  	[hbm4b:s9+s4] =	stream.linear.scatter [tilespmem:s24], [sflag:$0x3], $0x4000, $0x38;
	[tilespmem:$0x1CC00] =	vst v63  }
0x348: {  	_ =	swait.ge [sflag:s25], $0x4000  }
0x349: {  	[sflag:s25] =	ssyncset.done $0x0  }
0x34a: {  	s9 =	rddreg [dreg:$0x19];
	[sflag:s25] =	ssyncadd.s32 $0xFFFFC000  }
0x34b: {  	[tilespmem:s24], [sflag:$0x3] =	stream.linear.gather [spmem:s9], $0x3C00, $0x38;
	[tilespmem:$0x1CC00] =	vst v63  }
0x34c: {  	_ =	swait.ge [sflag:s25], $0x3C00  }
0x34d: {  	s9 =	sld [smem:$0x7FB]  }
0x34e: {  	[sflag:s25] =	ssyncset.done $0x0  }
0x34f: {  	[sflag:s25] =	ssyncadd.s32 $0xFFFFC400  }
0x350: {  	[hbm4b:s9+s4] =	stream.linear.scatter [tilespmem:s24], [sflag:$0x3], $0x3C00, $0x38;
	[tilespmem:$0x1CC00] =	vst v63  }
0x351: {  	_ =	swait.ge [sflag:s25], $0x3C00  }
0x352: {  	s8 =	sld [smem:$0x7FD];
	_ =	sdelay $0x2  }
0x353: {  	s9 =	sadd.s32 $0x1, s8;
	s8 =	sld [smem:$0x7FC];
	_ =	sdelay $0x2  }
0x354: {  	p0 =	sne.s32 s9, s8  }
.Ltmp2:
0x355: {  	_ = 	snop;
	(pc) =	sbr.rel @p0 .LBB2_1-.Ltmp2, $3  }
0x356: {  	_ =	sdelay $0x1  }
0x357: {  	[sflag:s25] =	ssyncset.done $0x0;
	[smem:$0x7FD] =	sst s9  }
0x358: {  	[sflag:s25] =	ssyncadd.s32 $0xFFFFC400;
	s9 =	rddreg [dreg:$0x15]  }
0x359: {  	_ =	sfence.sel $0x180000  }
0x35a: {  	[bflag:$0x0] =	sbarrier.arrive $0xFFFF  }
0x35b: {  	_ =	strace $0x90000047  }
0x35c: {  	s0 =	stileid.u32;
	[bflag:$0x2] =	sbarrier.arrive $0xFFFF  }
0x35d: {  	p0 =	sne.s32 s0, $0x0;
	s0 =	rddreg [dreg:$0x4]  }
0x35e: {  	s0 =	sadd.s32 @!p0 $0x100000, s0  }
0x35f: {  	[sflag:s0] =	ssyncadd.tile.s32 @!p0 $0x1;
	_ =	shalt  }
.Lfunc_end2:
_tile_overlayer_lowered:
.L_overlay_start_2:
0x360: {  	(tag) =	ssettag $0x2  }
0x361: {  	s0 =	rddreg [dreg:$0x0];
	s2 =	stileid.u32  }
0x362: {  	s1 =	rddreg [dreg:$0x1];
	p0 =	sne.s32 s2, $0x0  }
0x363: {  	s3 =	rddreg [dreg:$0x2];
	[bflag:$0x3] =	sbarrier.arrive $0xFFFF;
	s2 =	simm.s32 @!p0 $0x1C03  }
0x364: {  	[timem:s3], [sflag:s2] =	dma.local @!p0 [hbm:s0], s1  }
0x365: {  	s0 =	simm.s32 @!p0 $0x3  }
0x366: {  	_ =	swait.ge @!p0 [sflag:s0], s1  }
0x367: {  	s1 =	ssub.s32 @!p0 $0x0, s1;
	[sflag:s0] =	ssyncset.done @!p0 $0x0  }
0x368: {  	[sflag:s0] =	ssyncadd.s32 @!p0 s1  }
0x369: {  	[bflag:$0x3] =	sbarrier.arrive $0xFFFF  }
0x36a: {  	_ =	shalt  }

</sc_bundles>
